<compile_context>
chip_gen: v7x
topology: tpu7x:2x2x1
jax: 0.10.2.dev20260603
libtpu: 0.0.44.dev20260713+nightly
codegen_flags: <defaults>
</compile_context>

<pallas_src>
import jax
import jax.numpy as jnp
from jax.experimental import pallas as pl

_IMG = 512.0
_CONF_T = 0.5
_IOU_T = 0.35
_NUM_PRED = 10
_NCLS = 81
_ROWS = 160
_LANES = 125

_NEG_INF = float("-inf")


def _nms_body(y_ref, o_ref):
    shape = (_ROWS, _LANES)

    conf = y_ref[0, :, 0, :]
    cls = jnp.zeros(shape, jnp.int32)
    for c in range(1, _NCLS):
        s = y_ref[0, :, c, :]
        gt = s > conf
        conf = jnp.where(gt, s, conf)
        cls = jnp.where(gt, c, cls)

    ocx = y_ref[0, :, 81, :]
    ocy = y_ref[0, :, 82, :]
    ow = y_ref[0, :, 83, :]
    oh = y_ref[0, :, 84, :]
    acx = y_ref[0, :, 85, :]
    acy = y_ref[0, :, 86, :]
    aw = y_ref[0, :, 87, :]
    ah = y_ref[0, :, 88, :]
    v0 = y_ref[0, :, 89, :]
    v1 = y_ref[0, :, 90, :]
    v2 = y_ref[0, :, 91, :]
    v3 = y_ref[0, :, 92, :]

    cx = ocx * v0 * aw + acx
    cy = ocy * v1 * ah + acy
    w = jnp.exp(ow * v2) * aw
    h = jnp.exp(oh * v3) * ah
    xmin = (cx - 0.5 * w) * _IMG
    ymin = (cy - 0.5 * h) * _IMG
    xmax = (cx + 0.5 * w) * _IMG
    ymax = (cy + 0.5 * h) * _IMG
    area = jnp.maximum(xmax - xmin, 0.0) * jnp.maximum(ymax - ymin, 0.0)

    valid = (cls != 0) & (conf >= _CONF_T)
    scores = jnp.where(valid, conf, _NEG_INF)
    clsf = cls.astype(jnp.float32)

    flat = (jax.lax.broadcasted_iota(jnp.int32, shape, 0) * _LANES
            + jax.lax.broadcasted_iota(jnp.int32, shape, 1))

    sub_i = jax.lax.broadcasted_iota(jnp.int32, (16, 128), 0)
    lane_i = jax.lax.broadcasted_iota(jnp.int32, (16, 128), 1)
    out_acc = jnp.zeros((16, 128), jnp.float32)

    for t in range(_NUM_PRED):
        m = jnp.max(scores)
        ok = m > _NEG_INF
        okf = jnp.where(ok, 1.0, 0.0).astype(jnp.float32)
        i = jnp.min(jnp.where(scores == m, flat, jnp.int32(2 ** 30)))
        sel = flat == i

        def ext(x):
            return jnp.sum(jnp.where(sel, x, 0.0))

        bcls = ext(clsf)
        bconf = ext(conf)
        bx1 = ext(xmin)
        by1 = ext(ymin)
        bx2 = ext(xmax)
        by2 = ext(ymax)

        row = (jnp.where(lane_i == 0, bcls, 0.0)
               + jnp.where(lane_i == 1, bconf, 0.0)
               + jnp.where(lane_i == 2, bx1, 0.0)
               + jnp.where(lane_i == 3, by1, 0.0)
               + jnp.where(lane_i == 4, bx2, 0.0)
               + jnp.where(lane_i == 5, by2, 0.0))
        out_acc = out_acc + okf * jnp.where(sub_i == t, row, 0.0)

        ix1 = jnp.maximum(xmin, bx1)
        iy1 = jnp.maximum(ymin, by1)
        ix2 = jnp.minimum(xmax, bx2)
        iy2 = jnp.minimum(ymax, by2)
        inter = jnp.maximum(ix2 - ix1, 0.0) * jnp.maximum(iy2 - iy1, 0.0)
        barea = (jnp.maximum(bx2 - bx1, 0.0) * jnp.maximum(by2 - by1, 0.0))
        iou = inter / jnp.maximum(area + barea - inter, 1e-8)
        supp = ((iou > _IOU_T) | sel) & ok
        scores = jnp.where(supp, _NEG_INF, scores)

    o_ref[0] = out_acc


def kernel(y_pred):
    b, n, d = y_pred.shape
    yt = jnp.transpose(y_pred.reshape(b, _ROWS, _LANES, d), (0, 1, 3, 2))
    out = pl.pallas_call(
        _nms_body,
        grid=(b,),
        in_specs=[pl.BlockSpec((1, _ROWS, d, _LANES),
                               lambda i: (i, 0, 0, 0))],
        out_specs=pl.BlockSpec((1, 16, 128), lambda i: (i, 0, 0)),
        out_shape=jax.ShapeDtypeStruct((b, 16, 128), jnp.float32),
    )(yt)
    return out[:, :_NUM_PRED, :6]

# --- scband reference (transcript-rebuilt; emitter-appended) ---
"""Pipeline reference for scband-decode-ssdpredictions-10436770529839 (READ-ONLY COPY).

The authoritative reference and input builder live on the scoring server;
editing this copy changes nothing except your own understanding.
"""

import jax, jax.numpy as jnp
import numpy as np

IMG_H = 512.0
IMG_W = 512.0
CONF_T = 0.5
IOU_T = 0.35
NUM_PRED = 10
BATCH = 8
NUM_BOXES = 20000
LAST_DIM = 93


def setup_inputs(seed: int = 0) -> dict:
    key = jax.random.key(seed)
    y_pred = jax.random.uniform(key, (BATCH, NUM_BOXES, LAST_DIM), dtype=jnp.float32)
    return {"y_pred": y_pred}


def _decode(y_pred):
    # y_pred[..., -12:-8] offsets, [..., -8:-4] anchors (cx,cy,w,h), [..., -4:] variances
    cx = y_pred[..., -12] * y_pred[..., -4] * y_pred[..., -6] + y_pred[..., -8]
    cy = y_pred[..., -11] * y_pred[..., -3] * y_pred[..., -5] + y_pred[..., -7]
    w = jnp.exp(y_pred[..., -10] * y_pred[..., -2]) * y_pred[..., -6]
    h = jnp.exp(y_pred[..., -9] * y_pred[..., -1]) * y_pred[..., -5]
    xmin = (cx - 0.5 * w) * IMG_W
    ymin = (cy - 0.5 * h) * IMG_H
    xmax = (cx + 0.5 * w) * IMG_W
    ymax = (cy + 0.5 * h) * IMG_H
    return jnp.stack([xmin, ymin, xmax, ymax], axis=-1)


def _iou(boxes, box):
    # boxes: [N, 4] (xmin, ymin, xmax, ymax); box: [4]
    ix1 = jnp.maximum(boxes[:, 0], box[0])
    iy1 = jnp.maximum(boxes[:, 1], box[1])
    ix2 = jnp.minimum(boxes[:, 2], box[2])
    iy2 = jnp.minimum(boxes[:, 3], box[3])
    iw = jnp.maximum(ix2 - ix1, 0.0)
    ih = jnp.maximum(iy2 - iy1, 0.0)
    inter = iw * ih
    a1 = jnp.maximum(boxes[:, 2] - boxes[:, 0], 0.0) * jnp.maximum(boxes[:, 3] - boxes[:, 1], 0.0)
    a2 = jnp.maximum(box[2] - box[0], 0.0) * jnp.maximum(box[3] - box[1], 0.0)
    return inter / jnp.maximum(a1 + a2 - inter, 1e-8)


def _nms_single(class_id, conf, boxes):
    # class_id: [N] int, conf: [N], boxes: [N, 4]
    n = conf.shape[0]
    valid = (class_id != 0) & (conf >= CONF_T)
    scores = jnp.where(valid, conf, -jnp.inf)
    idx_range = jnp.arange(n)
    rows = []
    for _ in range(NUM_PRED):
        i = jnp.argmax(scores)
        s = scores[i]
        ok = jnp.isfinite(s)
        okf = ok.astype(jnp.float32)
        b = boxes[i]
        row = jnp.concatenate([jnp.stack([class_id[i].astype(jnp.float32), conf[i]]), b]) * okf
        rows.append(row)
        ious = _iou(boxes, b)
        suppress = ((ious > IOU_T) | (idx_range == i)) & ok
        scores = jnp.where(suppress, -jnp.inf, scores)
    return jnp.stack(rows)  # [NUM_PRED, 6] = (class_id, conf, xmin, ymin, xmax, ymax)


def reference(y_pred):
    cls_scores = y_pred[..., :-12]
    class_id = jnp.argmax(cls_scores, axis=-1)
    conf = jnp.max(cls_scores, axis=-1)
    boxes = _decode(y_pred)
    return jax.vmap(_nms_single)(class_id, conf, boxes)  # [B, NUM_PRED, 6]

if __name__ == "__main__":
    import jax
    _d = setup_inputs()
    print(jax.jit(kernel)(*tuple(_d.values())))

</pallas_src>

<mosaic_0001>
module attributes {stable_mosaic.version = 14 : i64} {
  func.func @_nms_body(%arg0: i32, %arg1: memref<1x160x93x125xf32, #tpu.memory_space<vmem>>, %arg2: memref<1x16x128xf32, #tpu.memory_space<vmem>>) attributes {dimension_semantics = [#tpu.dimension_semantics<arbitrary>], iteration_bounds = array<i64: 8>, scalar_prefetch = 0 : i64, scratch_operands = 0 : i64, tpu.core_type = #tpu.core_type<tc>, window_params = [{transform_indices = @transform_0, window_bounds = array<i64: 1, 160, 93, 125>}, {transform_indices = @transform_1, window_bounds = array<i64: 1, 16, 128>}]} {
    %get3A = arith.constant 0 : index
    %get3A_0 = arith.constant 0 : index
    %get3A_1 = arith.constant 0 : index
    %get3A_2 = arith.constant 0 : index
    %get3A_3 = vector.load %arg1[%get3A, %get3A_0, %get3A_1, %get3A_2] : memref<1x160x93x125xf32, #tpu.memory_space<vmem>>, vector<1x160x1x125xf32>
    %get3A_4 = vector.shape_cast %get3A_3 : vector<1x160x1x125xf32> to vector<160x125xf32>
    %broadcast_in_dim3A = arith.constant 0 : i32
    %broadcast_in_dim3A_5 = vector.broadcast %broadcast_in_dim3A : i32 to vector<160x125xi32>
    %get3A_6 = arith.constant 0 : index
    %get3A_7 = arith.constant 0 : index
    %get3A_8 = arith.constant 1 : index
    %get3A_9 = arith.constant 0 : index
    %get3A_10 = vector.load %arg1[%get3A_6, %get3A_7, %get3A_8, %get3A_9] : memref<1x160x93x125xf32, #tpu.memory_space<vmem>>, vector<1x160x1x125xf32>
    %get3A_11 = vector.shape_cast %get3A_10 : vector<1x160x1x125xf32> to vector<160x125xf32>
    %gt3A = arith.cmpf ogt, %get3A_11, %get3A_4 : vector<160x125xf32>
    %select_n3A = arith.select %gt3A, %get3A_11, %get3A_4 : vector<160x125xi1>, vector<160x125xf32>
    %jit3A = arith.constant 1 : i32
    %broadcast_in_dim3A_12 = vector.broadcast %jit3A : i32 to vector<160x125xi32>
    %select_n3A_13 = arith.select %gt3A, %broadcast_in_dim3A_12, %broadcast_in_dim3A_5 : vector<160x125xi1>, vector<160x125xi32>
    %get3A_14 = arith.constant 0 : index
    %get3A_15 = arith.constant 0 : index
    %get3A_16 = arith.constant 2 : index
    %get3A_17 = arith.constant 0 : index
    %get3A_18 = vector.load %arg1[%get3A_14, %get3A_15, %get3A_16, %get3A_17] : memref<1x160x93x125xf32, #tpu.memory_space<vmem>>, vector<1x160x1x125xf32>
    %get3A_19 = vector.shape_cast %get3A_18 : vector<1x160x1x125xf32> to vector<160x125xf32>
    %gt3A_20 = arith.cmpf ogt, %get3A_19, %select_n3A : vector<160x125xf32>
    %select_n3A_21 = arith.select %gt3A_20, %get3A_19, %select_n3A : vector<160x125xi1>, vector<160x125xf32>
    %jit3A_22 = arith.constant 2 : i32
    %broadcast_in_dim3A_23 = vector.broadcast %jit3A_22 : i32 to vector<160x125xi32>
    %select_n3A_24 = arith.select %gt3A_20, %broadcast_in_dim3A_23, %select_n3A_13 : vector<160x125xi1>, vector<160x125xi32>
    %get3A_25 = arith.constant 0 : index
    %get3A_26 = arith.constant 0 : index
    %get3A_27 = arith.constant 3 : index
    %get3A_28 = arith.constant 0 : index
    %get3A_29 = vector.load %arg1[%get3A_25, %get3A_26, %get3A_27, %get3A_28] : memref<1x160x93x125xf32, #tpu.memory_space<vmem>>, vector<1x160x1x125xf32>
    %get3A_30 = vector.shape_cast %get3A_29 : vector<1x160x1x125xf32> to vector<160x125xf32>
    %gt3A_31 = arith.cmpf ogt, %get3A_30, %select_n3A_21 : vector<160x125xf32>
    %select_n3A_32 = arith.select %gt3A_31, %get3A_30, %select_n3A_21 : vector<160x125xi1>, vector<160x125xf32>
    %jit3A_33 = arith.constant 3 : i32
    %broadcast_in_dim3A_34 = vector.broadcast %jit3A_33 : i32 to vector<160x125xi32>
    %select_n3A_35 = arith.select %gt3A_31, %broadcast_in_dim3A_34, %select_n3A_24 : vector<160x125xi1>, vector<160x125xi32>
    %get3A_36 = arith.constant 0 : index
    %get3A_37 = arith.constant 0 : index
    %get3A_38 = arith.constant 4 : index
    %get3A_39 = arith.constant 0 : index
    %get3A_40 = vector.load %arg1[%get3A_36, %get3A_37, %get3A_38, %get3A_39] : memref<1x160x93x125xf32, #tpu.memory_space<vmem>>, vector<1x160x1x125xf32>
    %get3A_41 = vector.shape_cast %get3A_40 : vector<1x160x1x125xf32> to vector<160x125xf32>
    %gt3A_42 = arith.cmpf ogt, %get3A_41, %select_n3A_32 : vector<160x125xf32>
    %select_n3A_43 = arith.select %gt3A_42, %get3A_41, %select_n3A_32 : vector<160x125xi1>, vector<160x125xf32>
    %jit3A_44 = arith.constant 4 : i32
    %broadcast_in_dim3A_45 = vector.broadcast %jit3A_44 : i32 to vector<160x125xi32>
    %select_n3A_46 = arith.select %gt3A_42, %broadcast_in_dim3A_45, %select_n3A_35 : vector<160x125xi1>, vector<160x125xi32>
    %get3A_47 = arith.constant 0 : index
    %get3A_48 = arith.constant 0 : index
    %get3A_49 = arith.constant 5 : index
    %get3A_50 = arith.constant 0 : index
    %get3A_51 = vector.load %arg1[%get3A_47, %get3A_48, %get3A_49, %get3A_50] : memref<1x160x93x125xf32, #tpu.memory_space<vmem>>, vector<1x160x1x125xf32>
    %get3A_52 = vector.shape_cast %get3A_51 : vector<1x160x1x125xf32> to vector<160x125xf32>
    %gt3A_53 = arith.cmpf ogt, %get3A_52, %select_n3A_43 : vector<160x125xf32>
    %select_n3A_54 = arith.select %gt3A_53, %get3A_52, %select_n3A_43 : vector<160x125xi1>, vector<160x125xf32>
    %jit3A_55 = arith.constant 5 : i32
    %broadcast_in_dim3A_56 = vector.broadcast %jit3A_55 : i32 to vector<160x125xi32>
    %select_n3A_57 = arith.select %gt3A_53, %broadcast_in_dim3A_56, %select_n3A_46 : vector<160x125xi1>, vector<160x125xi32>
    %get3A_58 = arith.constant 0 : index
    %get3A_59 = arith.constant 0 : index
    %get3A_60 = arith.constant 6 : index
    %get3A_61 = arith.constant 0 : index
    %get3A_62 = vector.load %arg1[%get3A_58, %get3A_59, %get3A_60, %get3A_61] : memref<1x160x93x125xf32, #tpu.memory_space<vmem>>, vector<1x160x1x125xf32>
    %get3A_63 = vector.shape_cast %get3A_62 : vector<1x160x1x125xf32> to vector<160x125xf32>
    %gt3A_64 = arith.cmpf ogt, %get3A_63, %select_n3A_54 : vector<160x125xf32>
    %select_n3A_65 = arith.select %gt3A_64, %get3A_63, %select_n3A_54 : vector<160x125xi1>, vector<160x125xf32>
    %jit3A_66 = arith.constant 6 : i32
    %broadcast_in_dim3A_67 = vector.broadcast %jit3A_66 : i32 to vector<160x125xi32>
    %select_n3A_68 = arith.select %gt3A_64, %broadcast_in_dim3A_67, %select_n3A_57 : vector<160x125xi1>, vector<160x125xi32>
    %get3A_69 = arith.constant 0 : index
    %get3A_70 = arith.constant 0 : index
    %get3A_71 = arith.constant 7 : index
    %get3A_72 = arith.constant 0 : index
    %get3A_73 = vector.load %arg1[%get3A_69, %get3A_70, %get3A_71, %get3A_72] : memref<1x160x93x125xf32, #tpu.memory_space<vmem>>, vector<1x160x1x125xf32>
    %get3A_74 = vector.shape_cast %get3A_73 : vector<1x160x1x125xf32> to vector<160x125xf32>
    %gt3A_75 = arith.cmpf ogt, %get3A_74, %select_n3A_65 : vector<160x125xf32>
    %select_n3A_76 = arith.select %gt3A_75, %get3A_74, %select_n3A_65 : vector<160x125xi1>, vector<160x125xf32>
    %jit3A_77 = arith.constant 7 : i32
    %broadcast_in_dim3A_78 = vector.broadcast %jit3A_77 : i32 to vector<160x125xi32>
    %select_n3A_79 = arith.select %gt3A_75, %broadcast_in_dim3A_78, %select_n3A_68 : vector<160x125xi1>, vector<160x125xi32>
    %get3A_80 = arith.constant 0 : index
    %get3A_81 = arith.constant 0 : index
    %get3A_82 = arith.constant 8 : index
    %get3A_83 = arith.constant 0 : index
    %get3A_84 = vector.load %arg1[%get3A_80, %get3A_81, %get3A_82, %get3A_83] : memref<1x160x93x125xf32, #tpu.memory_space<vmem>>, vector<1x160x1x125xf32>
    %get3A_85 = vector.shape_cast %get3A_84 : vector<1x160x1x125xf32> to vector<160x125xf32>
    %gt3A_86 = arith.cmpf ogt, %get3A_85, %select_n3A_76 : vector<160x125xf32>
    %select_n3A_87 = arith.select %gt3A_86, %get3A_85, %select_n3A_76 : vector<160x125xi1>, vector<160x125xf32>
    %jit3A_88 = arith.constant 8 : i32
    %broadcast_in_dim3A_89 = vector.broadcast %jit3A_88 : i32 to vector<160x125xi32>
    %select_n3A_90 = arith.select %gt3A_86, %broadcast_in_dim3A_89, %select_n3A_79 : vector<160x125xi1>, vector<160x125xi32>
    %get3A_91 = arith.constant 0 : index
    %get3A_92 = arith.constant 0 : index
    %get3A_93 = arith.constant 9 : index
    %get3A_94 = arith.constant 0 : index
    %get3A_95 = vector.load %arg1[%get3A_91, %get3A_92, %get3A_93, %get3A_94] : memref<1x160x93x125xf32, #tpu.memory_space<vmem>>, vector<1x160x1x125xf32>
    %get3A_96 = vector.shape_cast %get3A_95 : vector<1x160x1x125xf32> to vector<160x125xf32>
    %gt3A_97 = arith.cmpf ogt, %get3A_96, %select_n3A_87 : vector<160x125xf32>
    %select_n3A_98 = arith.select %gt3A_97, %get3A_96, %select_n3A_87 : vector<160x125xi1>, vector<160x125xf32>
    %jit3A_99 = arith.constant 9 : i32
    %broadcast_in_dim3A_100 = vector.broadcast %jit3A_99 : i32 to vector<160x125xi32>
    %select_n3A_101 = arith.select %gt3A_97, %broadcast_in_dim3A_100, %select_n3A_90 : vector<160x125xi1>, vector<160x125xi32>
    %get3A_102 = arith.constant 0 : index
    %get3A_103 = arith.constant 0 : index
    %get3A_104 = arith.constant 10 : index
    %get3A_105 = arith.constant 0 : index
    %get3A_106 = vector.load %arg1[%get3A_102, %get3A_103, %get3A_104, %get3A_105] : memref<1x160x93x125xf32, #tpu.memory_space<vmem>>, vector<1x160x1x125xf32>
    %get3A_107 = vector.shape_cast %get3A_106 : vector<1x160x1x125xf32> to vector<160x125xf32>
    %gt3A_108 = arith.cmpf ogt, %get3A_107, %select_n3A_98 : vector<160x125xf32>
    %select_n3A_109 = arith.select %gt3A_108, %get3A_107, %select_n3A_98 : vector<160x125xi1>, vector<160x125xf32>
    %jit3A_110 = arith.constant 10 : i32
    %broadcast_in_dim3A_111 = vector.broadcast %jit3A_110 : i32 to vector<160x125xi32>
    %select_n3A_112 = arith.select %gt3A_108, %broadcast_in_dim3A_111, %select_n3A_101 : vector<160x125xi1>, vector<160x125xi32>
    %get3A_113 = arith.constant 0 : index
    %get3A_114 = arith.constant 0 : index
    %get3A_115 = arith.constant 11 : index
    %get3A_116 = arith.constant 0 : index
    %get3A_117 = vector.load %arg1[%get3A_113, %get3A_114, %get3A_115, %get3A_116] : memref<1x160x93x125xf32, #tpu.memory_space<vmem>>, vector<1x160x1x125xf32>
    %get3A_118 = vector.shape_cast %get3A_117 : vector<1x160x1x125xf32> to vector<160x125xf32>
    %gt3A_119 = arith.cmpf ogt, %get3A_118, %select_n3A_109 : vector<160x125xf32>
    %select_n3A_120 = arith.select %gt3A_119, %get3A_118, %select_n3A_109 : vector<160x125xi1>, vector<160x125xf32>
    %jit3A_121 = arith.constant 11 : i32
    %broadcast_in_dim3A_122 = vector.broadcast %jit3A_121 : i32 to vector<160x125xi32>
    %select_n3A_123 = arith.select %gt3A_119, %broadcast_in_dim3A_122, %select_n3A_112 : vector<160x125xi1>, vector<160x125xi32>
    %get3A_124 = arith.constant 0 : index
    %get3A_125 = arith.constant 0 : index
    %get3A_126 = arith.constant 12 : index
    %get3A_127 = arith.constant 0 : index
    %get3A_128 = vector.load %arg1[%get3A_124, %get3A_125, %get3A_126, %get3A_127] : memref<1x160x93x125xf32, #tpu.memory_space<vmem>>, vector<1x160x1x125xf32>
    %get3A_129 = vector.shape_cast %get3A_128 : vector<1x160x1x125xf32> to vector<160x125xf32>
    %gt3A_130 = arith.cmpf ogt, %get3A_129, %select_n3A_120 : vector<160x125xf32>
    %select_n3A_131 = arith.select %gt3A_130, %get3A_129, %select_n3A_120 : vector<160x125xi1>, vector<160x125xf32>
    %jit3A_132 = arith.constant 12 : i32
    %broadcast_in_dim3A_133 = vector.broadcast %jit3A_132 : i32 to vector<160x125xi32>
    %select_n3A_134 = arith.select %gt3A_130, %broadcast_in_dim3A_133, %select_n3A_123 : vector<160x125xi1>, vector<160x125xi32>
    %get3A_135 = arith.constant 0 : index
    %get3A_136 = arith.constant 0 : index
    %get3A_137 = arith.constant 13 : index
    %get3A_138 = arith.constant 0 : index
    %get3A_139 = vector.load %arg1[%get3A_135, %get3A_136, %get3A_137, %get3A_138] : memref<1x160x93x125xf32, #tpu.memory_space<vmem>>, vector<1x160x1x125xf32>
    %get3A_140 = vector.shape_cast %get3A_139 : vector<1x160x1x125xf32> to vector<160x125xf32>
    %gt3A_141 = arith.cmpf ogt, %get3A_140, %select_n3A_131 : vector<160x125xf32>
    %select_n3A_142 = arith.select %gt3A_141, %get3A_140, %select_n3A_131 : vector<160x125xi1>, vector<160x125xf32>
    %jit3A_143 = arith.constant 13 : i32
    %broadcast_in_dim3A_144 = vector.broadcast %jit3A_143 : i32 to vector<160x125xi32>
    %select_n3A_145 = arith.select %gt3A_141, %broadcast_in_dim3A_144, %select_n3A_134 : vector<160x125xi1>, vector<160x125xi32>
    %get3A_146 = arith.constant 0 : index
    %get3A_147 = arith.constant 0 : index
    %get3A_148 = arith.constant 14 : index
    %get3A_149 = arith.constant 0 : index
    %get3A_150 = vector.load %arg1[%get3A_146, %get3A_147, %get3A_148, %get3A_149] : memref<1x160x93x125xf32, #tpu.memory_space<vmem>>, vector<1x160x1x125xf32>
    %get3A_151 = vector.shape_cast %get3A_150 : vector<1x160x1x125xf32> to vector<160x125xf32>
    %gt3A_152 = arith.cmpf ogt, %get3A_151, %select_n3A_142 : vector<160x125xf32>
    %select_n3A_153 = arith.select %gt3A_152, %get3A_151, %select_n3A_142 : vector<160x125xi1>, vector<160x125xf32>
    %jit3A_154 = arith.constant 14 : i32
    %broadcast_in_dim3A_155 = vector.broadcast %jit3A_154 : i32 to vector<160x125xi32>
    %select_n3A_156 = arith.select %gt3A_152, %broadcast_in_dim3A_155, %select_n3A_145 : vector<160x125xi1>, vector<160x125xi32>
    %get3A_157 = arith.constant 0 : index
    %get3A_158 = arith.constant 0 : index
    %get3A_159 = arith.constant 15 : index
    %get3A_160 = arith.constant 0 : index
    %get3A_161 = vector.load %arg1[%get3A_157, %get3A_158, %get3A_159, %get3A_160] : memref<1x160x93x125xf32, #tpu.memory_space<vmem>>, vector<1x160x1x125xf32>
    %get3A_162 = vector.shape_cast %get3A_161 : vector<1x160x1x125xf32> to vector<160x125xf32>
    %gt3A_163 = arith.cmpf ogt, %get3A_162, %select_n3A_153 : vector<160x125xf32>
    %select_n3A_164 = arith.select %gt3A_163, %get3A_162, %select_n3A_153 : vector<160x125xi1>, vector<160x125xf32>
    %jit3A_165 = arith.constant 15 : i32
    %broadcast_in_dim3A_166 = vector.broadcast %jit3A_165 : i32 to vector<160x125xi32>
    %select_n3A_167 = arith.select %gt3A_163, %broadcast_in_dim3A_166, %select_n3A_156 : vector<160x125xi1>, vector<160x125xi32>
    %get3A_168 = arith.constant 0 : index
    %get3A_169 = arith.constant 0 : index
    %get3A_170 = arith.constant 16 : index
    %get3A_171 = arith.constant 0 : index
    %get3A_172 = vector.load %arg1[%get3A_168, %get3A_169, %get3A_170, %get3A_171] : memref<1x160x93x125xf32, #tpu.memory_space<vmem>>, vector<1x160x1x125xf32>
    %get3A_173 = vector.shape_cast %get3A_172 : vector<1x160x1x125xf32> to vector<160x125xf32>
    %gt3A_174 = arith.cmpf ogt, %get3A_173, %select_n3A_164 : vector<160x125xf32>
    %select_n3A_175 = arith.select %gt3A_174, %get3A_173, %select_n3A_164 : vector<160x125xi1>, vector<160x125xf32>
    %jit3A_176 = arith.constant 16 : i32
    %broadcast_in_dim3A_177 = vector.broadcast %jit3A_176 : i32 to vector<160x125xi32>
    %select_n3A_178 = arith.select %gt3A_174, %broadcast_in_dim3A_177, %select_n3A_167 : vector<160x125xi1>, vector<160x125xi32>
    %get3A_179 = arith.constant 0 : index
    %get3A_180 = arith.constant 0 : index
    %get3A_181 = arith.constant 17 : index
    %get3A_182 = arith.constant 0 : index
    %get3A_183 = vector.load %arg1[%get3A_179, %get3A_180, %get3A_181, %get3A_182] : memref<1x160x93x125xf32, #tpu.memory_space<vmem>>, vector<1x160x1x125xf32>
    %get3A_184 = vector.shape_cast %get3A_183 : vector<1x160x1x125xf32> to vector<160x125xf32>
    %gt3A_185 = arith.cmpf ogt, %get3A_184, %select_n3A_175 : vector<160x125xf32>
    %select_n3A_186 = arith.select %gt3A_185, %get3A_184, %select_n3A_175 : vector<160x125xi1>, vector<160x125xf32>
    %jit3A_187 = arith.constant 17 : i32
    %broadcast_in_dim3A_188 = vector.broadcast %jit3A_187 : i32 to vector<160x125xi32>
    %select_n3A_189 = arith.select %gt3A_185, %broadcast_in_dim3A_188, %select_n3A_178 : vector<160x125xi1>, vector<160x125xi32>
    %get3A_190 = arith.constant 0 : index
    %get3A_191 = arith.constant 0 : index
    %get3A_192 = arith.constant 18 : index
    %get3A_193 = arith.constant 0 : index
    %get3A_194 = vector.load %arg1[%get3A_190, %get3A_191, %get3A_192, %get3A_193] : memref<1x160x93x125xf32, #tpu.memory_space<vmem>>, vector<1x160x1x125xf32>
    %get3A_195 = vector.shape_cast %get3A_194 : vector<1x160x1x125xf32> to vector<160x125xf32>
    %gt3A_196 = arith.cmpf ogt, %get3A_195, %select_n3A_186 : vector<160x125xf32>
    %select_n3A_197 = arith.select %gt3A_196, %get3A_195, %select_n3A_186 : vector<160x125xi1>, vector<160x125xf32>
    %jit3A_198 = arith.constant 18 : i32
    %broadcast_in_dim3A_199 = vector.broadcast %jit3A_198 : i32 to vector<160x125xi32>
    %select_n3A_200 = arith.select %gt3A_196, %broadcast_in_dim3A_199, %select_n3A_189 : vector<160x125xi1>, vector<160x125xi32>
    %get3A_201 = arith.constant 0 : index
    %get3A_202 = arith.constant 0 : index
    %get3A_203 = arith.constant 19 : index
    %get3A_204 = arith.constant 0 : index
    %get3A_205 = vector.load %arg1[%get3A_201, %get3A_202, %get3A_203, %get3A_204] : memref<1x160x93x125xf32, #tpu.memory_space<vmem>>, vector<1x160x1x125xf32>
    %get3A_206 = vector.shape_cast %get3A_205 : vector<1x160x1x125xf32> to vector<160x125xf32>
    %gt3A_207 = arith.cmpf ogt, %get3A_206, %select_n3A_197 : vector<160x125xf32>
    %select_n3A_208 = arith.select %gt3A_207, %get3A_206, %select_n3A_197 : vector<160x125xi1>, vector<160x125xf32>
    %jit3A_209 = arith.constant 19 : i32
    %broadcast_in_dim3A_210 = vector.broadcast %jit3A_209 : i32 to vector<160x125xi32>
    %select_n3A_211 = arith.select %gt3A_207, %broadcast_in_dim3A_210, %select_n3A_200 : vector<160x125xi1>, vector<160x125xi32>
    %get3A_212 = arith.constant 0 : index
    %get3A_213 = arith.constant 0 : index
    %get3A_214 = arith.constant 20 : index
    %get3A_215 = arith.constant 0 : index
    %get3A_216 = vector.load %arg1[%get3A_212, %get3A_213, %get3A_214, %get3A_215] : memref<1x160x93x125xf32, #tpu.memory_space<vmem>>, vector<1x160x1x125xf32>
    %get3A_217 = vector.shape_cast %get3A_216 : vector<1x160x1x125xf32> to vector<160x125xf32>
    %gt3A_218 = arith.cmpf ogt, %get3A_217, %select_n3A_208 : vector<160x125xf32>
    %select_n3A_219 = arith.select %gt3A_218, %get3A_217, %select_n3A_208 : vector<160x125xi1>, vector<160x125xf32>
    %jit3A_220 = arith.constant 20 : i32
    %broadcast_in_dim3A_221 = vector.broadcast %jit3A_220 : i32 to vector<160x125xi32>
    %select_n3A_222 = arith.select %gt3A_218, %broadcast_in_dim3A_221, %select_n3A_211 : vector<160x125xi1>, vector<160x125xi32>
    %get3A_223 = arith.constant 0 : index
    %get3A_224 = arith.constant 0 : index
    %get3A_225 = arith.constant 21 : index
    %get3A_226 = arith.constant 0 : index
    %get3A_227 = vector.load %arg1[%get3A_223, %get3A_224, %get3A_225, %get3A_226] : memref<1x160x93x125xf32, #tpu.memory_space<vmem>>, vector<1x160x1x125xf32>
    %get3A_228 = vector.shape_cast %get3A_227 : vector<1x160x1x125xf32> to vector<160x125xf32>
    %gt3A_229 = arith.cmpf ogt, %get3A_228, %select_n3A_219 : vector<160x125xf32>
    %select_n3A_230 = arith.select %gt3A_229, %get3A_228, %select_n3A_219 : vector<160x125xi1>, vector<160x125xf32>
    %jit3A_231 = arith.constant 21 : i32
    %broadcast_in_dim3A_232 = vector.broadcast %jit3A_231 : i32 to vector<160x125xi32>
    %select_n3A_233 = arith.select %gt3A_229, %broadcast_in_dim3A_232, %select_n3A_222 : vector<160x125xi1>, vector<160x125xi32>
    %get3A_234 = arith.constant 0 : index
    %get3A_235 = arith.constant 0 : index
    %get3A_236 = arith.constant 22 : index
    %get3A_237 = arith.constant 0 : index
    %get3A_238 = vector.load %arg1[%get3A_234, %get3A_235, %get3A_236, %get3A_237] : memref<1x160x93x125xf32, #tpu.memory_space<vmem>>, vector<1x160x1x125xf32>
    %get3A_239 = vector.shape_cast %get3A_238 : vector<1x160x1x125xf32> to vector<160x125xf32>
    %gt3A_240 = arith.cmpf ogt, %get3A_239, %select_n3A_230 : vector<160x125xf32>
    %select_n3A_241 = arith.select %gt3A_240, %get3A_239, %select_n3A_230 : vector<160x125xi1>, vector<160x125xf32>
    %jit3A_242 = arith.constant 22 : i32
    %broadcast_in_dim3A_243 = vector.broadcast %jit3A_242 : i32 to vector<160x125xi32>
    %select_n3A_244 = arith.select %gt3A_240, %broadcast_in_dim3A_243, %select_n3A_233 : vector<160x125xi1>, vector<160x125xi32>
    %get3A_245 = arith.constant 0 : index
    %get3A_246 = arith.constant 0 : index
    %get3A_247 = arith.constant 23 : index
    %get3A_248 = arith.constant 0 : index
    %get3A_249 = vector.load %arg1[%get3A_245, %get3A_246, %get3A_247, %get3A_248] : memref<1x160x93x125xf32, #tpu.memory_space<vmem>>, vector<1x160x1x125xf32>
    %get3A_250 = vector.shape_cast %get3A_249 : vector<1x160x1x125xf32> to vector<160x125xf32>
    %gt3A_251 = arith.cmpf ogt, %get3A_250, %select_n3A_241 : vector<160x125xf32>
    %select_n3A_252 = arith.select %gt3A_251, %get3A_250, %select_n3A_241 : vector<160x125xi1>, vector<160x125xf32>
    %jit3A_253 = arith.constant 23 : i32
    %broadcast_in_dim3A_254 = vector.broadcast %jit3A_253 : i32 to vector<160x125xi32>
    %select_n3A_255 = arith.select %gt3A_251, %broadcast_in_dim3A_254, %select_n3A_244 : vector<160x125xi1>, vector<160x125xi32>
    %get3A_256 = arith.constant 0 : index
    %get3A_257 = arith.constant 0 : index
    %get3A_258 = arith.constant 24 : index
    %get3A_259 = arith.constant 0 : index
    %get3A_260 = vector.load %arg1[%get3A_256, %get3A_257, %get3A_258, %get3A_259] : memref<1x160x93x125xf32, #tpu.memory_space<vmem>>, vector<1x160x1x125xf32>
    %get3A_261 = vector.shape_cast %get3A_260 : vector<1x160x1x125xf32> to vector<160x125xf32>
    %gt3A_262 = arith.cmpf ogt, %get3A_261, %select_n3A_252 : vector<160x125xf32>
    %select_n3A_263 = arith.select %gt3A_262, %get3A_261, %select_n3A_252 : vector<160x125xi1>, vector<160x125xf32>
    %jit3A_264 = arith.constant 24 : i32
    %broadcast_in_dim3A_265 = vector.broadcast %jit3A_264 : i32 to vector<160x125xi32>
    %select_n3A_266 = arith.select %gt3A_262, %broadcast_in_dim3A_265, %select_n3A_255 : vector<160x125xi1>, vector<160x125xi32>
    %get3A_267 = arith.constant 0 : index
    %get3A_268 = arith.constant 0 : index
    %get3A_269 = arith.constant 25 : index
    %get3A_270 = arith.constant 0 : index
    %get3A_271 = vector.load %arg1[%get3A_267, %get3A_268, %get3A_269, %get3A_270] : memref<1x160x93x125xf32, #tpu.memory_space<vmem>>, vector<1x160x1x125xf32>
    %get3A_272 = vector.shape_cast %get3A_271 : vector<1x160x1x125xf32> to vector<160x125xf32>
    %gt3A_273 = arith.cmpf ogt, %get3A_272, %select_n3A_263 : vector<160x125xf32>
    %select_n3A_274 = arith.select %gt3A_273, %get3A_272, %select_n3A_263 : vector<160x125xi1>, vector<160x125xf32>
    %jit3A_275 = arith.constant 25 : i32
    %broadcast_in_dim3A_276 = vector.broadcast %jit3A_275 : i32 to vector<160x125xi32>
    %select_n3A_277 = arith.select %gt3A_273, %broadcast_in_dim3A_276, %select_n3A_266 : vector<160x125xi1>, vector<160x125xi32>
    %get3A_278 = arith.constant 0 : index
    %get3A_279 = arith.constant 0 : index
    %get3A_280 = arith.constant 26 : index
    %get3A_281 = arith.constant 0 : index
    %get3A_282 = vector.load %arg1[%get3A_278, %get3A_279, %get3A_280, %get3A_281] : memref<1x160x93x125xf32, #tpu.memory_space<vmem>>, vector<1x160x1x125xf32>
    %get3A_283 = vector.shape_cast %get3A_282 : vector<1x160x1x125xf32> to vector<160x125xf32>
    %gt3A_284 = arith.cmpf ogt, %get3A_283, %select_n3A_274 : vector<160x125xf32>
    %select_n3A_285 = arith.select %gt3A_284, %get3A_283, %select_n3A_274 : vector<160x125xi1>, vector<160x125xf32>
    %jit3A_286 = arith.constant 26 : i32
    %broadcast_in_dim3A_287 = vector.broadcast %jit3A_286 : i32 to vector<160x125xi32>
    %select_n3A_288 = arith.select %gt3A_284, %broadcast_in_dim3A_287, %select_n3A_277 : vector<160x125xi1>, vector<160x125xi32>
    %get3A_289 = arith.constant 0 : index
    %get3A_290 = arith.constant 0 : index
    %get3A_291 = arith.constant 27 : index
    %get3A_292 = arith.constant 0 : index
    %get3A_293 = vector.load %arg1[%get3A_289, %get3A_290, %get3A_291, %get3A_292] : memref<1x160x93x125xf32, #tpu.memory_space<vmem>>, vector<1x160x1x125xf32>
    %get3A_294 = vector.shape_cast %get3A_293 : vector<1x160x1x125xf32> to vector<160x125xf32>
    %gt3A_295 = arith.cmpf ogt, %get3A_294, %select_n3A_285 : vector<160x125xf32>
    %select_n3A_296 = arith.select %gt3A_295, %get3A_294, %select_n3A_285 : vector<160x125xi1>, vector<160x125xf32>
    %jit3A_297 = arith.constant 27 : i32
    %broadcast_in_dim3A_298 = vector.broadcast %jit3A_297 : i32 to vector<160x125xi32>
    %select_n3A_299 = arith.select %gt3A_295, %broadcast_in_dim3A_298, %select_n3A_288 : vector<160x125xi1>, vector<160x125xi32>
    %get3A_300 = arith.constant 0 : index
    %get3A_301 = arith.constant 0 : index
    %get3A_302 = arith.constant 28 : index
    %get3A_303 = arith.constant 0 : index
    %get3A_304 = vector.load %arg1[%get3A_300, %get3A_301, %get3A_302, %get3A_303] : memref<1x160x93x125xf32, #tpu.memory_space<vmem>>, vector<1x160x1x125xf32>
    %get3A_305 = vector.shape_cast %get3A_304 : vector<1x160x1x125xf32> to vector<160x125xf32>
    %gt3A_306 = arith.cmpf ogt, %get3A_305, %select_n3A_296 : vector<160x125xf32>
    %select_n3A_307 = arith.select %gt3A_306, %get3A_305, %select_n3A_296 : vector<160x125xi1>, vector<160x125xf32>
    %jit3A_308 = arith.constant 28 : i32
    %broadcast_in_dim3A_309 = vector.broadcast %jit3A_308 : i32 to vector<160x125xi32>
    %select_n3A_310 = arith.select %gt3A_306, %broadcast_in_dim3A_309, %select_n3A_299 : vector<160x125xi1>, vector<160x125xi32>
    %get3A_311 = arith.constant 0 : index
    %get3A_312 = arith.constant 0 : index
    %get3A_313 = arith.constant 29 : index
    %get3A_314 = arith.constant 0 : index
    %get3A_315 = vector.load %arg1[%get3A_311, %get3A_312, %get3A_313, %get3A_314] : memref<1x160x93x125xf32, #tpu.memory_space<vmem>>, vector<1x160x1x125xf32>
    %get3A_316 = vector.shape_cast %get3A_315 : vector<1x160x1x125xf32> to vector<160x125xf32>
    %gt3A_317 = arith.cmpf ogt, %get3A_316, %select_n3A_307 : vector<160x125xf32>
    %select_n3A_318 = arith.select %gt3A_317, %get3A_316, %select_n3A_307 : vector<160x125xi1>, vector<160x125xf32>
    %jit3A_319 = arith.constant 29 : i32
    %broadcast_in_dim3A_320 = vector.broadcast %jit3A_319 : i32 to vector<160x125xi32>
    %select_n3A_321 = arith.select %gt3A_317, %broadcast_in_dim3A_320, %select_n3A_310 : vector<160x125xi1>, vector<160x125xi32>
    %get3A_322 = arith.constant 0 : index
    %get3A_323 = arith.constant 0 : index
    %get3A_324 = arith.constant 30 : index
    %get3A_325 = arith.constant 0 : index
    %get3A_326 = vector.load %arg1[%get3A_322, %get3A_323, %get3A_324, %get3A_325] : memref<1x160x93x125xf32, #tpu.memory_space<vmem>>, vector<1x160x1x125xf32>
    %get3A_327 = vector.shape_cast %get3A_326 : vector<1x160x1x125xf32> to vector<160x125xf32>
    %gt3A_328 = arith.cmpf ogt, %get3A_327, %select_n3A_318 : vector<160x125xf32>
    %select_n3A_329 = arith.select %gt3A_328, %get3A_327, %select_n3A_318 : vector<160x125xi1>, vector<160x125xf32>
    %jit3A_330 = arith.constant 30 : i32
    %broadcast_in_dim3A_331 = vector.broadcast %jit3A_330 : i32 to vector<160x125xi32>
    %select_n3A_332 = arith.select %gt3A_328, %broadcast_in_dim3A_331, %select_n3A_321 : vector<160x125xi1>, vector<160x125xi32>
    %get3A_333 = arith.constant 0 : index
    %get3A_334 = arith.constant 0 : index
    %get3A_335 = arith.constant 31 : index
    %get3A_336 = arith.constant 0 : index
    %get3A_337 = vector.load %arg1[%get3A_333, %get3A_334, %get3A_335, %get3A_336] : memref<1x160x93x125xf32, #tpu.memory_space<vmem>>, vector<1x160x1x125xf32>
    %get3A_338 = vector.shape_cast %get3A_337 : vector<1x160x1x125xf32> to vector<160x125xf32>
    %gt3A_339 = arith.cmpf ogt, %get3A_338, %select_n3A_329 : vector<160x125xf32>
    %select_n3A_340 = arith.select %gt3A_339, %get3A_338, %select_n3A_329 : vector<160x125xi1>, vector<160x125xf32>
    %jit3A_341 = arith.constant 31 : i32
    %broadcast_in_dim3A_342 = vector.broadcast %jit3A_341 : i32 to vector<160x125xi32>
    %select_n3A_343 = arith.select %gt3A_339, %broadcast_in_dim3A_342, %select_n3A_332 : vector<160x125xi1>, vector<160x125xi32>
    %get3A_344 = arith.constant 0 : index
    %get3A_345 = arith.constant 0 : index
    %get3A_346 = arith.constant 32 : index
    %get3A_347 = arith.constant 0 : index
    %get3A_348 = vector.load %arg1[%get3A_344, %get3A_345, %get3A_346, %get3A_347] : memref<1x160x93x125xf32, #tpu.memory_space<vmem>>, vector<1x160x1x125xf32>
    %get3A_349 = vector.shape_cast %get3A_348 : vector<1x160x1x125xf32> to vector<160x125xf32>
    %gt3A_350 = arith.cmpf ogt, %get3A_349, %select_n3A_340 : vector<160x125xf32>
    %select_n3A_351 = arith.select %gt3A_350, %get3A_349, %select_n3A_340 : vector<160x125xi1>, vector<160x125xf32>
    %jit3A_352 = arith.constant 32 : i32
    %broadcast_in_dim3A_353 = vector.broadcast %jit3A_352 : i32 to vector<160x125xi32>
    %select_n3A_354 = arith.select %gt3A_350, %broadcast_in_dim3A_353, %select_n3A_343 : vector<160x125xi1>, vector<160x125xi32>
    %get3A_355 = arith.constant 0 : index
    %get3A_356 = arith.constant 0 : index
    %get3A_357 = arith.constant 33 : index
    %get3A_358 = arith.constant 0 : index
    %get3A_359 = vector.load %arg1[%get3A_355, %get3A_356, %get3A_357, %get3A_358] : memref<1x160x93x125xf32, #tpu.memory_space<vmem>>, vector<1x160x1x125xf32>
    %get3A_360 = vector.shape_cast %get3A_359 : vector<1x160x1x125xf32> to vector<160x125xf32>
    %gt3A_361 = arith.cmpf ogt, %get3A_360, %select_n3A_351 : vector<160x125xf32>
    %select_n3A_362 = arith.select %gt3A_361, %get3A_360, %select_n3A_351 : vector<160x125xi1>, vector<160x125xf32>
    %jit3A_363 = arith.constant 33 : i32
    %broadcast_in_dim3A_364 = vector.broadcast %jit3A_363 : i32 to vector<160x125xi32>
    %select_n3A_365 = arith.select %gt3A_361, %broadcast_in_dim3A_364, %select_n3A_354 : vector<160x125xi1>, vector<160x125xi32>
    %get3A_366 = arith.constant 0 : index
    %get3A_367 = arith.constant 0 : index
    %get3A_368 = arith.constant 34 : index
    %get3A_369 = arith.constant 0 : index
    %get3A_370 = vector.load %arg1[%get3A_366, %get3A_367, %get3A_368, %get3A_369] : memref<1x160x93x125xf32, #tpu.memory_space<vmem>>, vector<1x160x1x125xf32>
    %get3A_371 = vector.shape_cast %get3A_370 : vector<1x160x1x125xf32> to vector<160x125xf32>
    %gt3A_372 = arith.cmpf ogt, %get3A_371, %select_n3A_362 : vector<160x125xf32>
    %select_n3A_373 = arith.select %gt3A_372, %get3A_371, %select_n3A_362 : vector<160x125xi1>, vector<160x125xf32>
    %jit3A_374 = arith.constant 34 : i32
    %broadcast_in_dim3A_375 = vector.broadcast %jit3A_374 : i32 to vector<160x125xi32>
    %select_n3A_376 = arith.select %gt3A_372, %broadcast_in_dim3A_375, %select_n3A_365 : vector<160x125xi1>, vector<160x125xi32>
    %get3A_377 = arith.constant 0 : index
    %get3A_378 = arith.constant 0 : index
    %get3A_379 = arith.constant 35 : index
    %get3A_380 = arith.constant 0 : index
    %get3A_381 = vector.load %arg1[%get3A_377, %get3A_378, %get3A_379, %get3A_380] : memref<1x160x93x125xf32, #tpu.memory_space<vmem>>, vector<1x160x1x125xf32>
    %get3A_382 = vector.shape_cast %get3A_381 : vector<1x160x1x125xf32> to vector<160x125xf32>
    %gt3A_383 = arith.cmpf ogt, %get3A_382, %select_n3A_373 : vector<160x125xf32>
    %select_n3A_384 = arith.select %gt3A_383, %get3A_382, %select_n3A_373 : vector<160x125xi1>, vector<160x125xf32>
    %jit3A_385 = arith.constant 35 : i32
    %broadcast_in_dim3A_386 = vector.broadcast %jit3A_385 : i32 to vector<160x125xi32>
    %select_n3A_387 = arith.select %gt3A_383, %broadcast_in_dim3A_386, %select_n3A_376 : vector<160x125xi1>, vector<160x125xi32>
    %get3A_388 = arith.constant 0 : index
    %get3A_389 = arith.constant 0 : index
    %get3A_390 = arith.constant 36 : index
    %get3A_391 = arith.constant 0 : index
    %get3A_392 = vector.load %arg1[%get3A_388, %get3A_389, %get3A_390, %get3A_391] : memref<1x160x93x125xf32, #tpu.memory_space<vmem>>, vector<1x160x1x125xf32>
    %get3A_393 = vector.shape_cast %get3A_392 : vector<1x160x1x125xf32> to vector<160x125xf32>
    %gt3A_394 = arith.cmpf ogt, %get3A_393, %select_n3A_384 : vector<160x125xf32>
    %select_n3A_395 = arith.select %gt3A_394, %get3A_393, %select_n3A_384 : vector<160x125xi1>, vector<160x125xf32>
    %jit3A_396 = arith.constant 36 : i32
    %broadcast_in_dim3A_397 = vector.broadcast %jit3A_396 : i32 to vector<160x125xi32>
    %select_n3A_398 = arith.select %gt3A_394, %broadcast_in_dim3A_397, %select_n3A_387 : vector<160x125xi1>, vector<160x125xi32>
    %get3A_399 = arith.constant 0 : index
    %get3A_400 = arith.constant 0 : index
    %get3A_401 = arith.constant 37 : index
    %get3A_402 = arith.constant 0 : index
    %get3A_403 = vector.load %arg1[%get3A_399, %get3A_400, %get3A_401, %get3A_402] : memref<1x160x93x125xf32, #tpu.memory_space<vmem>>, vector<1x160x1x125xf32>
    %get3A_404 = vector.shape_cast %get3A_403 : vector<1x160x1x125xf32> to vector<160x125xf32>
    %gt3A_405 = arith.cmpf ogt, %get3A_404, %select_n3A_395 : vector<160x125xf32>
    %select_n3A_406 = arith.select %gt3A_405, %get3A_404, %select_n3A_395 : vector<160x125xi1>, vector<160x125xf32>
    %jit3A_407 = arith.constant 37 : i32
    %broadcast_in_dim3A_408 = vector.broadcast %jit3A_407 : i32 to vector<160x125xi32>
    %select_n3A_409 = arith.select %gt3A_405, %broadcast_in_dim3A_408, %select_n3A_398 : vector<160x125xi1>, vector<160x125xi32>
    %get3A_410 = arith.constant 0 : index
    %get3A_411 = arith.constant 0 : index
    %get3A_412 = arith.constant 38 : index
    %get3A_413 = arith.constant 0 : index
    %get3A_414 = vector.load %arg1[%get3A_410, %get3A_411, %get3A_412, %get3A_413] : memref<1x160x93x125xf32, #tpu.memory_space<vmem>>, vector<1x160x1x125xf32>
    %get3A_415 = vector.shape_cast %get3A_414 : vector<1x160x1x125xf32> to vector<160x125xf32>
    %gt3A_416 = arith.cmpf ogt, %get3A_415, %select_n3A_406 : vector<160x125xf32>
    %select_n3A_417 = arith.select %gt3A_416, %get3A_415, %select_n3A_406 : vector<160x125xi1>, vector<160x125xf32>
    %jit3A_418 = arith.constant 38 : i32
    %broadcast_in_dim3A_419 = vector.broadcast %jit3A_418 : i32 to vector<160x125xi32>
    %select_n3A_420 = arith.select %gt3A_416, %broadcast_in_dim3A_419, %select_n3A_409 : vector<160x125xi1>, vector<160x125xi32>
    %get3A_421 = arith.constant 0 : index
    %get3A_422 = arith.constant 0 : index
    %get3A_423 = arith.constant 39 : index
    %get3A_424 = arith.constant 0 : index
    %get3A_425 = vector.load %arg1[%get3A_421, %get3A_422, %get3A_423, %get3A_424] : memref<1x160x93x125xf32, #tpu.memory_space<vmem>>, vector<1x160x1x125xf32>
    %get3A_426 = vector.shape_cast %get3A_425 : vector<1x160x1x125xf32> to vector<160x125xf32>
    %gt3A_427 = arith.cmpf ogt, %get3A_426, %select_n3A_417 : vector<160x125xf32>
    %select_n3A_428 = arith.select %gt3A_427, %get3A_426, %select_n3A_417 : vector<160x125xi1>, vector<160x125xf32>
    %jit3A_429 = arith.constant 39 : i32
    %broadcast_in_dim3A_430 = vector.broadcast %jit3A_429 : i32 to vector<160x125xi32>
    %select_n3A_431 = arith.select %gt3A_427, %broadcast_in_dim3A_430, %select_n3A_420 : vector<160x125xi1>, vector<160x125xi32>
    %get3A_432 = arith.constant 0 : index
    %get3A_433 = arith.constant 0 : index
    %get3A_434 = arith.constant 40 : index
    %get3A_435 = arith.constant 0 : index
    %get3A_436 = vector.load %arg1[%get3A_432, %get3A_433, %get3A_434, %get3A_435] : memref<1x160x93x125xf32, #tpu.memory_space<vmem>>, vector<1x160x1x125xf32>
    %get3A_437 = vector.shape_cast %get3A_436 : vector<1x160x1x125xf32> to vector<160x125xf32>
    %gt3A_438 = arith.cmpf ogt, %get3A_437, %select_n3A_428 : vector<160x125xf32>
    %select_n3A_439 = arith.select %gt3A_438, %get3A_437, %select_n3A_428 : vector<160x125xi1>, vector<160x125xf32>
    %jit3A_440 = arith.constant 40 : i32
    %broadcast_in_dim3A_441 = vector.broadcast %jit3A_440 : i32 to vector<160x125xi32>
    %select_n3A_442 = arith.select %gt3A_438, %broadcast_in_dim3A_441, %select_n3A_431 : vector<160x125xi1>, vector<160x125xi32>
    %get3A_443 = arith.constant 0 : index
    %get3A_444 = arith.constant 0 : index
    %get3A_445 = arith.constant 41 : index
    %get3A_446 = arith.constant 0 : index
    %get3A_447 = vector.load %arg1[%get3A_443, %get3A_444, %get3A_445, %get3A_446] : memref<1x160x93x125xf32, #tpu.memory_space<vmem>>, vector<1x160x1x125xf32>
    %get3A_448 = vector.shape_cast %get3A_447 : vector<1x160x1x125xf32> to vector<160x125xf32>
    %gt3A_449 = arith.cmpf ogt, %get3A_448, %select_n3A_439 : vector<160x125xf32>
    %select_n3A_450 = arith.select %gt3A_449, %get3A_448, %select_n3A_439 : vector<160x125xi1>, vector<160x125xf32>
    %jit3A_451 = arith.constant 41 : i32
    %broadcast_in_dim3A_452 = vector.broadcast %jit3A_451 : i32 to vector<160x125xi32>
    %select_n3A_453 = arith.select %gt3A_449, %broadcast_in_dim3A_452, %select_n3A_442 : vector<160x125xi1>, vector<160x125xi32>
    %get3A_454 = arith.constant 0 : index
    %get3A_455 = arith.constant 0 : index
    %get3A_456 = arith.constant 42 : index
    %get3A_457 = arith.constant 0 : index
    %get3A_458 = vector.load %arg1[%get3A_454, %get3A_455, %get3A_456, %get3A_457] : memref<1x160x93x125xf32, #tpu.memory_space<vmem>>, vector<1x160x1x125xf32>
    %get3A_459 = vector.shape_cast %get3A_458 : vector<1x160x1x125xf32> to vector<160x125xf32>
    %gt3A_460 = arith.cmpf ogt, %get3A_459, %select_n3A_450 : vector<160x125xf32>
    %select_n3A_461 = arith.select %gt3A_460, %get3A_459, %select_n3A_450 : vector<160x125xi1>, vector<160x125xf32>
    %jit3A_462 = arith.constant 42 : i32
    %broadcast_in_dim3A_463 = vector.broadcast %jit3A_462 : i32 to vector<160x125xi32>
    %select_n3A_464 = arith.select %gt3A_460, %broadcast_in_dim3A_463, %select_n3A_453 : vector<160x125xi1>, vector<160x125xi32>
    %get3A_465 = arith.constant 0 : index
    %get3A_466 = arith.constant 0 : index
    %get3A_467 = arith.constant 43 : index
    %get3A_468 = arith.constant 0 : index
    %get3A_469 = vector.load %arg1[%get3A_465, %get3A_466, %get3A_467, %get3A_468] : memref<1x160x93x125xf32, #tpu.memory_space<vmem>>, vector<1x160x1x125xf32>
    %get3A_470 = vector.shape_cast %get3A_469 : vector<1x160x1x125xf32> to vector<160x125xf32>
    %gt3A_471 = arith.cmpf ogt, %get3A_470, %select_n3A_461 : vector<160x125xf32>
    %select_n3A_472 = arith.select %gt3A_471, %get3A_470, %select_n3A_461 : vector<160x125xi1>, vector<160x125xf32>
    %jit3A_473 = arith.constant 43 : i32
    %broadcast_in_dim3A_474 = vector.broadcast %jit3A_473 : i32 to vector<160x125xi32>
    %select_n3A_475 = arith.select %gt3A_471, %broadcast_in_dim3A_474, %select_n3A_464 : vector<160x125xi1>, vector<160x125xi32>
    %get3A_476 = arith.constant 0 : index
    %get3A_477 = arith.constant 0 : index
    %get3A_478 = arith.constant 44 : index
    %get3A_479 = arith.constant 0 : index
    %get3A_480 = vector.load %arg1[%get3A_476, %get3A_477, %get3A_478, %get3A_479] : memref<1x160x93x125xf32, #tpu.memory_space<vmem>>, vector<1x160x1x125xf32>
    %get3A_481 = vector.shape_cast %get3A_480 : vector<1x160x1x125xf32> to vector<160x125xf32>
    %gt3A_482 = arith.cmpf ogt, %get3A_481, %select_n3A_472 : vector<160x125xf32>
    %select_n3A_483 = arith.select %gt3A_482, %get3A_481, %select_n3A_472 : vector<160x125xi1>, vector<160x125xf32>
    %jit3A_484 = arith.constant 44 : i32
    %broadcast_in_dim3A_485 = vector.broadcast %jit3A_484 : i32 to vector<160x125xi32>
    %select_n3A_486 = arith.select %gt3A_482, %broadcast_in_dim3A_485, %select_n3A_475 : vector<160x125xi1>, vector<160x125xi32>
    %get3A_487 = arith.constant 0 : index
    %get3A_488 = arith.constant 0 : index
    %get3A_489 = arith.constant 45 : index
    %get3A_490 = arith.constant 0 : index
    %get3A_491 = vector.load %arg1[%get3A_487, %get3A_488, %get3A_489, %get3A_490] : memref<1x160x93x125xf32, #tpu.memory_space<vmem>>, vector<1x160x1x125xf32>
    %get3A_492 = vector.shape_cast %get3A_491 : vector<1x160x1x125xf32> to vector<160x125xf32>
    %gt3A_493 = arith.cmpf ogt, %get3A_492, %select_n3A_483 : vector<160x125xf32>
    %select_n3A_494 = arith.select %gt3A_493, %get3A_492, %select_n3A_483 : vector<160x125xi1>, vector<160x125xf32>
    %jit3A_495 = arith.constant 45 : i32
    %broadcast_in_dim3A_496 = vector.broadcast %jit3A_495 : i32 to vector<160x125xi32>
    %select_n3A_497 = arith.select %gt3A_493, %broadcast_in_dim3A_496, %select_n3A_486 : vector<160x125xi1>, vector<160x125xi32>
    %get3A_498 = arith.constant 0 : index
    %get3A_499 = arith.constant 0 : index
    %get3A_500 = arith.constant 46 : index
    %get3A_501 = arith.constant 0 : index
    %get3A_502 = vector.load %arg1[%get3A_498, %get3A_499, %get3A_500, %get3A_501] : memref<1x160x93x125xf32, #tpu.memory_space<vmem>>, vector<1x160x1x125xf32>
    %get3A_503 = vector.shape_cast %get3A_502 : vector<1x160x1x125xf32> to vector<160x125xf32>
    %gt3A_504 = arith.cmpf ogt, %get3A_503, %select_n3A_494 : vector<160x125xf32>
    %select_n3A_505 = arith.select %gt3A_504, %get3A_503, %select_n3A_494 : vector<160x125xi1>, vector<160x125xf32>
    %jit3A_506 = arith.constant 46 : i32
    %broadcast_in_dim3A_507 = vector.broadcast %jit3A_506 : i32 to vector<160x125xi32>
    %select_n3A_508 = arith.select %gt3A_504, %broadcast_in_dim3A_507, %select_n3A_497 : vector<160x125xi1>, vector<160x125xi32>
    %get3A_509 = arith.constant 0 : index
    %get3A_510 = arith.constant 0 : index
    %get3A_511 = arith.constant 47 : index
    %get3A_512 = arith.constant 0 : index
    %get3A_513 = vector.load %arg1[%get3A_509, %get3A_510, %get3A_511, %get3A_512] : memref<1x160x93x125xf32, #tpu.memory_space<vmem>>, vector<1x160x1x125xf32>
    %get3A_514 = vector.shape_cast %get3A_513 : vector<1x160x1x125xf32> to vector<160x125xf32>
    %gt3A_515 = arith.cmpf ogt, %get3A_514, %select_n3A_505 : vector<160x125xf32>
    %select_n3A_516 = arith.select %gt3A_515, %get3A_514, %select_n3A_505 : vector<160x125xi1>, vector<160x125xf32>
    %jit3A_517 = arith.constant 47 : i32
    %broadcast_in_dim3A_518 = vector.broadcast %jit3A_517 : i32 to vector<160x125xi32>
    %select_n3A_519 = arith.select %gt3A_515, %broadcast_in_dim3A_518, %select_n3A_508 : vector<160x125xi1>, vector<160x125xi32>
    %get3A_520 = arith.constant 0 : index
    %get3A_521 = arith.constant 0 : index
    %get3A_522 = arith.constant 48 : index
    %get3A_523 = arith.constant 0 : index
    %get3A_524 = vector.load %arg1[%get3A_520, %get3A_521, %get3A_522, %get3A_523] : memref<1x160x93x125xf32, #tpu.memory_space<vmem>>, vector<1x160x1x125xf32>
    %get3A_525 = vector.shape_cast %get3A_524 : vector<1x160x1x125xf32> to vector<160x125xf32>
    %gt3A_526 = arith.cmpf ogt, %get3A_525, %select_n3A_516 : vector<160x125xf32>
    %select_n3A_527 = arith.select %gt3A_526, %get3A_525, %select_n3A_516 : vector<160x125xi1>, vector<160x125xf32>
    %jit3A_528 = arith.constant 48 : i32
    %broadcast_in_dim3A_529 = vector.broadcast %jit3A_528 : i32 to vector<160x125xi32>
    %select_n3A_530 = arith.select %gt3A_526, %broadcast_in_dim3A_529, %select_n3A_519 : vector<160x125xi1>, vector<160x125xi32>
    %get3A_531 = arith.constant 0 : index
    %get3A_532 = arith.constant 0 : index
    %get3A_533 = arith.constant 49 : index
    %get3A_534 = arith.constant 0 : index
    %get3A_535 = vector.load %arg1[%get3A_531, %get3A_532, %get3A_533, %get3A_534] : memref<1x160x93x125xf32, #tpu.memory_space<vmem>>, vector<1x160x1x125xf32>
    %get3A_536 = vector.shape_cast %get3A_535 : vector<1x160x1x125xf32> to vector<160x125xf32>
    %gt3A_537 = arith.cmpf ogt, %get3A_536, %select_n3A_527 : vector<160x125xf32>
    %select_n3A_538 = arith.select %gt3A_537, %get3A_536, %select_n3A_527 : vector<160x125xi1>, vector<160x125xf32>
    %jit3A_539 = arith.constant 49 : i32
    %broadcast_in_dim3A_540 = vector.broadcast %jit3A_539 : i32 to vector<160x125xi32>
    %select_n3A_541 = arith.select %gt3A_537, %broadcast_in_dim3A_540, %select_n3A_530 : vector<160x125xi1>, vector<160x125xi32>
    %get3A_542 = arith.constant 0 : index
    %get3A_543 = arith.constant 0 : index
    %get3A_544 = arith.constant 50 : index
    %get3A_545 = arith.constant 0 : index
    %get3A_546 = vector.load %arg1[%get3A_542, %get3A_543, %get3A_544, %get3A_545] : memref<1x160x93x125xf32, #tpu.memory_space<vmem>>, vector<1x160x1x125xf32>
    %get3A_547 = vector.shape_cast %get3A_546 : vector<1x160x1x125xf32> to vector<160x125xf32>
    %gt3A_548 = arith.cmpf ogt, %get3A_547, %select_n3A_538 : vector<160x125xf32>
    %select_n3A_549 = arith.select %gt3A_548, %get3A_547, %select_n3A_538 : vector<160x125xi1>, vector<160x125xf32>
    %jit3A_550 = arith.constant 50 : i32
    %broadcast_in_dim3A_551 = vector.broadcast %jit3A_550 : i32 to vector<160x125xi32>
    %select_n3A_552 = arith.select %gt3A_548, %broadcast_in_dim3A_551, %select_n3A_541 : vector<160x125xi1>, vector<160x125xi32>
    %get3A_553 = arith.constant 0 : index
    %get3A_554 = arith.constant 0 : index
    %get3A_555 = arith.constant 51 : index
    %get3A_556 = arith.constant 0 : index
    %get3A_557 = vector.load %arg1[%get3A_553, %get3A_554, %get3A_555, %get3A_556] : memref<1x160x93x125xf32, #tpu.memory_space<vmem>>, vector<1x160x1x125xf32>
    %get3A_558 = vector.shape_cast %get3A_557 : vector<1x160x1x125xf32> to vector<160x125xf32>
    %gt3A_559 = arith.cmpf ogt, %get3A_558, %select_n3A_549 : vector<160x125xf32>
    %select_n3A_560 = arith.select %gt3A_559, %get3A_558, %select_n3A_549 : vector<160x125xi1>, vector<160x125xf32>
    %jit3A_561 = arith.constant 51 : i32
    %broadcast_in_dim3A_562 = vector.broadcast %jit3A_561 : i32 to vector<160x125xi32>
    %select_n3A_563 = arith.select %gt3A_559, %broadcast_in_dim3A_562, %select_n3A_552 : vector<160x125xi1>, vector<160x125xi32>
    %get3A_564 = arith.constant 0 : index
    %get3A_565 = arith.constant 0 : index
    %get3A_566 = arith.constant 52 : index
    %get3A_567 = arith.constant 0 : index
    %get3A_568 = vector.load %arg1[%get3A_564, %get3A_565, %get3A_566, %get3A_567] : memref<1x160x93x125xf32, #tpu.memory_space<vmem>>, vector<1x160x1x125xf32>
    %get3A_569 = vector.shape_cast %get3A_568 : vector<1x160x1x125xf32> to vector<160x125xf32>
    %gt3A_570 = arith.cmpf ogt, %get3A_569, %select_n3A_560 : vector<160x125xf32>
    %select_n3A_571 = arith.select %gt3A_570, %get3A_569, %select_n3A_560 : vector<160x125xi1>, vector<160x125xf32>
    %jit3A_572 = arith.constant 52 : i32
    %broadcast_in_dim3A_573 = vector.broadcast %jit3A_572 : i32 to vector<160x125xi32>
    %select_n3A_574 = arith.select %gt3A_570, %broadcast_in_dim3A_573, %select_n3A_563 : vector<160x125xi1>, vector<160x125xi32>
    %get3A_575 = arith.constant 0 : index
    %get3A_576 = arith.constant 0 : index
    %get3A_577 = arith.constant 53 : index
    %get3A_578 = arith.constant 0 : index
    %get3A_579 = vector.load %arg1[%get3A_575, %get3A_576, %get3A_577, %get3A_578] : memref<1x160x93x125xf32, #tpu.memory_space<vmem>>, vector<1x160x1x125xf32>
    %get3A_580 = vector.shape_cast %get3A_579 : vector<1x160x1x125xf32> to vector<160x125xf32>
    %gt3A_581 = arith.cmpf ogt, %get3A_580, %select_n3A_571 : vector<160x125xf32>
    %select_n3A_582 = arith.select %gt3A_581, %get3A_580, %select_n3A_571 : vector<160x125xi1>, vector<160x125xf32>
    %jit3A_583 = arith.constant 53 : i32
    %broadcast_in_dim3A_584 = vector.broadcast %jit3A_583 : i32 to vector<160x125xi32>
    %select_n3A_585 = arith.select %gt3A_581, %broadcast_in_dim3A_584, %select_n3A_574 : vector<160x125xi1>, vector<160x125xi32>
    %get3A_586 = arith.constant 0 : index
    %get3A_587 = arith.constant 0 : index
    %get3A_588 = arith.constant 54 : index
    %get3A_589 = arith.constant 0 : index
    %get3A_590 = vector.load %arg1[%get3A_586, %get3A_587, %get3A_588, %get3A_589] : memref<1x160x93x125xf32, #tpu.memory_space<vmem>>, vector<1x160x1x125xf32>
    %get3A_591 = vector.shape_cast %get3A_590 : vector<1x160x1x125xf32> to vector<160x125xf32>
    %gt3A_592 = arith.cmpf ogt, %get3A_591, %select_n3A_582 : vector<160x125xf32>
    %select_n3A_593 = arith.select %gt3A_592, %get3A_591, %select_n3A_582 : vector<160x125xi1>, vector<160x125xf32>
    %jit3A_594 = arith.constant 54 : i32
    %broadcast_in_dim3A_595 = vector.broadcast %jit3A_594 : i32 to vector<160x125xi32>
    %select_n3A_596 = arith.select %gt3A_592, %broadcast_in_dim3A_595, %select_n3A_585 : vector<160x125xi1>, vector<160x125xi32>
    %get3A_597 = arith.constant 0 : index
    %get3A_598 = arith.constant 0 : index
    %get3A_599 = arith.constant 55 : index
    %get3A_600 = arith.constant 0 : index
    %get3A_601 = vector.load %arg1[%get3A_597, %get3A_598, %get3A_599, %get3A_600] : memref<1x160x93x125xf32, #tpu.memory_space<vmem>>, vector<1x160x1x125xf32>
    %get3A_602 = vector.shape_cast %get3A_601 : vector<1x160x1x125xf32> to vector<160x125xf32>
    %gt3A_603 = arith.cmpf ogt, %get3A_602, %select_n3A_593 : vector<160x125xf32>
    %select_n3A_604 = arith.select %gt3A_603, %get3A_602, %select_n3A_593 : vector<160x125xi1>, vector<160x125xf32>
    %jit3A_605 = arith.constant 55 : i32
    %broadcast_in_dim3A_606 = vector.broadcast %jit3A_605 : i32 to vector<160x125xi32>
    %select_n3A_607 = arith.select %gt3A_603, %broadcast_in_dim3A_606, %select_n3A_596 : vector<160x125xi1>, vector<160x125xi32>
    %get3A_608 = arith.constant 0 : index
    %get3A_609 = arith.constant 0 : index
    %get3A_610 = arith.constant 56 : index
    %get3A_611 = arith.constant 0 : index
    %get3A_612 = vector.load %arg1[%get3A_608, %get3A_609, %get3A_610, %get3A_611] : memref<1x160x93x125xf32, #tpu.memory_space<vmem>>, vector<1x160x1x125xf32>
    %get3A_613 = vector.shape_cast %get3A_612 : vector<1x160x1x125xf32> to vector<160x125xf32>
    %gt3A_614 = arith.cmpf ogt, %get3A_613, %select_n3A_604 : vector<160x125xf32>
    %select_n3A_615 = arith.select %gt3A_614, %get3A_613, %select_n3A_604 : vector<160x125xi1>, vector<160x125xf32>
    %jit3A_616 = arith.constant 56 : i32
    %broadcast_in_dim3A_617 = vector.broadcast %jit3A_616 : i32 to vector<160x125xi32>
    %select_n3A_618 = arith.select %gt3A_614, %broadcast_in_dim3A_617, %select_n3A_607 : vector<160x125xi1>, vector<160x125xi32>
    %get3A_619 = arith.constant 0 : index
    %get3A_620 = arith.constant 0 : index
    %get3A_621 = arith.constant 57 : index
    %get3A_622 = arith.constant 0 : index
    %get3A_623 = vector.load %arg1[%get3A_619, %get3A_620, %get3A_621, %get3A_622] : memref<1x160x93x125xf32, #tpu.memory_space<vmem>>, vector<1x160x1x125xf32>
    %get3A_624 = vector.shape_cast %get3A_623 : vector<1x160x1x125xf32> to vector<160x125xf32>
    %gt3A_625 = arith.cmpf ogt, %get3A_624, %select_n3A_615 : vector<160x125xf32>
    %select_n3A_626 = arith.select %gt3A_625, %get3A_624, %select_n3A_615 : vector<160x125xi1>, vector<160x125xf32>
    %jit3A_627 = arith.constant 57 : i32
    %broadcast_in_dim3A_628 = vector.broadcast %jit3A_627 : i32 to vector<160x125xi32>
    %select_n3A_629 = arith.select %gt3A_625, %broadcast_in_dim3A_628, %select_n3A_618 : vector<160x125xi1>, vector<160x125xi32>
    %get3A_630 = arith.constant 0 : index
    %get3A_631 = arith.constant 0 : index
    %get3A_632 = arith.constant 58 : index
    %get3A_633 = arith.constant 0 : index
    %get3A_634 = vector.load %arg1[%get3A_630, %get3A_631, %get3A_632, %get3A_633] : memref<1x160x93x125xf32, #tpu.memory_space<vmem>>, vector<1x160x1x125xf32>
    %get3A_635 = vector.shape_cast %get3A_634 : vector<1x160x1x125xf32> to vector<160x125xf32>
    %gt3A_636 = arith.cmpf ogt, %get3A_635, %select_n3A_626 : vector<160x125xf32>
    %select_n3A_637 = arith.select %gt3A_636, %get3A_635, %select_n3A_626 : vector<160x125xi1>, vector<160x125xf32>
    %jit3A_638 = arith.constant 58 : i32
    %broadcast_in_dim3A_639 = vector.broadcast %jit3A_638 : i32 to vector<160x125xi32>
    %select_n3A_640 = arith.select %gt3A_636, %broadcast_in_dim3A_639, %select_n3A_629 : vector<160x125xi1>, vector<160x125xi32>
    %get3A_641 = arith.constant 0 : index
    %get3A_642 = arith.constant 0 : index
    %get3A_643 = arith.constant 59 : index
    %get3A_644 = arith.constant 0 : index
    %get3A_645 = vector.load %arg1[%get3A_641, %get3A_642, %get3A_643, %get3A_644] : memref<1x160x93x125xf32, #tpu.memory_space<vmem>>, vector<1x160x1x125xf32>
    %get3A_646 = vector.shape_cast %get3A_645 : vector<1x160x1x125xf32> to vector<160x125xf32>
    %gt3A_647 = arith.cmpf ogt, %get3A_646, %select_n3A_637 : vector<160x125xf32>
    %select_n3A_648 = arith.select %gt3A_647, %get3A_646, %select_n3A_637 : vector<160x125xi1>, vector<160x125xf32>
    %jit3A_649 = arith.constant 59 : i32
    %broadcast_in_dim3A_650 = vector.broadcast %jit3A_649 : i32 to vector<160x125xi32>
    %select_n3A_651 = arith.select %gt3A_647, %broadcast_in_dim3A_650, %select_n3A_640 : vector<160x125xi1>, vector<160x125xi32>
    %get3A_652 = arith.constant 0 : index
    %get3A_653 = arith.constant 0 : index
    %get3A_654 = arith.constant 60 : index
    %get3A_655 = arith.constant 0 : index
    %get3A_656 = vector.load %arg1[%get3A_652, %get3A_653, %get3A_654, %get3A_655] : memref<1x160x93x125xf32, #tpu.memory_space<vmem>>, vector<1x160x1x125xf32>
    %get3A_657 = vector.shape_cast %get3A_656 : vector<1x160x1x125xf32> to vector<160x125xf32>
    %gt3A_658 = arith.cmpf ogt, %get3A_657, %select_n3A_648 : vector<160x125xf32>
    %select_n3A_659 = arith.select %gt3A_658, %get3A_657, %select_n3A_648 : vector<160x125xi1>, vector<160x125xf32>
    %jit3A_660 = arith.constant 60 : i32
    %broadcast_in_dim3A_661 = vector.broadcast %jit3A_660 : i32 to vector<160x125xi32>
    %select_n3A_662 = arith.select %gt3A_658, %broadcast_in_dim3A_661, %select_n3A_651 : vector<160x125xi1>, vector<160x125xi32>
    %get3A_663 = arith.constant 0 : index
    %get3A_664 = arith.constant 0 : index
    %get3A_665 = arith.constant 61 : index
    %get3A_666 = arith.constant 0 : index
    %get3A_667 = vector.load %arg1[%get3A_663, %get3A_664, %get3A_665, %get3A_666] : memref<1x160x93x125xf32, #tpu.memory_space<vmem>>, vector<1x160x1x125xf32>
    %get3A_668 = vector.shape_cast %get3A_667 : vector<1x160x1x125xf32> to vector<160x125xf32>
    %gt3A_669 = arith.cmpf ogt, %get3A_668, %select_n3A_659 : vector<160x125xf32>
    %select_n3A_670 = arith.select %gt3A_669, %get3A_668, %select_n3A_659 : vector<160x125xi1>, vector<160x125xf32>
    %jit3A_671 = arith.constant 61 : i32
    %broadcast_in_dim3A_672 = vector.broadcast %jit3A_671 : i32 to vector<160x125xi32>
    %select_n3A_673 = arith.select %gt3A_669, %broadcast_in_dim3A_672, %select_n3A_662 : vector<160x125xi1>, vector<160x125xi32>
    %get3A_674 = arith.constant 0 : index
    %get3A_675 = arith.constant 0 : index
    %get3A_676 = arith.constant 62 : index
    %get3A_677 = arith.constant 0 : index
    %get3A_678 = vector.load %arg1[%get3A_674, %get3A_675, %get3A_676, %get3A_677] : memref<1x160x93x125xf32, #tpu.memory_space<vmem>>, vector<1x160x1x125xf32>
    %get3A_679 = vector.shape_cast %get3A_678 : vector<1x160x1x125xf32> to vector<160x125xf32>
    %gt3A_680 = arith.cmpf ogt, %get3A_679, %select_n3A_670 : vector<160x125xf32>
    %select_n3A_681 = arith.select %gt3A_680, %get3A_679, %select_n3A_670 : vector<160x125xi1>, vector<160x125xf32>
    %jit3A_682 = arith.constant 62 : i32
    %broadcast_in_dim3A_683 = vector.broadcast %jit3A_682 : i32 to vector<160x125xi32>
    %select_n3A_684 = arith.select %gt3A_680, %broadcast_in_dim3A_683, %select_n3A_673 : vector<160x125xi1>, vector<160x125xi32>
    %get3A_685 = arith.constant 0 : index
    %get3A_686 = arith.constant 0 : index
    %get3A_687 = arith.constant 63 : index
    %get3A_688 = arith.constant 0 : index
    %get3A_689 = vector.load %arg1[%get3A_685, %get3A_686, %get3A_687, %get3A_688] : memref<1x160x93x125xf32, #tpu.memory_space<vmem>>, vector<1x160x1x125xf32>
    %get3A_690 = vector.shape_cast %get3A_689 : vector<1x160x1x125xf32> to vector<160x125xf32>
    %gt3A_691 = arith.cmpf ogt, %get3A_690, %select_n3A_681 : vector<160x125xf32>
    %select_n3A_692 = arith.select %gt3A_691, %get3A_690, %select_n3A_681 : vector<160x125xi1>, vector<160x125xf32>
    %jit3A_693 = arith.constant 63 : i32
    %broadcast_in_dim3A_694 = vector.broadcast %jit3A_693 : i32 to vector<160x125xi32>
    %select_n3A_695 = arith.select %gt3A_691, %broadcast_in_dim3A_694, %select_n3A_684 : vector<160x125xi1>, vector<160x125xi32>
    %get3A_696 = arith.constant 0 : index
    %get3A_697 = arith.constant 0 : index
    %get3A_698 = arith.constant 64 : index
    %get3A_699 = arith.constant 0 : index
    %get3A_700 = vector.load %arg1[%get3A_696, %get3A_697, %get3A_698, %get3A_699] : memref<1x160x93x125xf32, #tpu.memory_space<vmem>>, vector<1x160x1x125xf32>
    %get3A_701 = vector.shape_cast %get3A_700 : vector<1x160x1x125xf32> to vector<160x125xf32>
    %gt3A_702 = arith.cmpf ogt, %get3A_701, %select_n3A_692 : vector<160x125xf32>
    %select_n3A_703 = arith.select %gt3A_702, %get3A_701, %select_n3A_692 : vector<160x125xi1>, vector<160x125xf32>
    %jit3A_704 = arith.constant 64 : i32
    %broadcast_in_dim3A_705 = vector.broadcast %jit3A_704 : i32 to vector<160x125xi32>
    %select_n3A_706 = arith.select %gt3A_702, %broadcast_in_dim3A_705, %select_n3A_695 : vector<160x125xi1>, vector<160x125xi32>
    %get3A_707 = arith.constant 0 : index
    %get3A_708 = arith.constant 0 : index
    %get3A_709 = arith.constant 65 : index
    %get3A_710 = arith.constant 0 : index
    %get3A_711 = vector.load %arg1[%get3A_707, %get3A_708, %get3A_709, %get3A_710] : memref<1x160x93x125xf32, #tpu.memory_space<vmem>>, vector<1x160x1x125xf32>
    %get3A_712 = vector.shape_cast %get3A_711 : vector<1x160x1x125xf32> to vector<160x125xf32>
    %gt3A_713 = arith.cmpf ogt, %get3A_712, %select_n3A_703 : vector<160x125xf32>
    %select_n3A_714 = arith.select %gt3A_713, %get3A_712, %select_n3A_703 : vector<160x125xi1>, vector<160x125xf32>
    %jit3A_715 = arith.constant 65 : i32
    %broadcast_in_dim3A_716 = vector.broadcast %jit3A_715 : i32 to vector<160x125xi32>
    %select_n3A_717 = arith.select %gt3A_713, %broadcast_in_dim3A_716, %select_n3A_706 : vector<160x125xi1>, vector<160x125xi32>
    %get3A_718 = arith.constant 0 : index
    %get3A_719 = arith.constant 0 : index
    %get3A_720 = arith.constant 66 : index
    %get3A_721 = arith.constant 0 : index
    %get3A_722 = vector.load %arg1[%get3A_718, %get3A_719, %get3A_720, %get3A_721] : memref<1x160x93x125xf32, #tpu.memory_space<vmem>>, vector<1x160x1x125xf32>
    %get3A_723 = vector.shape_cast %get3A_722 : vector<1x160x1x125xf32> to vector<160x125xf32>
    %gt3A_724 = arith.cmpf ogt, %get3A_723, %select_n3A_714 : vector<160x125xf32>
    %select_n3A_725 = arith.select %gt3A_724, %get3A_723, %select_n3A_714 : vector<160x125xi1>, vector<160x125xf32>
    %jit3A_726 = arith.constant 66 : i32
    %broadcast_in_dim3A_727 = vector.broadcast %jit3A_726 : i32 to vector<160x125xi32>
    %select_n3A_728 = arith.select %gt3A_724, %broadcast_in_dim3A_727, %select_n3A_717 : vector<160x125xi1>, vector<160x125xi32>
    %get3A_729 = arith.constant 0 : index
    %get3A_730 = arith.constant 0 : index
    %get3A_731 = arith.constant 67 : index
    %get3A_732 = arith.constant 0 : index
    %get3A_733 = vector.load %arg1[%get3A_729, %get3A_730, %get3A_731, %get3A_732] : memref<1x160x93x125xf32, #tpu.memory_space<vmem>>, vector<1x160x1x125xf32>
    %get3A_734 = vector.shape_cast %get3A_733 : vector<1x160x1x125xf32> to vector<160x125xf32>
    %gt3A_735 = arith.cmpf ogt, %get3A_734, %select_n3A_725 : vector<160x125xf32>
    %select_n3A_736 = arith.select %gt3A_735, %get3A_734, %select_n3A_725 : vector<160x125xi1>, vector<160x125xf32>
    %jit3A_737 = arith.constant 67 : i32
    %broadcast_in_dim3A_738 = vector.broadcast %jit3A_737 : i32 to vector<160x125xi32>
    %select_n3A_739 = arith.select %gt3A_735, %broadcast_in_dim3A_738, %select_n3A_728 : vector<160x125xi1>, vector<160x125xi32>
    %get3A_740 = arith.constant 0 : index
    %get3A_741 = arith.constant 0 : index
    %get3A_742 = arith.constant 68 : index
    %get3A_743 = arith.constant 0 : index
    %get3A_744 = vector.load %arg1[%get3A_740, %get3A_741, %get3A_742, %get3A_743] : memref<1x160x93x125xf32, #tpu.memory_space<vmem>>, vector<1x160x1x125xf32>
    %get3A_745 = vector.shape_cast %get3A_744 : vector<1x160x1x125xf32> to vector<160x125xf32>
    %gt3A_746 = arith.cmpf ogt, %get3A_745, %select_n3A_736 : vector<160x125xf32>
    %select_n3A_747 = arith.select %gt3A_746, %get3A_745, %select_n3A_736 : vector<160x125xi1>, vector<160x125xf32>
    %jit3A_748 = arith.constant 68 : i32
    %broadcast_in_dim3A_749 = vector.broadcast %jit3A_748 : i32 to vector<160x125xi32>
    %select_n3A_750 = arith.select %gt3A_746, %broadcast_in_dim3A_749, %select_n3A_739 : vector<160x125xi1>, vector<160x125xi32>
    %get3A_751 = arith.constant 0 : index
    %get3A_752 = arith.constant 0 : index
    %get3A_753 = arith.constant 69 : index
    %get3A_754 = arith.constant 0 : index
    %get3A_755 = vector.load %arg1[%get3A_751, %get3A_752, %get3A_753, %get3A_754] : memref<1x160x93x125xf32, #tpu.memory_space<vmem>>, vector<1x160x1x125xf32>
    %get3A_756 = vector.shape_cast %get3A_755 : vector<1x160x1x125xf32> to vector<160x125xf32>
    %gt3A_757 = arith.cmpf ogt, %get3A_756, %select_n3A_747 : vector<160x125xf32>
    %select_n3A_758 = arith.select %gt3A_757, %get3A_756, %select_n3A_747 : vector<160x125xi1>, vector<160x125xf32>
    %jit3A_759 = arith.constant 69 : i32
    %broadcast_in_dim3A_760 = vector.broadcast %jit3A_759 : i32 to vector<160x125xi32>
    %select_n3A_761 = arith.select %gt3A_757, %broadcast_in_dim3A_760, %select_n3A_750 : vector<160x125xi1>, vector<160x125xi32>
    %get3A_762 = arith.constant 0 : index
    %get3A_763 = arith.constant 0 : index
    %get3A_764 = arith.constant 70 : index
    %get3A_765 = arith.constant 0 : index
    %get3A_766 = vector.load %arg1[%get3A_762, %get3A_763, %get3A_764, %get3A_765] : memref<1x160x93x125xf32, #tpu.memory_space<vmem>>, vector<1x160x1x125xf32>
    %get3A_767 = vector.shape_cast %get3A_766 : vector<1x160x1x125xf32> to vector<160x125xf32>
    %gt3A_768 = arith.cmpf ogt, %get3A_767, %select_n3A_758 : vector<160x125xf32>
    %select_n3A_769 = arith.select %gt3A_768, %get3A_767, %select_n3A_758 : vector<160x125xi1>, vector<160x125xf32>
    %jit3A_770 = arith.constant 70 : i32
    %broadcast_in_dim3A_771 = vector.broadcast %jit3A_770 : i32 to vector<160x125xi32>
    %select_n3A_772 = arith.select %gt3A_768, %broadcast_in_dim3A_771, %select_n3A_761 : vector<160x125xi1>, vector<160x125xi32>
    %get3A_773 = arith.constant 0 : index
    %get3A_774 = arith.constant 0 : index
    %get3A_775 = arith.constant 71 : index
    %get3A_776 = arith.constant 0 : index
    %get3A_777 = vector.load %arg1[%get3A_773, %get3A_774, %get3A_775, %get3A_776] : memref<1x160x93x125xf32, #tpu.memory_space<vmem>>, vector<1x160x1x125xf32>
    %get3A_778 = vector.shape_cast %get3A_777 : vector<1x160x1x125xf32> to vector<160x125xf32>
    %gt3A_779 = arith.cmpf ogt, %get3A_778, %select_n3A_769 : vector<160x125xf32>
    %select_n3A_780 = arith.select %gt3A_779, %get3A_778, %select_n3A_769 : vector<160x125xi1>, vector<160x125xf32>
    %jit3A_781 = arith.constant 71 : i32
    %broadcast_in_dim3A_782 = vector.broadcast %jit3A_781 : i32 to vector<160x125xi32>
    %select_n3A_783 = arith.select %gt3A_779, %broadcast_in_dim3A_782, %select_n3A_772 : vector<160x125xi1>, vector<160x125xi32>
    %get3A_784 = arith.constant 0 : index
    %get3A_785 = arith.constant 0 : index
    %get3A_786 = arith.constant 72 : index
    %get3A_787 = arith.constant 0 : index
    %get3A_788 = vector.load %arg1[%get3A_784, %get3A_785, %get3A_786, %get3A_787] : memref<1x160x93x125xf32, #tpu.memory_space<vmem>>, vector<1x160x1x125xf32>
    %get3A_789 = vector.shape_cast %get3A_788 : vector<1x160x1x125xf32> to vector<160x125xf32>
    %gt3A_790 = arith.cmpf ogt, %get3A_789, %select_n3A_780 : vector<160x125xf32>
    %select_n3A_791 = arith.select %gt3A_790, %get3A_789, %select_n3A_780 : vector<160x125xi1>, vector<160x125xf32>
    %jit3A_792 = arith.constant 72 : i32
    %broadcast_in_dim3A_793 = vector.broadcast %jit3A_792 : i32 to vector<160x125xi32>
    %select_n3A_794 = arith.select %gt3A_790, %broadcast_in_dim3A_793, %select_n3A_783 : vector<160x125xi1>, vector<160x125xi32>
    %get3A_795 = arith.constant 0 : index
    %get3A_796 = arith.constant 0 : index
    %get3A_797 = arith.constant 73 : index
    %get3A_798 = arith.constant 0 : index
    %get3A_799 = vector.load %arg1[%get3A_795, %get3A_796, %get3A_797, %get3A_798] : memref<1x160x93x125xf32, #tpu.memory_space<vmem>>, vector<1x160x1x125xf32>
    %get3A_800 = vector.shape_cast %get3A_799 : vector<1x160x1x125xf32> to vector<160x125xf32>
    %gt3A_801 = arith.cmpf ogt, %get3A_800, %select_n3A_791 : vector<160x125xf32>
    %select_n3A_802 = arith.select %gt3A_801, %get3A_800, %select_n3A_791 : vector<160x125xi1>, vector<160x125xf32>
    %jit3A_803 = arith.constant 73 : i32
    %broadcast_in_dim3A_804 = vector.broadcast %jit3A_803 : i32 to vector<160x125xi32>
    %select_n3A_805 = arith.select %gt3A_801, %broadcast_in_dim3A_804, %select_n3A_794 : vector<160x125xi1>, vector<160x125xi32>
    %get3A_806 = arith.constant 0 : index
    %get3A_807 = arith.constant 0 : index
    %get3A_808 = arith.constant 74 : index
    %get3A_809 = arith.constant 0 : index
    %get3A_810 = vector.load %arg1[%get3A_806, %get3A_807, %get3A_808, %get3A_809] : memref<1x160x93x125xf32, #tpu.memory_space<vmem>>, vector<1x160x1x125xf32>
    %get3A_811 = vector.shape_cast %get3A_810 : vector<1x160x1x125xf32> to vector<160x125xf32>
    %gt3A_812 = arith.cmpf ogt, %get3A_811, %select_n3A_802 : vector<160x125xf32>
    %select_n3A_813 = arith.select %gt3A_812, %get3A_811, %select_n3A_802 : vector<160x125xi1>, vector<160x125xf32>
    %jit3A_814 = arith.constant 74 : i32
    %broadcast_in_dim3A_815 = vector.broadcast %jit3A_814 : i32 to vector<160x125xi32>
    %select_n3A_816 = arith.select %gt3A_812, %broadcast_in_dim3A_815, %select_n3A_805 : vector<160x125xi1>, vector<160x125xi32>
    %get3A_817 = arith.constant 0 : index
    %get3A_818 = arith.constant 0 : index
    %get3A_819 = arith.constant 75 : index
    %get3A_820 = arith.constant 0 : index
    %get3A_821 = vector.load %arg1[%get3A_817, %get3A_818, %get3A_819, %get3A_820] : memref<1x160x93x125xf32, #tpu.memory_space<vmem>>, vector<1x160x1x125xf32>
    %get3A_822 = vector.shape_cast %get3A_821 : vector<1x160x1x125xf32> to vector<160x125xf32>
    %gt3A_823 = arith.cmpf ogt, %get3A_822, %select_n3A_813 : vector<160x125xf32>
    %select_n3A_824 = arith.select %gt3A_823, %get3A_822, %select_n3A_813 : vector<160x125xi1>, vector<160x125xf32>
    %jit3A_825 = arith.constant 75 : i32
    %broadcast_in_dim3A_826 = vector.broadcast %jit3A_825 : i32 to vector<160x125xi32>
    %select_n3A_827 = arith.select %gt3A_823, %broadcast_in_dim3A_826, %select_n3A_816 : vector<160x125xi1>, vector<160x125xi32>
    %get3A_828 = arith.constant 0 : index
    %get3A_829 = arith.constant 0 : index
    %get3A_830 = arith.constant 76 : index
    %get3A_831 = arith.constant 0 : index
    %get3A_832 = vector.load %arg1[%get3A_828, %get3A_829, %get3A_830, %get3A_831] : memref<1x160x93x125xf32, #tpu.memory_space<vmem>>, vector<1x160x1x125xf32>
    %get3A_833 = vector.shape_cast %get3A_832 : vector<1x160x1x125xf32> to vector<160x125xf32>
    %gt3A_834 = arith.cmpf ogt, %get3A_833, %select_n3A_824 : vector<160x125xf32>
    %select_n3A_835 = arith.select %gt3A_834, %get3A_833, %select_n3A_824 : vector<160x125xi1>, vector<160x125xf32>
    %jit3A_836 = arith.constant 76 : i32
    %broadcast_in_dim3A_837 = vector.broadcast %jit3A_836 : i32 to vector<160x125xi32>
    %select_n3A_838 = arith.select %gt3A_834, %broadcast_in_dim3A_837, %select_n3A_827 : vector<160x125xi1>, vector<160x125xi32>
    %get3A_839 = arith.constant 0 : index
    %get3A_840 = arith.constant 0 : index
    %get3A_841 = arith.constant 77 : index
    %get3A_842 = arith.constant 0 : index
    %get3A_843 = vector.load %arg1[%get3A_839, %get3A_840, %get3A_841, %get3A_842] : memref<1x160x93x125xf32, #tpu.memory_space<vmem>>, vector<1x160x1x125xf32>
    %get3A_844 = vector.shape_cast %get3A_843 : vector<1x160x1x125xf32> to vector<160x125xf32>
    %gt3A_845 = arith.cmpf ogt, %get3A_844, %select_n3A_835 : vector<160x125xf32>
    %select_n3A_846 = arith.select %gt3A_845, %get3A_844, %select_n3A_835 : vector<160x125xi1>, vector<160x125xf32>
    %jit3A_847 = arith.constant 77 : i32
    %broadcast_in_dim3A_848 = vector.broadcast %jit3A_847 : i32 to vector<160x125xi32>
    %select_n3A_849 = arith.select %gt3A_845, %broadcast_in_dim3A_848, %select_n3A_838 : vector<160x125xi1>, vector<160x125xi32>
    %get3A_850 = arith.constant 0 : index
    %get3A_851 = arith.constant 0 : index
    %get3A_852 = arith.constant 78 : index
    %get3A_853 = arith.constant 0 : index
    %get3A_854 = vector.load %arg1[%get3A_850, %get3A_851, %get3A_852, %get3A_853] : memref<1x160x93x125xf32, #tpu.memory_space<vmem>>, vector<1x160x1x125xf32>
    %get3A_855 = vector.shape_cast %get3A_854 : vector<1x160x1x125xf32> to vector<160x125xf32>
    %gt3A_856 = arith.cmpf ogt, %get3A_855, %select_n3A_846 : vector<160x125xf32>
    %select_n3A_857 = arith.select %gt3A_856, %get3A_855, %select_n3A_846 : vector<160x125xi1>, vector<160x125xf32>
    %jit3A_858 = arith.constant 78 : i32
    %broadcast_in_dim3A_859 = vector.broadcast %jit3A_858 : i32 to vector<160x125xi32>
    %select_n3A_860 = arith.select %gt3A_856, %broadcast_in_dim3A_859, %select_n3A_849 : vector<160x125xi1>, vector<160x125xi32>
    %get3A_861 = arith.constant 0 : index
    %get3A_862 = arith.constant 0 : index
    %get3A_863 = arith.constant 79 : index
    %get3A_864 = arith.constant 0 : index
    %get3A_865 = vector.load %arg1[%get3A_861, %get3A_862, %get3A_863, %get3A_864] : memref<1x160x93x125xf32, #tpu.memory_space<vmem>>, vector<1x160x1x125xf32>
    %get3A_866 = vector.shape_cast %get3A_865 : vector<1x160x1x125xf32> to vector<160x125xf32>
    %gt3A_867 = arith.cmpf ogt, %get3A_866, %select_n3A_857 : vector<160x125xf32>
    %select_n3A_868 = arith.select %gt3A_867, %get3A_866, %select_n3A_857 : vector<160x125xi1>, vector<160x125xf32>
    %jit3A_869 = arith.constant 79 : i32
    %broadcast_in_dim3A_870 = vector.broadcast %jit3A_869 : i32 to vector<160x125xi32>
    %select_n3A_871 = arith.select %gt3A_867, %broadcast_in_dim3A_870, %select_n3A_860 : vector<160x125xi1>, vector<160x125xi32>
    %get3A_872 = arith.constant 0 : index
    %get3A_873 = arith.constant 0 : index
    %get3A_874 = arith.constant 80 : index
    %get3A_875 = arith.constant 0 : index
    %get3A_876 = vector.load %arg1[%get3A_872, %get3A_873, %get3A_874, %get3A_875] : memref<1x160x93x125xf32, #tpu.memory_space<vmem>>, vector<1x160x1x125xf32>
    %get3A_877 = vector.shape_cast %get3A_876 : vector<1x160x1x125xf32> to vector<160x125xf32>
    %gt3A_878 = arith.cmpf ogt, %get3A_877, %select_n3A_868 : vector<160x125xf32>
    %select_n3A_879 = arith.select %gt3A_878, %get3A_877, %select_n3A_868 : vector<160x125xi1>, vector<160x125xf32>
    %jit3A_880 = arith.constant 80 : i32
    %broadcast_in_dim3A_881 = vector.broadcast %jit3A_880 : i32 to vector<160x125xi32>
    %select_n3A_882 = arith.select %gt3A_878, %broadcast_in_dim3A_881, %select_n3A_871 : vector<160x125xi1>, vector<160x125xi32>
    %get3A_883 = arith.constant 0 : index
    %get3A_884 = arith.constant 0 : index
    %get3A_885 = arith.constant 81 : index
    %get3A_886 = arith.constant 0 : index
    %get3A_887 = vector.load %arg1[%get3A_883, %get3A_884, %get3A_885, %get3A_886] : memref<1x160x93x125xf32, #tpu.memory_space<vmem>>, vector<1x160x1x125xf32>
    %get3A_888 = vector.shape_cast %get3A_887 : vector<1x160x1x125xf32> to vector<160x125xf32>
    %get3A_889 = arith.constant 0 : index
    %get3A_890 = arith.constant 0 : index
    %get3A_891 = arith.constant 82 : index
    %get3A_892 = arith.constant 0 : index
    %get3A_893 = vector.load %arg1[%get3A_889, %get3A_890, %get3A_891, %get3A_892] : memref<1x160x93x125xf32, #tpu.memory_space<vmem>>, vector<1x160x1x125xf32>
    %get3A_894 = vector.shape_cast %get3A_893 : vector<1x160x1x125xf32> to vector<160x125xf32>
    %get3A_895 = arith.constant 0 : index
    %get3A_896 = arith.constant 0 : index
    %get3A_897 = arith.constant 83 : index
    %get3A_898 = arith.constant 0 : index
    %get3A_899 = vector.load %arg1[%get3A_895, %get3A_896, %get3A_897, %get3A_898] : memref<1x160x93x125xf32, #tpu.memory_space<vmem>>, vector<1x160x1x125xf32>
    %get3A_900 = vector.shape_cast %get3A_899 : vector<1x160x1x125xf32> to vector<160x125xf32>
    %get3A_901 = arith.constant 0 : index
    %get3A_902 = arith.constant 0 : index
    %get3A_903 = arith.constant 84 : index
    %get3A_904 = arith.constant 0 : index
    %get3A_905 = vector.load %arg1[%get3A_901, %get3A_902, %get3A_903, %get3A_904] : memref<1x160x93x125xf32, #tpu.memory_space<vmem>>, vector<1x160x1x125xf32>
    %get3A_906 = vector.shape_cast %get3A_905 : vector<1x160x1x125xf32> to vector<160x125xf32>
    %get3A_907 = arith.constant 0 : index
    %get3A_908 = arith.constant 0 : index
    %get3A_909 = arith.constant 85 : index
    %get3A_910 = arith.constant 0 : index
    %get3A_911 = vector.load %arg1[%get3A_907, %get3A_908, %get3A_909, %get3A_910] : memref<1x160x93x125xf32, #tpu.memory_space<vmem>>, vector<1x160x1x125xf32>
    %get3A_912 = vector.shape_cast %get3A_911 : vector<1x160x1x125xf32> to vector<160x125xf32>
    %get3A_913 = arith.constant 0 : index
    %get3A_914 = arith.constant 0 : index
    %get3A_915 = arith.constant 86 : index
    %get3A_916 = arith.constant 0 : index
    %get3A_917 = vector.load %arg1[%get3A_913, %get3A_914, %get3A_915, %get3A_916] : memref<1x160x93x125xf32, #tpu.memory_space<vmem>>, vector<1x160x1x125xf32>
    %get3A_918 = vector.shape_cast %get3A_917 : vector<1x160x1x125xf32> to vector<160x125xf32>
    %get3A_919 = arith.constant 0 : index
    %get3A_920 = arith.constant 0 : index
    %get3A_921 = arith.constant 87 : index
    %get3A_922 = arith.constant 0 : index
    %get3A_923 = vector.load %arg1[%get3A_919, %get3A_920, %get3A_921, %get3A_922] : memref<1x160x93x125xf32, #tpu.memory_space<vmem>>, vector<1x160x1x125xf32>
    %get3A_924 = vector.shape_cast %get3A_923 : vector<1x160x1x125xf32> to vector<160x125xf32>
    %get3A_925 = arith.constant 0 : index
    %get3A_926 = arith.constant 0 : index
    %get3A_927 = arith.constant 88 : index
    %get3A_928 = arith.constant 0 : index
    %get3A_929 = vector.load %arg1[%get3A_925, %get3A_926, %get3A_927, %get3A_928] : memref<1x160x93x125xf32, #tpu.memory_space<vmem>>, vector<1x160x1x125xf32>
    %get3A_930 = vector.shape_cast %get3A_929 : vector<1x160x1x125xf32> to vector<160x125xf32>
    %get3A_931 = arith.constant 0 : index
    %get3A_932 = arith.constant 0 : index
    %get3A_933 = arith.constant 89 : index
    %get3A_934 = arith.constant 0 : index
    %get3A_935 = vector.load %arg1[%get3A_931, %get3A_932, %get3A_933, %get3A_934] : memref<1x160x93x125xf32, #tpu.memory_space<vmem>>, vector<1x160x1x125xf32>
    %get3A_936 = vector.shape_cast %get3A_935 : vector<1x160x1x125xf32> to vector<160x125xf32>
    %get3A_937 = arith.constant 0 : index
    %get3A_938 = arith.constant 0 : index
    %get3A_939 = arith.constant 90 : index
    %get3A_940 = arith.constant 0 : index
    %get3A_941 = vector.load %arg1[%get3A_937, %get3A_938, %get3A_939, %get3A_940] : memref<1x160x93x125xf32, #tpu.memory_space<vmem>>, vector<1x160x1x125xf32>
    %get3A_942 = vector.shape_cast %get3A_941 : vector<1x160x1x125xf32> to vector<160x125xf32>
    %get3A_943 = arith.constant 0 : index
    %get3A_944 = arith.constant 0 : index
    %get3A_945 = arith.constant 91 : index
    %get3A_946 = arith.constant 0 : index
    %get3A_947 = vector.load %arg1[%get3A_943, %get3A_944, %get3A_945, %get3A_946] : memref<1x160x93x125xf32, #tpu.memory_space<vmem>>, vector<1x160x1x125xf32>
    %get3A_948 = vector.shape_cast %get3A_947 : vector<1x160x1x125xf32> to vector<160x125xf32>
    %get3A_949 = arith.constant 0 : index
    %get3A_950 = arith.constant 0 : index
    %get3A_951 = arith.constant 92 : index
    %get3A_952 = arith.constant 0 : index
    %get3A_953 = vector.load %arg1[%get3A_949, %get3A_950, %get3A_951, %get3A_952] : memref<1x160x93x125xf32, #tpu.memory_space<vmem>>, vector<1x160x1x125xf32>
    %get3A_954 = vector.shape_cast %get3A_953 : vector<1x160x1x125xf32> to vector<160x125xf32>
    %mul3A = arith.mulf %get3A_888, %get3A_936 : vector<160x125xf32>
    %mul3A_955 = arith.mulf %mul3A, %get3A_924 : vector<160x125xf32>
    %add3A = arith.addf %mul3A_955, %get3A_912 : vector<160x125xf32>
    %mul3A_956 = arith.mulf %get3A_894, %get3A_942 : vector<160x125xf32>
    %mul3A_957 = arith.mulf %mul3A_956, %get3A_930 : vector<160x125xf32>
    %add3A_958 = arith.addf %mul3A_957, %get3A_918 : vector<160x125xf32>
    %mul3A_959 = arith.mulf %get3A_900, %get3A_948 : vector<160x125xf32>
    %exp3A = math.exp %mul3A_959 : vector<160x125xf32>
    %mul3A_960 = arith.mulf %exp3A, %get3A_924 : vector<160x125xf32>
    %mul3A_961 = arith.mulf %get3A_906, %get3A_954 : vector<160x125xf32>
    %exp3A_962 = math.exp %mul3A_961 : vector<160x125xf32>
    %mul3A_963 = arith.mulf %exp3A_962, %get3A_930 : vector<160x125xf32>
    %mul3A_964 = arith.constant 5.000000e-01 : f32
    %mul3A_965 = vector.broadcast %mul3A_964 : f32 to vector<160x125xf32>
    %mul3A_966 = arith.mulf %mul3A_965, %mul3A_960 : vector<160x125xf32>
    %sub3A = arith.subf %add3A, %mul3A_966 : vector<160x125xf32>
    %mul3A_967 = arith.constant 5.120000e+02 : f32
    %mul3A_968 = vector.broadcast %mul3A_967 : f32 to vector<160x125xf32>
    %mul3A_969 = arith.mulf %sub3A, %mul3A_968 : vector<160x125xf32>
    %mul3A_970 = arith.constant 5.000000e-01 : f32
    %mul3A_971 = vector.broadcast %mul3A_970 : f32 to vector<160x125xf32>
    %mul3A_972 = arith.mulf %mul3A_971, %mul3A_963 : vector<160x125xf32>
    %sub3A_973 = arith.subf %add3A_958, %mul3A_972 : vector<160x125xf32>
    %mul3A_974 = arith.constant 5.120000e+02 : f32
    %mul3A_975 = vector.broadcast %mul3A_974 : f32 to vector<160x125xf32>
    %mul3A_976 = arith.mulf %sub3A_973, %mul3A_975 : vector<160x125xf32>
    %mul3A_977 = arith.constant 5.000000e-01 : f32
    %mul3A_978 = vector.broadcast %mul3A_977 : f32 to vector<160x125xf32>
    %mul3A_979 = arith.mulf %mul3A_978, %mul3A_960 : vector<160x125xf32>
    %add3A_980 = arith.addf %add3A, %mul3A_979 : vector<160x125xf32>
    %mul3A_981 = arith.constant 5.120000e+02 : f32
    %mul3A_982 = vector.broadcast %mul3A_981 : f32 to vector<160x125xf32>
    %mul3A_983 = arith.mulf %add3A_980, %mul3A_982 : vector<160x125xf32>
    %mul3A_984 = arith.constant 5.000000e-01 : f32
    %mul3A_985 = vector.broadcast %mul3A_984 : f32 to vector<160x125xf32>
    %mul3A_986 = arith.mulf %mul3A_985, %mul3A_963 : vector<160x125xf32>
    %add3A_987 = arith.addf %add3A_958, %mul3A_986 : vector<160x125xf32>
    %mul3A_988 = arith.constant 5.120000e+02 : f32
    %mul3A_989 = vector.broadcast %mul3A_988 : f32 to vector<160x125xf32>
    %mul3A_990 = arith.mulf %add3A_987, %mul3A_989 : vector<160x125xf32>
    %sub3A_991 = arith.subf %mul3A_983, %mul3A_969 : vector<160x125xf32>
    %max3A = arith.constant 0.000000e+00 : f32
    %max3A_992 = vector.broadcast %max3A : f32 to vector<160x125xf32>
    %max3A_993 = arith.maximumf %sub3A_991, %max3A_992 : vector<160x125xf32>
    %sub3A_994 = arith.subf %mul3A_990, %mul3A_976 : vector<160x125xf32>
    %max3A_995 = arith.constant 0.000000e+00 : f32
    %max3A_996 = vector.broadcast %max3A_995 : f32 to vector<160x125xf32>
    %max3A_997 = arith.maximumf %sub3A_994, %max3A_996 : vector<160x125xf32>
    %mul3A_998 = arith.mulf %max3A_993, %max3A_997 : vector<160x125xf32>
    %ne3A = arith.constant 0 : i32
    %ne3A_999 = vector.broadcast %ne3A : i32 to vector<160x125xi32>
    %ne3A_1000 = arith.cmpi ne, %select_n3A_882, %ne3A_999 : vector<160x125xi32>
    %ge3A = arith.constant 5.000000e-01 : f32
    %ge3A_1001 = vector.broadcast %ge3A : f32 to vector<160x125xf32>
    %ge3A_1002 = arith.cmpf oge, %select_n3A_879, %ge3A_1001 : vector<160x125xf32>
    %and3A = arith.andi %ne3A_1000, %ge3A_1002 : vector<160x125xi1>
    %jit3A_1003 = arith.constant 0xFF800000 : f32
    %broadcast_in_dim3A_1004 = vector.broadcast %jit3A_1003 : f32 to vector<160x125xf32>
    %select_n3A_1005 = arith.select %and3A, %select_n3A_879, %broadcast_in_dim3A_1004 : vector<160x125xi1>, vector<160x125xf32>
    %convert_element_type3A = arith.sitofp %select_n3A_882 : vector<160x125xi32> to vector<160x125xf32>
    %iota3A = tpu.iota {dimensions = array<i32: 0>} : vector<160x125xi32>
    %mul3A_1006 = arith.constant 125 : i32
    %mul3A_1007 = vector.broadcast %mul3A_1006 : i32 to vector<160x125xi32>
    %mul3A_1008 = arith.muli %iota3A, %mul3A_1007 : vector<160x125xi32>
    %iota3A_1009 = tpu.iota {dimensions = array<i32: 1>} : vector<160x125xi32>
    %add3A_1010 = arith.addi %mul3A_1008, %iota3A_1009 : vector<160x125xi32>
    %iota3A_1011 = tpu.iota {dimensions = array<i32: 0>} : vector<16x128xi32>
    %iota3A_1012 = tpu.iota {dimensions = array<i32: 1>} : vector<16x128xi32>
    %broadcast_in_dim3A_1013 = arith.constant 0.000000e+00 : f32
    %broadcast_in_dim3A_1014 = vector.broadcast %broadcast_in_dim3A_1013 : f32 to vector<16x128xf32>
    %reduce_max3A = vector.shape_cast %select_n3A_1005 : vector<160x125xf32> to vector<1x160x125xf32>
    %reduce_max3A_1015 = arith.constant dense<0xFF800000> : vector<1xf32>
    %reduce_max3A_1016 = vector.multi_reduction <maximumf>, %reduce_max3A, %reduce_max3A_1015 [1, 2] : vector<1x160x125xf32> to vector<1xf32>
    %reduce_max3A_1017 = vector.shape_cast %reduce_max3A_1016 : vector<1xf32> to vector<1x1x1xf32>
    %reduce_max3A_1018 = vector.extract %reduce_max3A_1017[0, 0, 0] : f32 from vector<1x1x1xf32>
    %gt3A_1019 = arith.constant 0xFF800000 : f32
    %gt3A_1020 = arith.cmpf ogt, %reduce_max3A_1018, %gt3A_1019 : f32
    %jit3A_1021 = arith.constant 1.000000e+00 : f32
    %jit3A_1022 = arith.constant 0.000000e+00 : f32
    %select_n3A_1023 = arith.select %gt3A_1020, %jit3A_1021, %jit3A_1022 : f32
    %eq3A = vector.broadcast %reduce_max3A_1018 : f32 to vector<160x125xf32>
    %eq3A_1024 = arith.cmpf oeq, %select_n3A_1005, %eq3A : vector<160x125xf32>
    %jit3A_1025 = arith.constant 1073741824 : i32
    %broadcast_in_dim3A_1026 = vector.broadcast %jit3A_1025 : i32 to vector<160x125xi32>
    %select_n3A_1027 = arith.select %eq3A_1024, %add3A_1010, %broadcast_in_dim3A_1026 : vector<160x125xi1>, vector<160x125xi32>
    %reduce_min3A = vector.shape_cast %select_n3A_1027 : vector<160x125xi32> to vector<1x160x125xi32>
    %reduce_min3A_1028 = arith.constant dense<2147483647> : vector<1xi32>
    %reduce_min3A_1029 = vector.multi_reduction <minsi>, %reduce_min3A, %reduce_min3A_1028 [1, 2] : vector<1x160x125xi32> to vector<1xi32>
    %reduce_min3A_1030 = vector.shape_cast %reduce_min3A_1029 : vector<1xi32> to vector<1x1x1xi32>
    %reduce_min3A_1031 = vector.extract %reduce_min3A_1030[0, 0, 0] : i32 from vector<1x1x1xi32>
    %eq3A_1032 = vector.broadcast %reduce_min3A_1031 : i32 to vector<160x125xi32>
    %eq3A_1033 = arith.cmpi eq, %add3A_1010, %eq3A_1032 : vector<160x125xi32>
    %jit3A_1034 = arith.constant 0.000000e+00 : f32
    %broadcast_in_dim3A_1035 = vector.broadcast %jit3A_1034 : f32 to vector<160x125xf32>
    %select_n3A_1036 = arith.select %eq3A_1033, %convert_element_type3A, %broadcast_in_dim3A_1035 : vector<160x125xi1>, vector<160x125xf32>
    %reduce_sum3A = vector.shape_cast %select_n3A_1036 : vector<160x125xf32> to vector<1x160x125xf32>
    %reduce_sum3A_1037 = arith.constant dense<0.000000e+00> : vector<1xf32>
    %reduce_sum3A_1038 = vector.multi_reduction <add>, %reduce_sum3A, %reduce_sum3A_1037 [1, 2] : vector<1x160x125xf32> to vector<1xf32>
    %reduce_sum3A_1039 = vector.shape_cast %reduce_sum3A_1038 : vector<1xf32> to vector<1x1x1xf32>
    %reduce_sum3A_1040 = vector.extract %reduce_sum3A_1039[0, 0, 0] : f32 from vector<1x1x1xf32>
    %jit3A_1041 = arith.constant 0.000000e+00 : f32
    %broadcast_in_dim3A_1042 = vector.broadcast %jit3A_1041 : f32 to vector<160x125xf32>
    %select_n3A_1043 = arith.select %eq3A_1033, %select_n3A_879, %broadcast_in_dim3A_1042 : vector<160x125xi1>, vector<160x125xf32>
    %reduce_sum3A_1044 = vector.shape_cast %select_n3A_1043 : vector<160x125xf32> to vector<1x160x125xf32>
    %reduce_sum3A_1045 = arith.constant dense<0.000000e+00> : vector<1xf32>
    %reduce_sum3A_1046 = vector.multi_reduction <add>, %reduce_sum3A_1044, %reduce_sum3A_1045 [1, 2] : vector<1x160x125xf32> to vector<1xf32>
    %reduce_sum3A_1047 = vector.shape_cast %reduce_sum3A_1046 : vector<1xf32> to vector<1x1x1xf32>
    %reduce_sum3A_1048 = vector.extract %reduce_sum3A_1047[0, 0, 0] : f32 from vector<1x1x1xf32>
    %jit3A_1049 = arith.constant 0.000000e+00 : f32
    %broadcast_in_dim3A_1050 = vector.broadcast %jit3A_1049 : f32 to vector<160x125xf32>
    %select_n3A_1051 = arith.select %eq3A_1033, %mul3A_969, %broadcast_in_dim3A_1050 : vector<160x125xi1>, vector<160x125xf32>
    %reduce_sum3A_1052 = vector.shape_cast %select_n3A_1051 : vector<160x125xf32> to vector<1x160x125xf32>
    %reduce_sum3A_1053 = arith.constant dense<0.000000e+00> : vector<1xf32>
    %reduce_sum3A_1054 = vector.multi_reduction <add>, %reduce_sum3A_1052, %reduce_sum3A_1053 [1, 2] : vector<1x160x125xf32> to vector<1xf32>
    %reduce_sum3A_1055 = vector.shape_cast %reduce_sum3A_1054 : vector<1xf32> to vector<1x1x1xf32>
    %reduce_sum3A_1056 = vector.extract %reduce_sum3A_1055[0, 0, 0] : f32 from vector<1x1x1xf32>
    %jit3A_1057 = arith.constant 0.000000e+00 : f32
    %broadcast_in_dim3A_1058 = vector.broadcast %jit3A_1057 : f32 to vector<160x125xf32>
    %select_n3A_1059 = arith.select %eq3A_1033, %mul3A_976, %broadcast_in_dim3A_1058 : vector<160x125xi1>, vector<160x125xf32>
    %reduce_sum3A_1060 = vector.shape_cast %select_n3A_1059 : vector<160x125xf32> to vector<1x160x125xf32>
    %reduce_sum3A_1061 = arith.constant dense<0.000000e+00> : vector<1xf32>
    %reduce_sum3A_1062 = vector.multi_reduction <add>, %reduce_sum3A_1060, %reduce_sum3A_1061 [1, 2] : vector<1x160x125xf32> to vector<1xf32>
    %reduce_sum3A_1063 = vector.shape_cast %reduce_sum3A_1062 : vector<1xf32> to vector<1x1x1xf32>
    %reduce_sum3A_1064 = vector.extract %reduce_sum3A_1063[0, 0, 0] : f32 from vector<1x1x1xf32>
    %jit3A_1065 = arith.constant 0.000000e+00 : f32
    %broadcast_in_dim3A_1066 = vector.broadcast %jit3A_1065 : f32 to vector<160x125xf32>
    %select_n3A_1067 = arith.select %eq3A_1033, %mul3A_983, %broadcast_in_dim3A_1066 : vector<160x125xi1>, vector<160x125xf32>
    %reduce_sum3A_1068 = vector.shape_cast %select_n3A_1067 : vector<160x125xf32> to vector<1x160x125xf32>
    %reduce_sum3A_1069 = arith.constant dense<0.000000e+00> : vector<1xf32>
    %reduce_sum3A_1070 = vector.multi_reduction <add>, %reduce_sum3A_1068, %reduce_sum3A_1069 [1, 2] : vector<1x160x125xf32> to vector<1xf32>
    %reduce_sum3A_1071 = vector.shape_cast %reduce_sum3A_1070 : vector<1xf32> to vector<1x1x1xf32>
    %reduce_sum3A_1072 = vector.extract %reduce_sum3A_1071[0, 0, 0] : f32 from vector<1x1x1xf32>
    %jit3A_1073 = arith.constant 0.000000e+00 : f32
    %broadcast_in_dim3A_1074 = vector.broadcast %jit3A_1073 : f32 to vector<160x125xf32>
    %select_n3A_1075 = arith.select %eq3A_1033, %mul3A_990, %broadcast_in_dim3A_1074 : vector<160x125xi1>, vector<160x125xf32>
    %reduce_sum3A_1076 = vector.shape_cast %select_n3A_1075 : vector<160x125xf32> to vector<1x160x125xf32>
    %reduce_sum3A_1077 = arith.constant dense<0.000000e+00> : vector<1xf32>
    %reduce_sum3A_1078 = vector.multi_reduction <add>, %reduce_sum3A_1076, %reduce_sum3A_1077 [1, 2] : vector<1x160x125xf32> to vector<1xf32>
    %reduce_sum3A_1079 = vector.shape_cast %reduce_sum3A_1078 : vector<1xf32> to vector<1x1x1xf32>
    %reduce_sum3A_1080 = vector.extract %reduce_sum3A_1079[0, 0, 0] : f32 from vector<1x1x1xf32>
    %eq3A_1081 = arith.constant 0 : i32
    %eq3A_1082 = vector.broadcast %eq3A_1081 : i32 to vector<16x128xi32>
    %eq3A_1083 = arith.cmpi eq, %iota3A_1012, %eq3A_1082 : vector<16x128xi32>
    %jit3A_1084 = arith.constant 0.000000e+00 : f32
    %broadcast_in_dim3A_1085 = vector.broadcast %reduce_sum3A_1040 : f32 to vector<16x128xf32>
    %broadcast_in_dim3A_1086 = vector.broadcast %jit3A_1084 : f32 to vector<16x128xf32>
    %select_n3A_1087 = arith.select %eq3A_1083, %broadcast_in_dim3A_1085, %broadcast_in_dim3A_1086 : vector<16x128xi1>, vector<16x128xf32>
    %eq3A_1088 = arith.constant 1 : i32
    %eq3A_1089 = vector.broadcast %eq3A_1088 : i32 to vector<16x128xi32>
    %eq3A_1090 = arith.cmpi eq, %iota3A_1012, %eq3A_1089 : vector<16x128xi32>
    %jit3A_1091 = arith.constant 0.000000e+00 : f32
    %broadcast_in_dim3A_1092 = vector.broadcast %reduce_sum3A_1048 : f32 to vector<16x128xf32>
    %broadcast_in_dim3A_1093 = vector.broadcast %jit3A_1091 : f32 to vector<16x128xf32>
    %select_n3A_1094 = arith.select %eq3A_1090, %broadcast_in_dim3A_1092, %broadcast_in_dim3A_1093 : vector<16x128xi1>, vector<16x128xf32>
    %add3A_1095 = arith.addf %select_n3A_1087, %select_n3A_1094 : vector<16x128xf32>
    %eq3A_1096 = arith.constant 2 : i32
    %eq3A_1097 = vector.broadcast %eq3A_1096 : i32 to vector<16x128xi32>
    %eq3A_1098 = arith.cmpi eq, %iota3A_1012, %eq3A_1097 : vector<16x128xi32>
    %jit3A_1099 = arith.constant 0.000000e+00 : f32
    %broadcast_in_dim3A_1100 = vector.broadcast %reduce_sum3A_1056 : f32 to vector<16x128xf32>
    %broadcast_in_dim3A_1101 = vector.broadcast %jit3A_1099 : f32 to vector<16x128xf32>
    %select_n3A_1102 = arith.select %eq3A_1098, %broadcast_in_dim3A_1100, %broadcast_in_dim3A_1101 : vector<16x128xi1>, vector<16x128xf32>
    %add3A_1103 = arith.addf %add3A_1095, %select_n3A_1102 : vector<16x128xf32>
    %eq3A_1104 = arith.constant 3 : i32
    %eq3A_1105 = vector.broadcast %eq3A_1104 : i32 to vector<16x128xi32>
    %eq3A_1106 = arith.cmpi eq, %iota3A_1012, %eq3A_1105 : vector<16x128xi32>
    %jit3A_1107 = arith.constant 0.000000e+00 : f32
    %broadcast_in_dim3A_1108 = vector.broadcast %reduce_sum3A_1064 : f32 to vector<16x128xf32>
    %broadcast_in_dim3A_1109 = vector.broadcast %jit3A_1107 : f32 to vector<16x128xf32>
    %select_n3A_1110 = arith.select %eq3A_1106, %broadcast_in_dim3A_1108, %broadcast_in_dim3A_1109 : vector<16x128xi1>, vector<16x128xf32>
    %add3A_1111 = arith.addf %add3A_1103, %select_n3A_1110 : vector<16x128xf32>
    %eq3A_1112 = arith.constant 4 : i32
    %eq3A_1113 = vector.broadcast %eq3A_1112 : i32 to vector<16x128xi32>
    %eq3A_1114 = arith.cmpi eq, %iota3A_1012, %eq3A_1113 : vector<16x128xi32>
    %jit3A_1115 = arith.constant 0.000000e+00 : f32
    %broadcast_in_dim3A_1116 = vector.broadcast %reduce_sum3A_1072 : f32 to vector<16x128xf32>
    %broadcast_in_dim3A_1117 = vector.broadcast %jit3A_1115 : f32 to vector<16x128xf32>
    %select_n3A_1118 = arith.select %eq3A_1114, %broadcast_in_dim3A_1116, %broadcast_in_dim3A_1117 : vector<16x128xi1>, vector<16x128xf32>
    %add3A_1119 = arith.addf %add3A_1111, %select_n3A_1118 : vector<16x128xf32>
    %eq3A_1120 = arith.constant 5 : i32
    %eq3A_1121 = vector.broadcast %eq3A_1120 : i32 to vector<16x128xi32>
    %eq3A_1122 = arith.cmpi eq, %iota3A_1012, %eq3A_1121 : vector<16x128xi32>
    %jit3A_1123 = arith.constant 0.000000e+00 : f32
    %broadcast_in_dim3A_1124 = vector.broadcast %reduce_sum3A_1080 : f32 to vector<16x128xf32>
    %broadcast_in_dim3A_1125 = vector.broadcast %jit3A_1123 : f32 to vector<16x128xf32>
    %select_n3A_1126 = arith.select %eq3A_1122, %broadcast_in_dim3A_1124, %broadcast_in_dim3A_1125 : vector<16x128xi1>, vector<16x128xf32>
    %add3A_1127 = arith.addf %add3A_1119, %select_n3A_1126 : vector<16x128xf32>
    %eq3A_1128 = arith.constant 0 : i32
    %eq3A_1129 = vector.broadcast %eq3A_1128 : i32 to vector<16x128xi32>
    %eq3A_1130 = arith.cmpi eq, %iota3A_1011, %eq3A_1129 : vector<16x128xi32>
    %jit3A_1131 = arith.constant 0.000000e+00 : f32
    %broadcast_in_dim3A_1132 = vector.broadcast %jit3A_1131 : f32 to vector<16x128xf32>
    %select_n3A_1133 = arith.select %eq3A_1130, %add3A_1127, %broadcast_in_dim3A_1132 : vector<16x128xi1>, vector<16x128xf32>
    %mul3A_1134 = vector.broadcast %select_n3A_1023 : f32 to vector<16x128xf32>
    %mul3A_1135 = arith.mulf %mul3A_1134, %select_n3A_1133 : vector<16x128xf32>
    %add3A_1136 = arith.addf %broadcast_in_dim3A_1014, %mul3A_1135 : vector<16x128xf32>
    %max3A_1137 = vector.broadcast %reduce_sum3A_1056 : f32 to vector<160x125xf32>
    %max3A_1138 = arith.maximumf %mul3A_969, %max3A_1137 : vector<160x125xf32>
    %max3A_1139 = vector.broadcast %reduce_sum3A_1064 : f32 to vector<160x125xf32>
    %max3A_1140 = arith.maximumf %mul3A_976, %max3A_1139 : vector<160x125xf32>
    %min3A = vector.broadcast %reduce_sum3A_1072 : f32 to vector<160x125xf32>
    %min3A_1141 = arith.minimumf %mul3A_983, %min3A : vector<160x125xf32>
    %min3A_1142 = vector.broadcast %reduce_sum3A_1080 : f32 to vector<160x125xf32>
    %min3A_1143 = arith.minimumf %mul3A_990, %min3A_1142 : vector<160x125xf32>
    %sub3A_1144 = arith.subf %min3A_1141, %max3A_1138 : vector<160x125xf32>
    %max3A_1145 = arith.constant 0.000000e+00 : f32
    %max3A_1146 = vector.broadcast %max3A_1145 : f32 to vector<160x125xf32>
    %max3A_1147 = arith.maximumf %sub3A_1144, %max3A_1146 : vector<160x125xf32>
    %sub3A_1148 = arith.subf %min3A_1143, %max3A_1140 : vector<160x125xf32>
    %max3A_1149 = arith.constant 0.000000e+00 : f32
    %max3A_1150 = vector.broadcast %max3A_1149 : f32 to vector<160x125xf32>
    %max3A_1151 = arith.maximumf %sub3A_1148, %max3A_1150 : vector<160x125xf32>
    %mul3A_1152 = arith.mulf %max3A_1147, %max3A_1151 : vector<160x125xf32>
    %sub3A_1153 = arith.subf %reduce_sum3A_1072, %reduce_sum3A_1056 : f32
    %max3A_1154 = arith.constant 0.000000e+00 : f32
    %max3A_1155 = arith.maximumf %sub3A_1153, %max3A_1154 : f32
    %sub3A_1156 = arith.subf %reduce_sum3A_1080, %reduce_sum3A_1064 : f32
    %max3A_1157 = arith.constant 0.000000e+00 : f32
    %max3A_1158 = arith.maximumf %sub3A_1156, %max3A_1157 : f32
    %mul3A_1159 = arith.mulf %max3A_1155, %max3A_1158 : f32
    %add3A_1160 = vector.broadcast %mul3A_1159 : f32 to vector<160x125xf32>
    %add3A_1161 = arith.addf %mul3A_998, %add3A_1160 : vector<160x125xf32>
    %sub3A_1162 = arith.subf %add3A_1161, %mul3A_1152 : vector<160x125xf32>
    %max3A_1163 = arith.constant 9.99999993E-9 : f32
    %max3A_1164 = vector.broadcast %max3A_1163 : f32 to vector<160x125xf32>
    %max3A_1165 = arith.maximumf %sub3A_1162, %max3A_1164 : vector<160x125xf32>
    %div3A = arith.divf %mul3A_1152, %max3A_1165 : vector<160x125xf32>
    %gt3A_1166 = arith.constant 3.500000e-01 : f32
    %gt3A_1167 = vector.broadcast %gt3A_1166 : f32 to vector<160x125xf32>
    %gt3A_1168 = arith.cmpf ogt, %div3A, %gt3A_1167 : vector<160x125xf32>
    %or3A = arith.ori %gt3A_1168, %eq3A_1033 : vector<160x125xi1>
    %and3A_1169 = vector.broadcast %gt3A_1020 : i1 to vector<160x125xi1>
    %and3A_1170 = arith.andi %or3A, %and3A_1169 : vector<160x125xi1>
    %jit3A_1171 = arith.constant 0xFF800000 : f32
    %broadcast_in_dim3A_1172 = vector.broadcast %jit3A_1171 : f32 to vector<160x125xf32>
    %select_n3A_1173 = arith.select %and3A_1170, %broadcast_in_dim3A_1172, %select_n3A_1005 : vector<160x125xi1>, vector<160x125xf32>
    %reduce_max3A_1174 = vector.shape_cast %select_n3A_1173 : vector<160x125xf32> to vector<1x160x125xf32>
    %reduce_max3A_1175 = arith.constant dense<0xFF800000> : vector<1xf32>
    %reduce_max3A_1176 = vector.multi_reduction <maximumf>, %reduce_max3A_1174, %reduce_max3A_1175 [1, 2] : vector<1x160x125xf32> to vector<1xf32>
    %reduce_max3A_1177 = vector.shape_cast %reduce_max3A_1176 : vector<1xf32> to vector<1x1x1xf32>
    %reduce_max3A_1178 = vector.extract %reduce_max3A_1177[0, 0, 0] : f32 from vector<1x1x1xf32>
    %gt3A_1179 = arith.constant 0xFF800000 : f32
    %gt3A_1180 = arith.cmpf ogt, %reduce_max3A_1178, %gt3A_1179 : f32
    %jit3A_1181 = arith.constant 1.000000e+00 : f32
    %jit3A_1182 = arith.constant 0.000000e+00 : f32
    %select_n3A_1183 = arith.select %gt3A_1180, %jit3A_1181, %jit3A_1182 : f32
    %eq3A_1184 = vector.broadcast %reduce_max3A_1178 : f32 to vector<160x125xf32>
    %eq3A_1185 = arith.cmpf oeq, %select_n3A_1173, %eq3A_1184 : vector<160x125xf32>
    %jit3A_1186 = arith.constant 1073741824 : i32
    %broadcast_in_dim3A_1187 = vector.broadcast %jit3A_1186 : i32 to vector<160x125xi32>
    %select_n3A_1188 = arith.select %eq3A_1185, %add3A_1010, %broadcast_in_dim3A_1187 : vector<160x125xi1>, vector<160x125xi32>
    %reduce_min3A_1189 = vector.shape_cast %select_n3A_1188 : vector<160x125xi32> to vector<1x160x125xi32>
    %reduce_min3A_1190 = arith.constant dense<2147483647> : vector<1xi32>
    %reduce_min3A_1191 = vector.multi_reduction <minsi>, %reduce_min3A_1189, %reduce_min3A_1190 [1, 2] : vector<1x160x125xi32> to vector<1xi32>
    %reduce_min3A_1192 = vector.shape_cast %reduce_min3A_1191 : vector<1xi32> to vector<1x1x1xi32>
    %reduce_min3A_1193 = vector.extract %reduce_min3A_1192[0, 0, 0] : i32 from vector<1x1x1xi32>
    %eq3A_1194 = vector.broadcast %reduce_min3A_1193 : i32 to vector<160x125xi32>
    %eq3A_1195 = arith.cmpi eq, %add3A_1010, %eq3A_1194 : vector<160x125xi32>
    %jit3A_1196 = arith.constant 0.000000e+00 : f32
    %broadcast_in_dim3A_1197 = vector.broadcast %jit3A_1196 : f32 to vector<160x125xf32>
    %select_n3A_1198 = arith.select %eq3A_1195, %convert_element_type3A, %broadcast_in_dim3A_1197 : vector<160x125xi1>, vector<160x125xf32>
    %reduce_sum3A_1199 = vector.shape_cast %select_n3A_1198 : vector<160x125xf32> to vector<1x160x125xf32>
    %reduce_sum3A_1200 = arith.constant dense<0.000000e+00> : vector<1xf32>
    %reduce_sum3A_1201 = vector.multi_reduction <add>, %reduce_sum3A_1199, %reduce_sum3A_1200 [1, 2] : vector<1x160x125xf32> to vector<1xf32>
    %reduce_sum3A_1202 = vector.shape_cast %reduce_sum3A_1201 : vector<1xf32> to vector<1x1x1xf32>
    %reduce_sum3A_1203 = vector.extract %reduce_sum3A_1202[0, 0, 0] : f32 from vector<1x1x1xf32>
    %jit3A_1204 = arith.constant 0.000000e+00 : f32
    %broadcast_in_dim3A_1205 = vector.broadcast %jit3A_1204 : f32 to vector<160x125xf32>
    %select_n3A_1206 = arith.select %eq3A_1195, %select_n3A_879, %broadcast_in_dim3A_1205 : vector<160x125xi1>, vector<160x125xf32>
    %reduce_sum3A_1207 = vector.shape_cast %select_n3A_1206 : vector<160x125xf32> to vector<1x160x125xf32>
    %reduce_sum3A_1208 = arith.constant dense<0.000000e+00> : vector<1xf32>
    %reduce_sum3A_1209 = vector.multi_reduction <add>, %reduce_sum3A_1207, %reduce_sum3A_1208 [1, 2] : vector<1x160x125xf32> to vector<1xf32>
    %reduce_sum3A_1210 = vector.shape_cast %reduce_sum3A_1209 : vector<1xf32> to vector<1x1x1xf32>
    %reduce_sum3A_1211 = vector.extract %reduce_sum3A_1210[0, 0, 0] : f32 from vector<1x1x1xf32>
    %jit3A_1212 = arith.constant 0.000000e+00 : f32
    %broadcast_in_dim3A_1213 = vector.broadcast %jit3A_1212 : f32 to vector<160x125xf32>
    %select_n3A_1214 = arith.select %eq3A_1195, %mul3A_969, %broadcast_in_dim3A_1213 : vector<160x125xi1>, vector<160x125xf32>
    %reduce_sum3A_1215 = vector.shape_cast %select_n3A_1214 : vector<160x125xf32> to vector<1x160x125xf32>
    %reduce_sum3A_1216 = arith.constant dense<0.000000e+00> : vector<1xf32>
    %reduce_sum3A_1217 = vector.multi_reduction <add>, %reduce_sum3A_1215, %reduce_sum3A_1216 [1, 2] : vector<1x160x125xf32> to vector<1xf32>
    %reduce_sum3A_1218 = vector.shape_cast %reduce_sum3A_1217 : vector<1xf32> to vector<1x1x1xf32>
    %reduce_sum3A_1219 = vector.extract %reduce_sum3A_1218[0, 0, 0] : f32 from vector<1x1x1xf32>
    %jit3A_1220 = arith.constant 0.000000e+00 : f32
    %broadcast_in_dim3A_1221 = vector.broadcast %jit3A_1220 : f32 to vector<160x125xf32>
    %select_n3A_1222 = arith.select %eq3A_1195, %mul3A_976, %broadcast_in_dim3A_1221 : vector<160x125xi1>, vector<160x125xf32>
    %reduce_sum3A_1223 = vector.shape_cast %select_n3A_1222 : vector<160x125xf32> to vector<1x160x125xf32>
    %reduce_sum3A_1224 = arith.constant dense<0.000000e+00> : vector<1xf32>
    %reduce_sum3A_1225 = vector.multi_reduction <add>, %reduce_sum3A_1223, %reduce_sum3A_1224 [1, 2] : vector<1x160x125xf32> to vector<1xf32>
    %reduce_sum3A_1226 = vector.shape_cast %reduce_sum3A_1225 : vector<1xf32> to vector<1x1x1xf32>
    %reduce_sum3A_1227 = vector.extract %reduce_sum3A_1226[0, 0, 0] : f32 from vector<1x1x1xf32>
    %jit3A_1228 = arith.constant 0.000000e+00 : f32
    %broadcast_in_dim3A_1229 = vector.broadcast %jit3A_1228 : f32 to vector<160x125xf32>
    %select_n3A_1230 = arith.select %eq3A_1195, %mul3A_983, %broadcast_in_dim3A_1229 : vector<160x125xi1>, vector<160x125xf32>
    %reduce_sum3A_1231 = vector.shape_cast %select_n3A_1230 : vector<160x125xf32> to vector<1x160x125xf32>
    %reduce_sum3A_1232 = arith.constant dense<0.000000e+00> : vector<1xf32>
    %reduce_sum3A_1233 = vector.multi_reduction <add>, %reduce_sum3A_1231, %reduce_sum3A_1232 [1, 2] : vector<1x160x125xf32> to vector<1xf32>
    %reduce_sum3A_1234 = vector.shape_cast %reduce_sum3A_1233 : vector<1xf32> to vector<1x1x1xf32>
    %reduce_sum3A_1235 = vector.extract %reduce_sum3A_1234[0, 0, 0] : f32 from vector<1x1x1xf32>
    %jit3A_1236 = arith.constant 0.000000e+00 : f32
    %broadcast_in_dim3A_1237 = vector.broadcast %jit3A_1236 : f32 to vector<160x125xf32>
    %select_n3A_1238 = arith.select %eq3A_1195, %mul3A_990, %broadcast_in_dim3A_1237 : vector<160x125xi1>, vector<160x125xf32>
    %reduce_sum3A_1239 = vector.shape_cast %select_n3A_1238 : vector<160x125xf32> to vector<1x160x125xf32>
    %reduce_sum3A_1240 = arith.constant dense<0.000000e+00> : vector<1xf32>
    %reduce_sum3A_1241 = vector.multi_reduction <add>, %reduce_sum3A_1239, %reduce_sum3A_1240 [1, 2] : vector<1x160x125xf32> to vector<1xf32>
    %reduce_sum3A_1242 = vector.shape_cast %reduce_sum3A_1241 : vector<1xf32> to vector<1x1x1xf32>
    %reduce_sum3A_1243 = vector.extract %reduce_sum3A_1242[0, 0, 0] : f32 from vector<1x1x1xf32>
    %eq3A_1244 = arith.constant 0 : i32
    %eq3A_1245 = vector.broadcast %eq3A_1244 : i32 to vector<16x128xi32>
    %eq3A_1246 = arith.cmpi eq, %iota3A_1012, %eq3A_1245 : vector<16x128xi32>
    %jit3A_1247 = arith.constant 0.000000e+00 : f32
    %broadcast_in_dim3A_1248 = vector.broadcast %reduce_sum3A_1203 : f32 to vector<16x128xf32>
    %broadcast_in_dim3A_1249 = vector.broadcast %jit3A_1247 : f32 to vector<16x128xf32>
    %select_n3A_1250 = arith.select %eq3A_1246, %broadcast_in_dim3A_1248, %broadcast_in_dim3A_1249 : vector<16x128xi1>, vector<16x128xf32>
    %eq3A_1251 = arith.constant 1 : i32
    %eq3A_1252 = vector.broadcast %eq3A_1251 : i32 to vector<16x128xi32>
    %eq3A_1253 = arith.cmpi eq, %iota3A_1012, %eq3A_1252 : vector<16x128xi32>
    %jit3A_1254 = arith.constant 0.000000e+00 : f32
    %broadcast_in_dim3A_1255 = vector.broadcast %reduce_sum3A_1211 : f32 to vector<16x128xf32>
    %broadcast_in_dim3A_1256 = vector.broadcast %jit3A_1254 : f32 to vector<16x128xf32>
    %select_n3A_1257 = arith.select %eq3A_1253, %broadcast_in_dim3A_1255, %broadcast_in_dim3A_1256 : vector<16x128xi1>, vector<16x128xf32>
    %add3A_1258 = arith.addf %select_n3A_1250, %select_n3A_1257 : vector<16x128xf32>
    %eq3A_1259 = arith.constant 2 : i32
    %eq3A_1260 = vector.broadcast %eq3A_1259 : i32 to vector<16x128xi32>
    %eq3A_1261 = arith.cmpi eq, %iota3A_1012, %eq3A_1260 : vector<16x128xi32>
    %jit3A_1262 = arith.constant 0.000000e+00 : f32
    %broadcast_in_dim3A_1263 = vector.broadcast %reduce_sum3A_1219 : f32 to vector<16x128xf32>
    %broadcast_in_dim3A_1264 = vector.broadcast %jit3A_1262 : f32 to vector<16x128xf32>
    %select_n3A_1265 = arith.select %eq3A_1261, %broadcast_in_dim3A_1263, %broadcast_in_dim3A_1264 : vector<16x128xi1>, vector<16x128xf32>
    %add3A_1266 = arith.addf %add3A_1258, %select_n3A_1265 : vector<16x128xf32>
    %eq3A_1267 = arith.constant 3 : i32
    %eq3A_1268 = vector.broadcast %eq3A_1267 : i32 to vector<16x128xi32>
    %eq3A_1269 = arith.cmpi eq, %iota3A_1012, %eq3A_1268 : vector<16x128xi32>
    %jit3A_1270 = arith.constant 0.000000e+00 : f32
    %broadcast_in_dim3A_1271 = vector.broadcast %reduce_sum3A_1227 : f32 to vector<16x128xf32>
    %broadcast_in_dim3A_1272 = vector.broadcast %jit3A_1270 : f32 to vector<16x128xf32>
    %select_n3A_1273 = arith.select %eq3A_1269, %broadcast_in_dim3A_1271, %broadcast_in_dim3A_1272 : vector<16x128xi1>, vector<16x128xf32>
    %add3A_1274 = arith.addf %add3A_1266, %select_n3A_1273 : vector<16x128xf32>
    %eq3A_1275 = arith.constant 4 : i32
    %eq3A_1276 = vector.broadcast %eq3A_1275 : i32 to vector<16x128xi32>
    %eq3A_1277 = arith.cmpi eq, %iota3A_1012, %eq3A_1276 : vector<16x128xi32>
    %jit3A_1278 = arith.constant 0.000000e+00 : f32
    %broadcast_in_dim3A_1279 = vector.broadcast %reduce_sum3A_1235 : f32 to vector<16x128xf32>
    %broadcast_in_dim3A_1280 = vector.broadcast %jit3A_1278 : f32 to vector<16x128xf32>
    %select_n3A_1281 = arith.select %eq3A_1277, %broadcast_in_dim3A_1279, %broadcast_in_dim3A_1280 : vector<16x128xi1>, vector<16x128xf32>
    %add3A_1282 = arith.addf %add3A_1274, %select_n3A_1281 : vector<16x128xf32>
    %eq3A_1283 = arith.constant 5 : i32
    %eq3A_1284 = vector.broadcast %eq3A_1283 : i32 to vector<16x128xi32>
    %eq3A_1285 = arith.cmpi eq, %iota3A_1012, %eq3A_1284 : vector<16x128xi32>
    %jit3A_1286 = arith.constant 0.000000e+00 : f32
    %broadcast_in_dim3A_1287 = vector.broadcast %reduce_sum3A_1243 : f32 to vector<16x128xf32>
    %broadcast_in_dim3A_1288 = vector.broadcast %jit3A_1286 : f32 to vector<16x128xf32>
    %select_n3A_1289 = arith.select %eq3A_1285, %broadcast_in_dim3A_1287, %broadcast_in_dim3A_1288 : vector<16x128xi1>, vector<16x128xf32>
    %add3A_1290 = arith.addf %add3A_1282, %select_n3A_1289 : vector<16x128xf32>
    %eq3A_1291 = arith.constant 1 : i32
    %eq3A_1292 = vector.broadcast %eq3A_1291 : i32 to vector<16x128xi32>
    %eq3A_1293 = arith.cmpi eq, %iota3A_1011, %eq3A_1292 : vector<16x128xi32>
    %jit3A_1294 = arith.constant 0.000000e+00 : f32
    %broadcast_in_dim3A_1295 = vector.broadcast %jit3A_1294 : f32 to vector<16x128xf32>
    %select_n3A_1296 = arith.select %eq3A_1293, %add3A_1290, %broadcast_in_dim3A_1295 : vector<16x128xi1>, vector<16x128xf32>
    %mul3A_1297 = vector.broadcast %select_n3A_1183 : f32 to vector<16x128xf32>
    %mul3A_1298 = arith.mulf %mul3A_1297, %select_n3A_1296 : vector<16x128xf32>
    %add3A_1299 = arith.addf %add3A_1136, %mul3A_1298 : vector<16x128xf32>
    %max3A_1300 = vector.broadcast %reduce_sum3A_1219 : f32 to vector<160x125xf32>
    %max3A_1301 = arith.maximumf %mul3A_969, %max3A_1300 : vector<160x125xf32>
    %max3A_1302 = vector.broadcast %reduce_sum3A_1227 : f32 to vector<160x125xf32>
    %max3A_1303 = arith.maximumf %mul3A_976, %max3A_1302 : vector<160x125xf32>
    %min3A_1304 = vector.broadcast %reduce_sum3A_1235 : f32 to vector<160x125xf32>
    %min3A_1305 = arith.minimumf %mul3A_983, %min3A_1304 : vector<160x125xf32>
    %min3A_1306 = vector.broadcast %reduce_sum3A_1243 : f32 to vector<160x125xf32>
    %min3A_1307 = arith.minimumf %mul3A_990, %min3A_1306 : vector<160x125xf32>
    %sub3A_1308 = arith.subf %min3A_1305, %max3A_1301 : vector<160x125xf32>
    %max3A_1309 = arith.constant 0.000000e+00 : f32
    %max3A_1310 = vector.broadcast %max3A_1309 : f32 to vector<160x125xf32>
    %max3A_1311 = arith.maximumf %sub3A_1308, %max3A_1310 : vector<160x125xf32>
    %sub3A_1312 = arith.subf %min3A_1307, %max3A_1303 : vector<160x125xf32>
    %max3A_1313 = arith.constant 0.000000e+00 : f32
    %max3A_1314 = vector.broadcast %max3A_1313 : f32 to vector<160x125xf32>
    %max3A_1315 = arith.maximumf %sub3A_1312, %max3A_1314 : vector<160x125xf32>
    %mul3A_1316 = arith.mulf %max3A_1311, %max3A_1315 : vector<160x125xf32>
    %sub3A_1317 = arith.subf %reduce_sum3A_1235, %reduce_sum3A_1219 : f32
    %max3A_1318 = arith.constant 0.000000e+00 : f32
    %max3A_1319 = arith.maximumf %sub3A_1317, %max3A_1318 : f32
    %sub3A_1320 = arith.subf %reduce_sum3A_1243, %reduce_sum3A_1227 : f32
    %max3A_1321 = arith.constant 0.000000e+00 : f32
    %max3A_1322 = arith.maximumf %sub3A_1320, %max3A_1321 : f32
    %mul3A_1323 = arith.mulf %max3A_1319, %max3A_1322 : f32
    %add3A_1324 = vector.broadcast %mul3A_1323 : f32 to vector<160x125xf32>
    %add3A_1325 = arith.addf %mul3A_998, %add3A_1324 : vector<160x125xf32>
    %sub3A_1326 = arith.subf %add3A_1325, %mul3A_1316 : vector<160x125xf32>
    %max3A_1327 = arith.constant 9.99999993E-9 : f32
    %max3A_1328 = vector.broadcast %max3A_1327 : f32 to vector<160x125xf32>
    %max3A_1329 = arith.maximumf %sub3A_1326, %max3A_1328 : vector<160x125xf32>
    %div3A_1330 = arith.divf %mul3A_1316, %max3A_1329 : vector<160x125xf32>
    %gt3A_1331 = arith.constant 3.500000e-01 : f32
    %gt3A_1332 = vector.broadcast %gt3A_1331 : f32 to vector<160x125xf32>
    %gt3A_1333 = arith.cmpf ogt, %div3A_1330, %gt3A_1332 : vector<160x125xf32>
    %or3A_1334 = arith.ori %gt3A_1333, %eq3A_1195 : vector<160x125xi1>
    %and3A_1335 = vector.broadcast %gt3A_1180 : i1 to vector<160x125xi1>
    %and3A_1336 = arith.andi %or3A_1334, %and3A_1335 : vector<160x125xi1>
    %jit3A_1337 = arith.constant 0xFF800000 : f32
    %broadcast_in_dim3A_1338 = vector.broadcast %jit3A_1337 : f32 to vector<160x125xf32>
    %select_n3A_1339 = arith.select %and3A_1336, %broadcast_in_dim3A_1338, %select_n3A_1173 : vector<160x125xi1>, vector<160x125xf32>
    %reduce_max3A_1340 = vector.shape_cast %select_n3A_1339 : vector<160x125xf32> to vector<1x160x125xf32>
    %reduce_max3A_1341 = arith.constant dense<0xFF800000> : vector<1xf32>
    %reduce_max3A_1342 = vector.multi_reduction <maximumf>, %reduce_max3A_1340, %reduce_max3A_1341 [1, 2] : vector<1x160x125xf32> to vector<1xf32>
    %reduce_max3A_1343 = vector.shape_cast %reduce_max3A_1342 : vector<1xf32> to vector<1x1x1xf32>
    %reduce_max3A_1344 = vector.extract %reduce_max3A_1343[0, 0, 0] : f32 from vector<1x1x1xf32>
    %gt3A_1345 = arith.constant 0xFF800000 : f32
    %gt3A_1346 = arith.cmpf ogt, %reduce_max3A_1344, %gt3A_1345 : f32
    %jit3A_1347 = arith.constant 1.000000e+00 : f32
    %jit3A_1348 = arith.constant 0.000000e+00 : f32
    %select_n3A_1349 = arith.select %gt3A_1346, %jit3A_1347, %jit3A_1348 : f32
    %eq3A_1350 = vector.broadcast %reduce_max3A_1344 : f32 to vector<160x125xf32>
    %eq3A_1351 = arith.cmpf oeq, %select_n3A_1339, %eq3A_1350 : vector<160x125xf32>
    %jit3A_1352 = arith.constant 1073741824 : i32
    %broadcast_in_dim3A_1353 = vector.broadcast %jit3A_1352 : i32 to vector<160x125xi32>
    %select_n3A_1354 = arith.select %eq3A_1351, %add3A_1010, %broadcast_in_dim3A_1353 : vector<160x125xi1>, vector<160x125xi32>
    %reduce_min3A_1355 = vector.shape_cast %select_n3A_1354 : vector<160x125xi32> to vector<1x160x125xi32>
    %reduce_min3A_1356 = arith.constant dense<2147483647> : vector<1xi32>
    %reduce_min3A_1357 = vector.multi_reduction <minsi>, %reduce_min3A_1355, %reduce_min3A_1356 [1, 2] : vector<1x160x125xi32> to vector<1xi32>
    %reduce_min3A_1358 = vector.shape_cast %reduce_min3A_1357 : vector<1xi32> to vector<1x1x1xi32>
    %reduce_min3A_1359 = vector.extract %reduce_min3A_1358[0, 0, 0] : i32 from vector<1x1x1xi32>
    %eq3A_1360 = vector.broadcast %reduce_min3A_1359 : i32 to vector<160x125xi32>
    %eq3A_1361 = arith.cmpi eq, %add3A_1010, %eq3A_1360 : vector<160x125xi32>
    %jit3A_1362 = arith.constant 0.000000e+00 : f32
    %broadcast_in_dim3A_1363 = vector.broadcast %jit3A_1362 : f32 to vector<160x125xf32>
    %select_n3A_1364 = arith.select %eq3A_1361, %convert_element_type3A, %broadcast_in_dim3A_1363 : vector<160x125xi1>, vector<160x125xf32>
    %reduce_sum3A_1365 = vector.shape_cast %select_n3A_1364 : vector<160x125xf32> to vector<1x160x125xf32>
    %reduce_sum3A_1366 = arith.constant dense<0.000000e+00> : vector<1xf32>
    %reduce_sum3A_1367 = vector.multi_reduction <add>, %reduce_sum3A_1365, %reduce_sum3A_1366 [1, 2] : vector<1x160x125xf32> to vector<1xf32>
    %reduce_sum3A_1368 = vector.shape_cast %reduce_sum3A_1367 : vector<1xf32> to vector<1x1x1xf32>
    %reduce_sum3A_1369 = vector.extract %reduce_sum3A_1368[0, 0, 0] : f32 from vector<1x1x1xf32>
    %jit3A_1370 = arith.constant 0.000000e+00 : f32
    %broadcast_in_dim3A_1371 = vector.broadcast %jit3A_1370 : f32 to vector<160x125xf32>
    %select_n3A_1372 = arith.select %eq3A_1361, %select_n3A_879, %broadcast_in_dim3A_1371 : vector<160x125xi1>, vector<160x125xf32>
    %reduce_sum3A_1373 = vector.shape_cast %select_n3A_1372 : vector<160x125xf32> to vector<1x160x125xf32>
    %reduce_sum3A_1374 = arith.constant dense<0.000000e+00> : vector<1xf32>
    %reduce_sum3A_1375 = vector.multi_reduction <add>, %reduce_sum3A_1373, %reduce_sum3A_1374 [1, 2] : vector<1x160x125xf32> to vector<1xf32>
    %reduce_sum3A_1376 = vector.shape_cast %reduce_sum3A_1375 : vector<1xf32> to vector<1x1x1xf32>
    %reduce_sum3A_1377 = vector.extract %reduce_sum3A_1376[0, 0, 0] : f32 from vector<1x1x1xf32>
    %jit3A_1378 = arith.constant 0.000000e+00 : f32
    %broadcast_in_dim3A_1379 = vector.broadcast %jit3A_1378 : f32 to vector<160x125xf32>
    %select_n3A_1380 = arith.select %eq3A_1361, %mul3A_969, %broadcast_in_dim3A_1379 : vector<160x125xi1>, vector<160x125xf32>
    %reduce_sum3A_1381 = vector.shape_cast %select_n3A_1380 : vector<160x125xf32> to vector<1x160x125xf32>
    %reduce_sum3A_1382 = arith.constant dense<0.000000e+00> : vector<1xf32>
    %reduce_sum3A_1383 = vector.multi_reduction <add>, %reduce_sum3A_1381, %reduce_sum3A_1382 [1, 2] : vector<1x160x125xf32> to vector<1xf32>
    %reduce_sum3A_1384 = vector.shape_cast %reduce_sum3A_1383 : vector<1xf32> to vector<1x1x1xf32>
    %reduce_sum3A_1385 = vector.extract %reduce_sum3A_1384[0, 0, 0] : f32 from vector<1x1x1xf32>
    %jit3A_1386 = arith.constant 0.000000e+00 : f32
    %broadcast_in_dim3A_1387 = vector.broadcast %jit3A_1386 : f32 to vector<160x125xf32>
    %select_n3A_1388 = arith.select %eq3A_1361, %mul3A_976, %broadcast_in_dim3A_1387 : vector<160x125xi1>, vector<160x125xf32>
    %reduce_sum3A_1389 = vector.shape_cast %select_n3A_1388 : vector<160x125xf32> to vector<1x160x125xf32>
    %reduce_sum3A_1390 = arith.constant dense<0.000000e+00> : vector<1xf32>
    %reduce_sum3A_1391 = vector.multi_reduction <add>, %reduce_sum3A_1389, %reduce_sum3A_1390 [1, 2] : vector<1x160x125xf32> to vector<1xf32>
    %reduce_sum3A_1392 = vector.shape_cast %reduce_sum3A_1391 : vector<1xf32> to vector<1x1x1xf32>
    %reduce_sum3A_1393 = vector.extract %reduce_sum3A_1392[0, 0, 0] : f32 from vector<1x1x1xf32>
    %jit3A_1394 = arith.constant 0.000000e+00 : f32
    %broadcast_in_dim3A_1395 = vector.broadcast %jit3A_1394 : f32 to vector<160x125xf32>
    %select_n3A_1396 = arith.select %eq3A_1361, %mul3A_983, %broadcast_in_dim3A_1395 : vector<160x125xi1>, vector<160x125xf32>
    %reduce_sum3A_1397 = vector.shape_cast %select_n3A_1396 : vector<160x125xf32> to vector<1x160x125xf32>
    %reduce_sum3A_1398 = arith.constant dense<0.000000e+00> : vector<1xf32>
    %reduce_sum3A_1399 = vector.multi_reduction <add>, %reduce_sum3A_1397, %reduce_sum3A_1398 [1, 2] : vector<1x160x125xf32> to vector<1xf32>
    %reduce_sum3A_1400 = vector.shape_cast %reduce_sum3A_1399 : vector<1xf32> to vector<1x1x1xf32>
    %reduce_sum3A_1401 = vector.extract %reduce_sum3A_1400[0, 0, 0] : f32 from vector<1x1x1xf32>
    %jit3A_1402 = arith.constant 0.000000e+00 : f32
    %broadcast_in_dim3A_1403 = vector.broadcast %jit3A_1402 : f32 to vector<160x125xf32>
    %select_n3A_1404 = arith.select %eq3A_1361, %mul3A_990, %broadcast_in_dim3A_1403 : vector<160x125xi1>, vector<160x125xf32>
    %reduce_sum3A_1405 = vector.shape_cast %select_n3A_1404 : vector<160x125xf32> to vector<1x160x125xf32>
    %reduce_sum3A_1406 = arith.constant dense<0.000000e+00> : vector<1xf32>
    %reduce_sum3A_1407 = vector.multi_reduction <add>, %reduce_sum3A_1405, %reduce_sum3A_1406 [1, 2] : vector<1x160x125xf32> to vector<1xf32>
    %reduce_sum3A_1408 = vector.shape_cast %reduce_sum3A_1407 : vector<1xf32> to vector<1x1x1xf32>
    %reduce_sum3A_1409 = vector.extract %reduce_sum3A_1408[0, 0, 0] : f32 from vector<1x1x1xf32>
    %eq3A_1410 = arith.constant 0 : i32
    %eq3A_1411 = vector.broadcast %eq3A_1410 : i32 to vector<16x128xi32>
    %eq3A_1412 = arith.cmpi eq, %iota3A_1012, %eq3A_1411 : vector<16x128xi32>
    %jit3A_1413 = arith.constant 0.000000e+00 : f32
    %broadcast_in_dim3A_1414 = vector.broadcast %reduce_sum3A_1369 : f32 to vector<16x128xf32>
    %broadcast_in_dim3A_1415 = vector.broadcast %jit3A_1413 : f32 to vector<16x128xf32>
    %select_n3A_1416 = arith.select %eq3A_1412, %broadcast_in_dim3A_1414, %broadcast_in_dim3A_1415 : vector<16x128xi1>, vector<16x128xf32>
    %eq3A_1417 = arith.constant 1 : i32
    %eq3A_1418 = vector.broadcast %eq3A_1417 : i32 to vector<16x128xi32>
    %eq3A_1419 = arith.cmpi eq, %iota3A_1012, %eq3A_1418 : vector<16x128xi32>
    %jit3A_1420 = arith.constant 0.000000e+00 : f32
    %broadcast_in_dim3A_1421 = vector.broadcast %reduce_sum3A_1377 : f32 to vector<16x128xf32>
    %broadcast_in_dim3A_1422 = vector.broadcast %jit3A_1420 : f32 to vector<16x128xf32>
    %select_n3A_1423 = arith.select %eq3A_1419, %broadcast_in_dim3A_1421, %broadcast_in_dim3A_1422 : vector<16x128xi1>, vector<16x128xf32>
    %add3A_1424 = arith.addf %select_n3A_1416, %select_n3A_1423 : vector<16x128xf32>
    %eq3A_1425 = arith.constant 2 : i32
    %eq3A_1426 = vector.broadcast %eq3A_1425 : i32 to vector<16x128xi32>
    %eq3A_1427 = arith.cmpi eq, %iota3A_1012, %eq3A_1426 : vector<16x128xi32>
    %jit3A_1428 = arith.constant 0.000000e+00 : f32
    %broadcast_in_dim3A_1429 = vector.broadcast %reduce_sum3A_1385 : f32 to vector<16x128xf32>
    %broadcast_in_dim3A_1430 = vector.broadcast %jit3A_1428 : f32 to vector<16x128xf32>
    %select_n3A_1431 = arith.select %eq3A_1427, %broadcast_in_dim3A_1429, %broadcast_in_dim3A_1430 : vector<16x128xi1>, vector<16x128xf32>
    %add3A_1432 = arith.addf %add3A_1424, %select_n3A_1431 : vector<16x128xf32>
    %eq3A_1433 = arith.constant 3 : i32
    %eq3A_1434 = vector.broadcast %eq3A_1433 : i32 to vector<16x128xi32>
    %eq3A_1435 = arith.cmpi eq, %iota3A_1012, %eq3A_1434 : vector<16x128xi32>
    %jit3A_1436 = arith.constant 0.000000e+00 : f32
    %broadcast_in_dim3A_1437 = vector.broadcast %reduce_sum3A_1393 : f32 to vector<16x128xf32>
    %broadcast_in_dim3A_1438 = vector.broadcast %jit3A_1436 : f32 to vector<16x128xf32>
    %select_n3A_1439 = arith.select %eq3A_1435, %broadcast_in_dim3A_1437, %broadcast_in_dim3A_1438 : vector<16x128xi1>, vector<16x128xf32>
    %add3A_1440 = arith.addf %add3A_1432, %select_n3A_1439 : vector<16x128xf32>
    %eq3A_1441 = arith.constant 4 : i32
    %eq3A_1442 = vector.broadcast %eq3A_1441 : i32 to vector<16x128xi32>
    %eq3A_1443 = arith.cmpi eq, %iota3A_1012, %eq3A_1442 : vector<16x128xi32>
    %jit3A_1444 = arith.constant 0.000000e+00 : f32
    %broadcast_in_dim3A_1445 = vector.broadcast %reduce_sum3A_1401 : f32 to vector<16x128xf32>
    %broadcast_in_dim3A_1446 = vector.broadcast %jit3A_1444 : f32 to vector<16x128xf32>
    %select_n3A_1447 = arith.select %eq3A_1443, %broadcast_in_dim3A_1445, %broadcast_in_dim3A_1446 : vector<16x128xi1>, vector<16x128xf32>
    %add3A_1448 = arith.addf %add3A_1440, %select_n3A_1447 : vector<16x128xf32>
    %eq3A_1449 = arith.constant 5 : i32
    %eq3A_1450 = vector.broadcast %eq3A_1449 : i32 to vector<16x128xi32>
    %eq3A_1451 = arith.cmpi eq, %iota3A_1012, %eq3A_1450 : vector<16x128xi32>
    %jit3A_1452 = arith.constant 0.000000e+00 : f32
    %broadcast_in_dim3A_1453 = vector.broadcast %reduce_sum3A_1409 : f32 to vector<16x128xf32>
    %broadcast_in_dim3A_1454 = vector.broadcast %jit3A_1452 : f32 to vector<16x128xf32>
    %select_n3A_1455 = arith.select %eq3A_1451, %broadcast_in_dim3A_1453, %broadcast_in_dim3A_1454 : vector<16x128xi1>, vector<16x128xf32>
    %add3A_1456 = arith.addf %add3A_1448, %select_n3A_1455 : vector<16x128xf32>
    %eq3A_1457 = arith.constant 2 : i32
    %eq3A_1458 = vector.broadcast %eq3A_1457 : i32 to vector<16x128xi32>
    %eq3A_1459 = arith.cmpi eq, %iota3A_1011, %eq3A_1458 : vector<16x128xi32>
    %jit3A_1460 = arith.constant 0.000000e+00 : f32
    %broadcast_in_dim3A_1461 = vector.broadcast %jit3A_1460 : f32 to vector<16x128xf32>
    %select_n3A_1462 = arith.select %eq3A_1459, %add3A_1456, %broadcast_in_dim3A_1461 : vector<16x128xi1>, vector<16x128xf32>
    %mul3A_1463 = vector.broadcast %select_n3A_1349 : f32 to vector<16x128xf32>
    %mul3A_1464 = arith.mulf %mul3A_1463, %select_n3A_1462 : vector<16x128xf32>
    %add3A_1465 = arith.addf %add3A_1299, %mul3A_1464 : vector<16x128xf32>
    %max3A_1466 = vector.broadcast %reduce_sum3A_1385 : f32 to vector<160x125xf32>
    %max3A_1467 = arith.maximumf %mul3A_969, %max3A_1466 : vector<160x125xf32>
    %max3A_1468 = vector.broadcast %reduce_sum3A_1393 : f32 to vector<160x125xf32>
    %max3A_1469 = arith.maximumf %mul3A_976, %max3A_1468 : vector<160x125xf32>
    %min3A_1470 = vector.broadcast %reduce_sum3A_1401 : f32 to vector<160x125xf32>
    %min3A_1471 = arith.minimumf %mul3A_983, %min3A_1470 : vector<160x125xf32>
    %min3A_1472 = vector.broadcast %reduce_sum3A_1409 : f32 to vector<160x125xf32>
    %min3A_1473 = arith.minimumf %mul3A_990, %min3A_1472 : vector<160x125xf32>
    %sub3A_1474 = arith.subf %min3A_1471, %max3A_1467 : vector<160x125xf32>
    %max3A_1475 = arith.constant 0.000000e+00 : f32
    %max3A_1476 = vector.broadcast %max3A_1475 : f32 to vector<160x125xf32>
    %max3A_1477 = arith.maximumf %sub3A_1474, %max3A_1476 : vector<160x125xf32>
    %sub3A_1478 = arith.subf %min3A_1473, %max3A_1469 : vector<160x125xf32>
    %max3A_1479 = arith.constant 0.000000e+00 : f32
    %max3A_1480 = vector.broadcast %max3A_1479 : f32 to vector<160x125xf32>
    %max3A_1481 = arith.maximumf %sub3A_1478, %max3A_1480 : vector<160x125xf32>
    %mul3A_1482 = arith.mulf %max3A_1477, %max3A_1481 : vector<160x125xf32>
    %sub3A_1483 = arith.subf %reduce_sum3A_1401, %reduce_sum3A_1385 : f32
    %max3A_1484 = arith.constant 0.000000e+00 : f32
    %max3A_1485 = arith.maximumf %sub3A_1483, %max3A_1484 : f32
    %sub3A_1486 = arith.subf %reduce_sum3A_1409, %reduce_sum3A_1393 : f32
    %max3A_1487 = arith.constant 0.000000e+00 : f32
    %max3A_1488 = arith.maximumf %sub3A_1486, %max3A_1487 : f32
    %mul3A_1489 = arith.mulf %max3A_1485, %max3A_1488 : f32
    %add3A_1490 = vector.broadcast %mul3A_1489 : f32 to vector<160x125xf32>
    %add3A_1491 = arith.addf %mul3A_998, %add3A_1490 : vector<160x125xf32>
    %sub3A_1492 = arith.subf %add3A_1491, %mul3A_1482 : vector<160x125xf32>
    %max3A_1493 = arith.constant 9.99999993E-9 : f32
    %max3A_1494 = vector.broadcast %max3A_1493 : f32 to vector<160x125xf32>
    %max3A_1495 = arith.maximumf %sub3A_1492, %max3A_1494 : vector<160x125xf32>
    %div3A_1496 = arith.divf %mul3A_1482, %max3A_1495 : vector<160x125xf32>
    %gt3A_1497 = arith.constant 3.500000e-01 : f32
    %gt3A_1498 = vector.broadcast %gt3A_1497 : f32 to vector<160x125xf32>
    %gt3A_1499 = arith.cmpf ogt, %div3A_1496, %gt3A_1498 : vector<160x125xf32>
    %or3A_1500 = arith.ori %gt3A_1499, %eq3A_1361 : vector<160x125xi1>
    %and3A_1501 = vector.broadcast %gt3A_1346 : i1 to vector<160x125xi1>
    %and3A_1502 = arith.andi %or3A_1500, %and3A_1501 : vector<160x125xi1>
    %jit3A_1503 = arith.constant 0xFF800000 : f32
    %broadcast_in_dim3A_1504 = vector.broadcast %jit3A_1503 : f32 to vector<160x125xf32>
    %select_n3A_1505 = arith.select %and3A_1502, %broadcast_in_dim3A_1504, %select_n3A_1339 : vector<160x125xi1>, vector<160x125xf32>
    %reduce_max3A_1506 = vector.shape_cast %select_n3A_1505 : vector<160x125xf32> to vector<1x160x125xf32>
    %reduce_max3A_1507 = arith.constant dense<0xFF800000> : vector<1xf32>
    %reduce_max3A_1508 = vector.multi_reduction <maximumf>, %reduce_max3A_1506, %reduce_max3A_1507 [1, 2] : vector<1x160x125xf32> to vector<1xf32>
    %reduce_max3A_1509 = vector.shape_cast %reduce_max3A_1508 : vector<1xf32> to vector<1x1x1xf32>
    %reduce_max3A_1510 = vector.extract %reduce_max3A_1509[0, 0, 0] : f32 from vector<1x1x1xf32>
    %gt3A_1511 = arith.constant 0xFF800000 : f32
    %gt3A_1512 = arith.cmpf ogt, %reduce_max3A_1510, %gt3A_1511 : f32
    %jit3A_1513 = arith.constant 1.000000e+00 : f32
    %jit3A_1514 = arith.constant 0.000000e+00 : f32
    %select_n3A_1515 = arith.select %gt3A_1512, %jit3A_1513, %jit3A_1514 : f32
    %eq3A_1516 = vector.broadcast %reduce_max3A_1510 : f32 to vector<160x125xf32>
    %eq3A_1517 = arith.cmpf oeq, %select_n3A_1505, %eq3A_1516 : vector<160x125xf32>
    %jit3A_1518 = arith.constant 1073741824 : i32
    %broadcast_in_dim3A_1519 = vector.broadcast %jit3A_1518 : i32 to vector<160x125xi32>
    %select_n3A_1520 = arith.select %eq3A_1517, %add3A_1010, %broadcast_in_dim3A_1519 : vector<160x125xi1>, vector<160x125xi32>
    %reduce_min3A_1521 = vector.shape_cast %select_n3A_1520 : vector<160x125xi32> to vector<1x160x125xi32>
    %reduce_min3A_1522 = arith.constant dense<2147483647> : vector<1xi32>
    %reduce_min3A_1523 = vector.multi_reduction <minsi>, %reduce_min3A_1521, %reduce_min3A_1522 [1, 2] : vector<1x160x125xi32> to vector<1xi32>
    %reduce_min3A_1524 = vector.shape_cast %reduce_min3A_1523 : vector<1xi32> to vector<1x1x1xi32>
    %reduce_min3A_1525 = vector.extract %reduce_min3A_1524[0, 0, 0] : i32 from vector<1x1x1xi32>
    %eq3A_1526 = vector.broadcast %reduce_min3A_1525 : i32 to vector<160x125xi32>
    %eq3A_1527 = arith.cmpi eq, %add3A_1010, %eq3A_1526 : vector<160x125xi32>
    %jit3A_1528 = arith.constant 0.000000e+00 : f32
    %broadcast_in_dim3A_1529 = vector.broadcast %jit3A_1528 : f32 to vector<160x125xf32>
    %select_n3A_1530 = arith.select %eq3A_1527, %convert_element_type3A, %broadcast_in_dim3A_1529 : vector<160x125xi1>, vector<160x125xf32>
    %reduce_sum3A_1531 = vector.shape_cast %select_n3A_1530 : vector<160x125xf32> to vector<1x160x125xf32>
    %reduce_sum3A_1532 = arith.constant dense<0.000000e+00> : vector<1xf32>
    %reduce_sum3A_1533 = vector.multi_reduction <add>, %reduce_sum3A_1531, %reduce_sum3A_1532 [1, 2] : vector<1x160x125xf32> to vector<1xf32>
    %reduce_sum3A_1534 = vector.shape_cast %reduce_sum3A_1533 : vector<1xf32> to vector<1x1x1xf32>
    %reduce_sum3A_1535 = vector.extract %reduce_sum3A_1534[0, 0, 0] : f32 from vector<1x1x1xf32>
    %jit3A_1536 = arith.constant 0.000000e+00 : f32
    %broadcast_in_dim3A_1537 = vector.broadcast %jit3A_1536 : f32 to vector<160x125xf32>
    %select_n3A_1538 = arith.select %eq3A_1527, %select_n3A_879, %broadcast_in_dim3A_1537 : vector<160x125xi1>, vector<160x125xf32>
    %reduce_sum3A_1539 = vector.shape_cast %select_n3A_1538 : vector<160x125xf32> to vector<1x160x125xf32>
    %reduce_sum3A_1540 = arith.constant dense<0.000000e+00> : vector<1xf32>
    %reduce_sum3A_1541 = vector.multi_reduction <add>, %reduce_sum3A_1539, %reduce_sum3A_1540 [1, 2] : vector<1x160x125xf32> to vector<1xf32>
    %reduce_sum3A_1542 = vector.shape_cast %reduce_sum3A_1541 : vector<1xf32> to vector<1x1x1xf32>
    %reduce_sum3A_1543 = vector.extract %reduce_sum3A_1542[0, 0, 0] : f32 from vector<1x1x1xf32>
    %jit3A_1544 = arith.constant 0.000000e+00 : f32
    %broadcast_in_dim3A_1545 = vector.broadcast %jit3A_1544 : f32 to vector<160x125xf32>
    %select_n3A_1546 = arith.select %eq3A_1527, %mul3A_969, %broadcast_in_dim3A_1545 : vector<160x125xi1>, vector<160x125xf32>
    %reduce_sum3A_1547 = vector.shape_cast %select_n3A_1546 : vector<160x125xf32> to vector<1x160x125xf32>
    %reduce_sum3A_1548 = arith.constant dense<0.000000e+00> : vector<1xf32>
    %reduce_sum3A_1549 = vector.multi_reduction <add>, %reduce_sum3A_1547, %reduce_sum3A_1548 [1, 2] : vector<1x160x125xf32> to vector<1xf32>
    %reduce_sum3A_1550 = vector.shape_cast %reduce_sum3A_1549 : vector<1xf32> to vector<1x1x1xf32>
    %reduce_sum3A_1551 = vector.extract %reduce_sum3A_1550[0, 0, 0] : f32 from vector<1x1x1xf32>
    %jit3A_1552 = arith.constant 0.000000e+00 : f32
    %broadcast_in_dim3A_1553 = vector.broadcast %jit3A_1552 : f32 to vector<160x125xf32>
    %select_n3A_1554 = arith.select %eq3A_1527, %mul3A_976, %broadcast_in_dim3A_1553 : vector<160x125xi1>, vector<160x125xf32>
    %reduce_sum3A_1555 = vector.shape_cast %select_n3A_1554 : vector<160x125xf32> to vector<1x160x125xf32>
    %reduce_sum3A_1556 = arith.constant dense<0.000000e+00> : vector<1xf32>
    %reduce_sum3A_1557 = vector.multi_reduction <add>, %reduce_sum3A_1555, %reduce_sum3A_1556 [1, 2] : vector<1x160x125xf32> to vector<1xf32>
    %reduce_sum3A_1558 = vector.shape_cast %reduce_sum3A_1557 : vector<1xf32> to vector<1x1x1xf32>
    %reduce_sum3A_1559 = vector.extract %reduce_sum3A_1558[0, 0, 0] : f32 from vector<1x1x1xf32>
    %jit3A_1560 = arith.constant 0.000000e+00 : f32
    %broadcast_in_dim3A_1561 = vector.broadcast %jit3A_1560 : f32 to vector<160x125xf32>
    %select_n3A_1562 = arith.select %eq3A_1527, %mul3A_983, %broadcast_in_dim3A_1561 : vector<160x125xi1>, vector<160x125xf32>
    %reduce_sum3A_1563 = vector.shape_cast %select_n3A_1562 : vector<160x125xf32> to vector<1x160x125xf32>
    %reduce_sum3A_1564 = arith.constant dense<0.000000e+00> : vector<1xf32>
    %reduce_sum3A_1565 = vector.multi_reduction <add>, %reduce_sum3A_1563, %reduce_sum3A_1564 [1, 2] : vector<1x160x125xf32> to vector<1xf32>
    %reduce_sum3A_1566 = vector.shape_cast %reduce_sum3A_1565 : vector<1xf32> to vector<1x1x1xf32>
    %reduce_sum3A_1567 = vector.extract %reduce_sum3A_1566[0, 0, 0] : f32 from vector<1x1x1xf32>
    %jit3A_1568 = arith.constant 0.000000e+00 : f32
    %broadcast_in_dim3A_1569 = vector.broadcast %jit3A_1568 : f32 to vector<160x125xf32>
    %select_n3A_1570 = arith.select %eq3A_1527, %mul3A_990, %broadcast_in_dim3A_1569 : vector<160x125xi1>, vector<160x125xf32>
    %reduce_sum3A_1571 = vector.shape_cast %select_n3A_1570 : vector<160x125xf32> to vector<1x160x125xf32>
    %reduce_sum3A_1572 = arith.constant dense<0.000000e+00> : vector<1xf32>
    %reduce_sum3A_1573 = vector.multi_reduction <add>, %reduce_sum3A_1571, %reduce_sum3A_1572 [1, 2] : vector<1x160x125xf32> to vector<1xf32>
    %reduce_sum3A_1574 = vector.shape_cast %reduce_sum3A_1573 : vector<1xf32> to vector<1x1x1xf32>
    %reduce_sum3A_1575 = vector.extract %reduce_sum3A_1574[0, 0, 0] : f32 from vector<1x1x1xf32>
    %eq3A_1576 = arith.constant 0 : i32
    %eq3A_1577 = vector.broadcast %eq3A_1576 : i32 to vector<16x128xi32>
    %eq3A_1578 = arith.cmpi eq, %iota3A_1012, %eq3A_1577 : vector<16x128xi32>
    %jit3A_1579 = arith.constant 0.000000e+00 : f32
    %broadcast_in_dim3A_1580 = vector.broadcast %reduce_sum3A_1535 : f32 to vector<16x128xf32>
    %broadcast_in_dim3A_1581 = vector.broadcast %jit3A_1579 : f32 to vector<16x128xf32>
    %select_n3A_1582 = arith.select %eq3A_1578, %broadcast_in_dim3A_1580, %broadcast_in_dim3A_1581 : vector<16x128xi1>, vector<16x128xf32>
    %eq3A_1583 = arith.constant 1 : i32
    %eq3A_1584 = vector.broadcast %eq3A_1583 : i32 to vector<16x128xi32>
    %eq3A_1585 = arith.cmpi eq, %iota3A_1012, %eq3A_1584 : vector<16x128xi32>
    %jit3A_1586 = arith.constant 0.000000e+00 : f32
    %broadcast_in_dim3A_1587 = vector.broadcast %reduce_sum3A_1543 : f32 to vector<16x128xf32>
    %broadcast_in_dim3A_1588 = vector.broadcast %jit3A_1586 : f32 to vector<16x128xf32>
    %select_n3A_1589 = arith.select %eq3A_1585, %broadcast_in_dim3A_1587, %broadcast_in_dim3A_1588 : vector<16x128xi1>, vector<16x128xf32>
    %add3A_1590 = arith.addf %select_n3A_1582, %select_n3A_1589 : vector<16x128xf32>
    %eq3A_1591 = arith.constant 2 : i32
    %eq3A_1592 = vector.broadcast %eq3A_1591 : i32 to vector<16x128xi32>
    %eq3A_1593 = arith.cmpi eq, %iota3A_1012, %eq3A_1592 : vector<16x128xi32>
    %jit3A_1594 = arith.constant 0.000000e+00 : f32
    %broadcast_in_dim3A_1595 = vector.broadcast %reduce_sum3A_1551 : f32 to vector<16x128xf32>
    %broadcast_in_dim3A_1596 = vector.broadcast %jit3A_1594 : f32 to vector<16x128xf32>
    %select_n3A_1597 = arith.select %eq3A_1593, %broadcast_in_dim3A_1595, %broadcast_in_dim3A_1596 : vector<16x128xi1>, vector<16x128xf32>
    %add3A_1598 = arith.addf %add3A_1590, %select_n3A_1597 : vector<16x128xf32>
    %eq3A_1599 = arith.constant 3 : i32
    %eq3A_1600 = vector.broadcast %eq3A_1599 : i32 to vector<16x128xi32>
    %eq3A_1601 = arith.cmpi eq, %iota3A_1012, %eq3A_1600 : vector<16x128xi32>
    %jit3A_1602 = arith.constant 0.000000e+00 : f32
    %broadcast_in_dim3A_1603 = vector.broadcast %reduce_sum3A_1559 : f32 to vector<16x128xf32>
    %broadcast_in_dim3A_1604 = vector.broadcast %jit3A_1602 : f32 to vector<16x128xf32>
    %select_n3A_1605 = arith.select %eq3A_1601, %broadcast_in_dim3A_1603, %broadcast_in_dim3A_1604 : vector<16x128xi1>, vector<16x128xf32>
    %add3A_1606 = arith.addf %add3A_1598, %select_n3A_1605 : vector<16x128xf32>
    %eq3A_1607 = arith.constant 4 : i32
    %eq3A_1608 = vector.broadcast %eq3A_1607 : i32 to vector<16x128xi32>
    %eq3A_1609 = arith.cmpi eq, %iota3A_1012, %eq3A_1608 : vector<16x128xi32>
    %jit3A_1610 = arith.constant 0.000000e+00 : f32
    %broadcast_in_dim3A_1611 = vector.broadcast %reduce_sum3A_1567 : f32 to vector<16x128xf32>
    %broadcast_in_dim3A_1612 = vector.broadcast %jit3A_1610 : f32 to vector<16x128xf32>
    %select_n3A_1613 = arith.select %eq3A_1609, %broadcast_in_dim3A_1611, %broadcast_in_dim3A_1612 : vector<16x128xi1>, vector<16x128xf32>
    %add3A_1614 = arith.addf %add3A_1606, %select_n3A_1613 : vector<16x128xf32>
    %eq3A_1615 = arith.constant 5 : i32
    %eq3A_1616 = vector.broadcast %eq3A_1615 : i32 to vector<16x128xi32>
    %eq3A_1617 = arith.cmpi eq, %iota3A_1012, %eq3A_1616 : vector<16x128xi32>
    %jit3A_1618 = arith.constant 0.000000e+00 : f32
    %broadcast_in_dim3A_1619 = vector.broadcast %reduce_sum3A_1575 : f32 to vector<16x128xf32>
    %broadcast_in_dim3A_1620 = vector.broadcast %jit3A_1618 : f32 to vector<16x128xf32>
    %select_n3A_1621 = arith.select %eq3A_1617, %broadcast_in_dim3A_1619, %broadcast_in_dim3A_1620 : vector<16x128xi1>, vector<16x128xf32>
    %add3A_1622 = arith.addf %add3A_1614, %select_n3A_1621 : vector<16x128xf32>
    %eq3A_1623 = arith.constant 3 : i32
    %eq3A_1624 = vector.broadcast %eq3A_1623 : i32 to vector<16x128xi32>
    %eq3A_1625 = arith.cmpi eq, %iota3A_1011, %eq3A_1624 : vector<16x128xi32>
    %jit3A_1626 = arith.constant 0.000000e+00 : f32
    %broadcast_in_dim3A_1627 = vector.broadcast %jit3A_1626 : f32 to vector<16x128xf32>
    %select_n3A_1628 = arith.select %eq3A_1625, %add3A_1622, %broadcast_in_dim3A_1627 : vector<16x128xi1>, vector<16x128xf32>
    %mul3A_1629 = vector.broadcast %select_n3A_1515 : f32 to vector<16x128xf32>
    %mul3A_1630 = arith.mulf %mul3A_1629, %select_n3A_1628 : vector<16x128xf32>
    %add3A_1631 = arith.addf %add3A_1465, %mul3A_1630 : vector<16x128xf32>
    %max3A_1632 = vector.broadcast %reduce_sum3A_1551 : f32 to vector<160x125xf32>
    %max3A_1633 = arith.maximumf %mul3A_969, %max3A_1632 : vector<160x125xf32>
    %max3A_1634 = vector.broadcast %reduce_sum3A_1559 : f32 to vector<160x125xf32>
    %max3A_1635 = arith.maximumf %mul3A_976, %max3A_1634 : vector<160x125xf32>
    %min3A_1636 = vector.broadcast %reduce_sum3A_1567 : f32 to vector<160x125xf32>
    %min3A_1637 = arith.minimumf %mul3A_983, %min3A_1636 : vector<160x125xf32>
    %min3A_1638 = vector.broadcast %reduce_sum3A_1575 : f32 to vector<160x125xf32>
    %min3A_1639 = arith.minimumf %mul3A_990, %min3A_1638 : vector<160x125xf32>
    %sub3A_1640 = arith.subf %min3A_1637, %max3A_1633 : vector<160x125xf32>
    %max3A_1641 = arith.constant 0.000000e+00 : f32
    %max3A_1642 = vector.broadcast %max3A_1641 : f32 to vector<160x125xf32>
    %max3A_1643 = arith.maximumf %sub3A_1640, %max3A_1642 : vector<160x125xf32>
    %sub3A_1644 = arith.subf %min3A_1639, %max3A_1635 : vector<160x125xf32>
    %max3A_1645 = arith.constant 0.000000e+00 : f32
    %max3A_1646 = vector.broadcast %max3A_1645 : f32 to vector<160x125xf32>
    %max3A_1647 = arith.maximumf %sub3A_1644, %max3A_1646 : vector<160x125xf32>
    %mul3A_1648 = arith.mulf %max3A_1643, %max3A_1647 : vector<160x125xf32>
    %sub3A_1649 = arith.subf %reduce_sum3A_1567, %reduce_sum3A_1551 : f32
    %max3A_1650 = arith.constant 0.000000e+00 : f32
    %max3A_1651 = arith.maximumf %sub3A_1649, %max3A_1650 : f32
    %sub3A_1652 = arith.subf %reduce_sum3A_1575, %reduce_sum3A_1559 : f32
    %max3A_1653 = arith.constant 0.000000e+00 : f32
    %max3A_1654 = arith.maximumf %sub3A_1652, %max3A_1653 : f32
    %mul3A_1655 = arith.mulf %max3A_1651, %max3A_1654 : f32
    %add3A_1656 = vector.broadcast %mul3A_1655 : f32 to vector<160x125xf32>
    %add3A_1657 = arith.addf %mul3A_998, %add3A_1656 : vector<160x125xf32>
    %sub3A_1658 = arith.subf %add3A_1657, %mul3A_1648 : vector<160x125xf32>
    %max3A_1659 = arith.constant 9.99999993E-9 : f32
    %max3A_1660 = vector.broadcast %max3A_1659 : f32 to vector<160x125xf32>
    %max3A_1661 = arith.maximumf %sub3A_1658, %max3A_1660 : vector<160x125xf32>
    %div3A_1662 = arith.divf %mul3A_1648, %max3A_1661 : vector<160x125xf32>
    %gt3A_1663 = arith.constant 3.500000e-01 : f32
    %gt3A_1664 = vector.broadcast %gt3A_1663 : f32 to vector<160x125xf32>
    %gt3A_1665 = arith.cmpf ogt, %div3A_1662, %gt3A_1664 : vector<160x125xf32>
    %or3A_1666 = arith.ori %gt3A_1665, %eq3A_1527 : vector<160x125xi1>
    %and3A_1667 = vector.broadcast %gt3A_1512 : i1 to vector<160x125xi1>
    %and3A_1668 = arith.andi %or3A_1666, %and3A_1667 : vector<160x125xi1>
    %jit3A_1669 = arith.constant 0xFF800000 : f32
    %broadcast_in_dim3A_1670 = vector.broadcast %jit3A_1669 : f32 to vector<160x125xf32>
    %select_n3A_1671 = arith.select %and3A_1668, %broadcast_in_dim3A_1670, %select_n3A_1505 : vector<160x125xi1>, vector<160x125xf32>
    %reduce_max3A_1672 = vector.shape_cast %select_n3A_1671 : vector<160x125xf32> to vector<1x160x125xf32>
    %reduce_max3A_1673 = arith.constant dense<0xFF800000> : vector<1xf32>
    %reduce_max3A_1674 = vector.multi_reduction <maximumf>, %reduce_max3A_1672, %reduce_max3A_1673 [1, 2] : vector<1x160x125xf32> to vector<1xf32>
    %reduce_max3A_1675 = vector.shape_cast %reduce_max3A_1674 : vector<1xf32> to vector<1x1x1xf32>
    %reduce_max3A_1676 = vector.extract %reduce_max3A_1675[0, 0, 0] : f32 from vector<1x1x1xf32>
    %gt3A_1677 = arith.constant 0xFF800000 : f32
    %gt3A_1678 = arith.cmpf ogt, %reduce_max3A_1676, %gt3A_1677 : f32
    %jit3A_1679 = arith.constant 1.000000e+00 : f32
    %jit3A_1680 = arith.constant 0.000000e+00 : f32
    %select_n3A_1681 = arith.select %gt3A_1678, %jit3A_1679, %jit3A_1680 : f32
    %eq3A_1682 = vector.broadcast %reduce_max3A_1676 : f32 to vector<160x125xf32>
    %eq3A_1683 = arith.cmpf oeq, %select_n3A_1671, %eq3A_1682 : vector<160x125xf32>
    %jit3A_1684 = arith.constant 1073741824 : i32
    %broadcast_in_dim3A_1685 = vector.broadcast %jit3A_1684 : i32 to vector<160x125xi32>
    %select_n3A_1686 = arith.select %eq3A_1683, %add3A_1010, %broadcast_in_dim3A_1685 : vector<160x125xi1>, vector<160x125xi32>
    %reduce_min3A_1687 = vector.shape_cast %select_n3A_1686 : vector<160x125xi32> to vector<1x160x125xi32>
    %reduce_min3A_1688 = arith.constant dense<2147483647> : vector<1xi32>
    %reduce_min3A_1689 = vector.multi_reduction <minsi>, %reduce_min3A_1687, %reduce_min3A_1688 [1, 2] : vector<1x160x125xi32> to vector<1xi32>
    %reduce_min3A_1690 = vector.shape_cast %reduce_min3A_1689 : vector<1xi32> to vector<1x1x1xi32>
    %reduce_min3A_1691 = vector.extract %reduce_min3A_1690[0, 0, 0] : i32 from vector<1x1x1xi32>
    %eq3A_1692 = vector.broadcast %reduce_min3A_1691 : i32 to vector<160x125xi32>
    %eq3A_1693 = arith.cmpi eq, %add3A_1010, %eq3A_1692 : vector<160x125xi32>
    %jit3A_1694 = arith.constant 0.000000e+00 : f32
    %broadcast_in_dim3A_1695 = vector.broadcast %jit3A_1694 : f32 to vector<160x125xf32>
    %select_n3A_1696 = arith.select %eq3A_1693, %convert_element_type3A, %broadcast_in_dim3A_1695 : vector<160x125xi1>, vector<160x125xf32>
    %reduce_sum3A_1697 = vector.shape_cast %select_n3A_1696 : vector<160x125xf32> to vector<1x160x125xf32>
    %reduce_sum3A_1698 = arith.constant dense<0.000000e+00> : vector<1xf32>
    %reduce_sum3A_1699 = vector.multi_reduction <add>, %reduce_sum3A_1697, %reduce_sum3A_1698 [1, 2] : vector<1x160x125xf32> to vector<1xf32>
    %reduce_sum3A_1700 = vector.shape_cast %reduce_sum3A_1699 : vector<1xf32> to vector<1x1x1xf32>
    %reduce_sum3A_1701 = vector.extract %reduce_sum3A_1700[0, 0, 0] : f32 from vector<1x1x1xf32>
    %jit3A_1702 = arith.constant 0.000000e+00 : f32
    %broadcast_in_dim3A_1703 = vector.broadcast %jit3A_1702 : f32 to vector<160x125xf32>
    %select_n3A_1704 = arith.select %eq3A_1693, %select_n3A_879, %broadcast_in_dim3A_1703 : vector<160x125xi1>, vector<160x125xf32>
    %reduce_sum3A_1705 = vector.shape_cast %select_n3A_1704 : vector<160x125xf32> to vector<1x160x125xf32>
    %reduce_sum3A_1706 = arith.constant dense<0.000000e+00> : vector<1xf32>
    %reduce_sum3A_1707 = vector.multi_reduction <add>, %reduce_sum3A_1705, %reduce_sum3A_1706 [1, 2] : vector<1x160x125xf32> to vector<1xf32>
    %reduce_sum3A_1708 = vector.shape_cast %reduce_sum3A_1707 : vector<1xf32> to vector<1x1x1xf32>
    %reduce_sum3A_1709 = vector.extract %reduce_sum3A_1708[0, 0, 0] : f32 from vector<1x1x1xf32>
    %jit3A_1710 = arith.constant 0.000000e+00 : f32
    %broadcast_in_dim3A_1711 = vector.broadcast %jit3A_1710 : f32 to vector<160x125xf32>
    %select_n3A_1712 = arith.select %eq3A_1693, %mul3A_969, %broadcast_in_dim3A_1711 : vector<160x125xi1>, vector<160x125xf32>
    %reduce_sum3A_1713 = vector.shape_cast %select_n3A_1712 : vector<160x125xf32> to vector<1x160x125xf32>
    %reduce_sum3A_1714 = arith.constant dense<0.000000e+00> : vector<1xf32>
    %reduce_sum3A_1715 = vector.multi_reduction <add>, %reduce_sum3A_1713, %reduce_sum3A_1714 [1, 2] : vector<1x160x125xf32> to vector<1xf32>
    %reduce_sum3A_1716 = vector.shape_cast %reduce_sum3A_1715 : vector<1xf32> to vector<1x1x1xf32>
    %reduce_sum3A_1717 = vector.extract %reduce_sum3A_1716[0, 0, 0] : f32 from vector<1x1x1xf32>
    %jit3A_1718 = arith.constant 0.000000e+00 : f32
    %broadcast_in_dim3A_1719 = vector.broadcast %jit3A_1718 : f32 to vector<160x125xf32>
    %select_n3A_1720 = arith.select %eq3A_1693, %mul3A_976, %broadcast_in_dim3A_1719 : vector<160x125xi1>, vector<160x125xf32>
    %reduce_sum3A_1721 = vector.shape_cast %select_n3A_1720 : vector<160x125xf32> to vector<1x160x125xf32>
    %reduce_sum3A_1722 = arith.constant dense<0.000000e+00> : vector<1xf32>
    %reduce_sum3A_1723 = vector.multi_reduction <add>, %reduce_sum3A_1721, %reduce_sum3A_1722 [1, 2] : vector<1x160x125xf32> to vector<1xf32>
    %reduce_sum3A_1724 = vector.shape_cast %reduce_sum3A_1723 : vector<1xf32> to vector<1x1x1xf32>
    %reduce_sum3A_1725 = vector.extract %reduce_sum3A_1724[0, 0, 0] : f32 from vector<1x1x1xf32>
    %jit3A_1726 = arith.constant 0.000000e+00 : f32
    %broadcast_in_dim3A_1727 = vector.broadcast %jit3A_1726 : f32 to vector<160x125xf32>
    %select_n3A_1728 = arith.select %eq3A_1693, %mul3A_983, %broadcast_in_dim3A_1727 : vector<160x125xi1>, vector<160x125xf32>
    %reduce_sum3A_1729 = vector.shape_cast %select_n3A_1728 : vector<160x125xf32> to vector<1x160x125xf32>
    %reduce_sum3A_1730 = arith.constant dense<0.000000e+00> : vector<1xf32>
    %reduce_sum3A_1731 = vector.multi_reduction <add>, %reduce_sum3A_1729, %reduce_sum3A_1730 [1, 2] : vector<1x160x125xf32> to vector<1xf32>
    %reduce_sum3A_1732 = vector.shape_cast %reduce_sum3A_1731 : vector<1xf32> to vector<1x1x1xf32>
    %reduce_sum3A_1733 = vector.extract %reduce_sum3A_1732[0, 0, 0] : f32 from vector<1x1x1xf32>
    %jit3A_1734 = arith.constant 0.000000e+00 : f32
    %broadcast_in_dim3A_1735 = vector.broadcast %jit3A_1734 : f32 to vector<160x125xf32>
    %select_n3A_1736 = arith.select %eq3A_1693, %mul3A_990, %broadcast_in_dim3A_1735 : vector<160x125xi1>, vector<160x125xf32>
    %reduce_sum3A_1737 = vector.shape_cast %select_n3A_1736 : vector<160x125xf32> to vector<1x160x125xf32>
    %reduce_sum3A_1738 = arith.constant dense<0.000000e+00> : vector<1xf32>
    %reduce_sum3A_1739 = vector.multi_reduction <add>, %reduce_sum3A_1737, %reduce_sum3A_1738 [1, 2] : vector<1x160x125xf32> to vector<1xf32>
    %reduce_sum3A_1740 = vector.shape_cast %reduce_sum3A_1739 : vector<1xf32> to vector<1x1x1xf32>
    %reduce_sum3A_1741 = vector.extract %reduce_sum3A_1740[0, 0, 0] : f32 from vector<1x1x1xf32>
    %eq3A_1742 = arith.constant 0 : i32
    %eq3A_1743 = vector.broadcast %eq3A_1742 : i32 to vector<16x128xi32>
    %eq3A_1744 = arith.cmpi eq, %iota3A_1012, %eq3A_1743 : vector<16x128xi32>
    %jit3A_1745 = arith.constant 0.000000e+00 : f32
    %broadcast_in_dim3A_1746 = vector.broadcast %reduce_sum3A_1701 : f32 to vector<16x128xf32>
    %broadcast_in_dim3A_1747 = vector.broadcast %jit3A_1745 : f32 to vector<16x128xf32>
    %select_n3A_1748 = arith.select %eq3A_1744, %broadcast_in_dim3A_1746, %broadcast_in_dim3A_1747 : vector<16x128xi1>, vector<16x128xf32>
    %eq3A_1749 = arith.constant 1 : i32
    %eq3A_1750 = vector.broadcast %eq3A_1749 : i32 to vector<16x128xi32>
    %eq3A_1751 = arith.cmpi eq, %iota3A_1012, %eq3A_1750 : vector<16x128xi32>
    %jit3A_1752 = arith.constant 0.000000e+00 : f32
    %broadcast_in_dim3A_1753 = vector.broadcast %reduce_sum3A_1709 : f32 to vector<16x128xf32>
    %broadcast_in_dim3A_1754 = vector.broadcast %jit3A_1752 : f32 to vector<16x128xf32>
    %select_n3A_1755 = arith.select %eq3A_1751, %broadcast_in_dim3A_1753, %broadcast_in_dim3A_1754 : vector<16x128xi1>, vector<16x128xf32>
    %add3A_1756 = arith.addf %select_n3A_1748, %select_n3A_1755 : vector<16x128xf32>
    %eq3A_1757 = arith.constant 2 : i32
    %eq3A_1758 = vector.broadcast %eq3A_1757 : i32 to vector<16x128xi32>
    %eq3A_1759 = arith.cmpi eq, %iota3A_1012, %eq3A_1758 : vector<16x128xi32>
    %jit3A_1760 = arith.constant 0.000000e+00 : f32
    %broadcast_in_dim3A_1761 = vector.broadcast %reduce_sum3A_1717 : f32 to vector<16x128xf32>
    %broadcast_in_dim3A_1762 = vector.broadcast %jit3A_1760 : f32 to vector<16x128xf32>
    %select_n3A_1763 = arith.select %eq3A_1759, %broadcast_in_dim3A_1761, %broadcast_in_dim3A_1762 : vector<16x128xi1>, vector<16x128xf32>
    %add3A_1764 = arith.addf %add3A_1756, %select_n3A_1763 : vector<16x128xf32>
    %eq3A_1765 = arith.constant 3 : i32
    %eq3A_1766 = vector.broadcast %eq3A_1765 : i32 to vector<16x128xi32>
    %eq3A_1767 = arith.cmpi eq, %iota3A_1012, %eq3A_1766 : vector<16x128xi32>
    %jit3A_1768 = arith.constant 0.000000e+00 : f32
    %broadcast_in_dim3A_1769 = vector.broadcast %reduce_sum3A_1725 : f32 to vector<16x128xf32>
    %broadcast_in_dim3A_1770 = vector.broadcast %jit3A_1768 : f32 to vector<16x128xf32>
    %select_n3A_1771 = arith.select %eq3A_1767, %broadcast_in_dim3A_1769, %broadcast_in_dim3A_1770 : vector<16x128xi1>, vector<16x128xf32>
    %add3A_1772 = arith.addf %add3A_1764, %select_n3A_1771 : vector<16x128xf32>
    %eq3A_1773 = arith.constant 4 : i32
    %eq3A_1774 = vector.broadcast %eq3A_1773 : i32 to vector<16x128xi32>
    %eq3A_1775 = arith.cmpi eq, %iota3A_1012, %eq3A_1774 : vector<16x128xi32>
    %jit3A_1776 = arith.constant 0.000000e+00 : f32
    %broadcast_in_dim3A_1777 = vector.broadcast %reduce_sum3A_1733 : f32 to vector<16x128xf32>
    %broadcast_in_dim3A_1778 = vector.broadcast %jit3A_1776 : f32 to vector<16x128xf32>
    %select_n3A_1779 = arith.select %eq3A_1775, %broadcast_in_dim3A_1777, %broadcast_in_dim3A_1778 : vector<16x128xi1>, vector<16x128xf32>
    %add3A_1780 = arith.addf %add3A_1772, %select_n3A_1779 : vector<16x128xf32>
    %eq3A_1781 = arith.constant 5 : i32
    %eq3A_1782 = vector.broadcast %eq3A_1781 : i32 to vector<16x128xi32>
    %eq3A_1783 = arith.cmpi eq, %iota3A_1012, %eq3A_1782 : vector<16x128xi32>
    %jit3A_1784 = arith.constant 0.000000e+00 : f32
    %broadcast_in_dim3A_1785 = vector.broadcast %reduce_sum3A_1741 : f32 to vector<16x128xf32>
    %broadcast_in_dim3A_1786 = vector.broadcast %jit3A_1784 : f32 to vector<16x128xf32>
    %select_n3A_1787 = arith.select %eq3A_1783, %broadcast_in_dim3A_1785, %broadcast_in_dim3A_1786 : vector<16x128xi1>, vector<16x128xf32>
    %add3A_1788 = arith.addf %add3A_1780, %select_n3A_1787 : vector<16x128xf32>
    %eq3A_1789 = arith.constant 4 : i32
    %eq3A_1790 = vector.broadcast %eq3A_1789 : i32 to vector<16x128xi32>
    %eq3A_1791 = arith.cmpi eq, %iota3A_1011, %eq3A_1790 : vector<16x128xi32>
    %jit3A_1792 = arith.constant 0.000000e+00 : f32
    %broadcast_in_dim3A_1793 = vector.broadcast %jit3A_1792 : f32 to vector<16x128xf32>
    %select_n3A_1794 = arith.select %eq3A_1791, %add3A_1788, %broadcast_in_dim3A_1793 : vector<16x128xi1>, vector<16x128xf32>
    %mul3A_1795 = vector.broadcast %select_n3A_1681 : f32 to vector<16x128xf32>
    %mul3A_1796 = arith.mulf %mul3A_1795, %select_n3A_1794 : vector<16x128xf32>
    %add3A_1797 = arith.addf %add3A_1631, %mul3A_1796 : vector<16x128xf32>
    %max3A_1798 = vector.broadcast %reduce_sum3A_1717 : f32 to vector<160x125xf32>
    %max3A_1799 = arith.maximumf %mul3A_969, %max3A_1798 : vector<160x125xf32>
    %max3A_1800 = vector.broadcast %reduce_sum3A_1725 : f32 to vector<160x125xf32>
    %max3A_1801 = arith.maximumf %mul3A_976, %max3A_1800 : vector<160x125xf32>
    %min3A_1802 = vector.broadcast %reduce_sum3A_1733 : f32 to vector<160x125xf32>
    %min3A_1803 = arith.minimumf %mul3A_983, %min3A_1802 : vector<160x125xf32>
    %min3A_1804 = vector.broadcast %reduce_sum3A_1741 : f32 to vector<160x125xf32>
    %min3A_1805 = arith.minimumf %mul3A_990, %min3A_1804 : vector<160x125xf32>
    %sub3A_1806 = arith.subf %min3A_1803, %max3A_1799 : vector<160x125xf32>
    %max3A_1807 = arith.constant 0.000000e+00 : f32
    %max3A_1808 = vector.broadcast %max3A_1807 : f32 to vector<160x125xf32>
    %max3A_1809 = arith.maximumf %sub3A_1806, %max3A_1808 : vector<160x125xf32>
    %sub3A_1810 = arith.subf %min3A_1805, %max3A_1801 : vector<160x125xf32>
    %max3A_1811 = arith.constant 0.000000e+00 : f32
    %max3A_1812 = vector.broadcast %max3A_1811 : f32 to vector<160x125xf32>
    %max3A_1813 = arith.maximumf %sub3A_1810, %max3A_1812 : vector<160x125xf32>
    %mul3A_1814 = arith.mulf %max3A_1809, %max3A_1813 : vector<160x125xf32>
    %sub3A_1815 = arith.subf %reduce_sum3A_1733, %reduce_sum3A_1717 : f32
    %max3A_1816 = arith.constant 0.000000e+00 : f32
    %max3A_1817 = arith.maximumf %sub3A_1815, %max3A_1816 : f32
    %sub3A_1818 = arith.subf %reduce_sum3A_1741, %reduce_sum3A_1725 : f32
    %max3A_1819 = arith.constant 0.000000e+00 : f32
    %max3A_1820 = arith.maximumf %sub3A_1818, %max3A_1819 : f32
    %mul3A_1821 = arith.mulf %max3A_1817, %max3A_1820 : f32
    %add3A_1822 = vector.broadcast %mul3A_1821 : f32 to vector<160x125xf32>
    %add3A_1823 = arith.addf %mul3A_998, %add3A_1822 : vector<160x125xf32>
    %sub3A_1824 = arith.subf %add3A_1823, %mul3A_1814 : vector<160x125xf32>
    %max3A_1825 = arith.constant 9.99999993E-9 : f32
    %max3A_1826 = vector.broadcast %max3A_1825 : f32 to vector<160x125xf32>
    %max3A_1827 = arith.maximumf %sub3A_1824, %max3A_1826 : vector<160x125xf32>
    %div3A_1828 = arith.divf %mul3A_1814, %max3A_1827 : vector<160x125xf32>
    %gt3A_1829 = arith.constant 3.500000e-01 : f32
    %gt3A_1830 = vector.broadcast %gt3A_1829 : f32 to vector<160x125xf32>
    %gt3A_1831 = arith.cmpf ogt, %div3A_1828, %gt3A_1830 : vector<160x125xf32>
    %or3A_1832 = arith.ori %gt3A_1831, %eq3A_1693 : vector<160x125xi1>
    %and3A_1833 = vector.broadcast %gt3A_1678 : i1 to vector<160x125xi1>
    %and3A_1834 = arith.andi %or3A_1832, %and3A_1833 : vector<160x125xi1>
    %jit3A_1835 = arith.constant 0xFF800000 : f32
    %broadcast_in_dim3A_1836 = vector.broadcast %jit3A_1835 : f32 to vector<160x125xf32>
    %select_n3A_1837 = arith.select %and3A_1834, %broadcast_in_dim3A_1836, %select_n3A_1671 : vector<160x125xi1>, vector<160x125xf32>
    %reduce_max3A_1838 = vector.shape_cast %select_n3A_1837 : vector<160x125xf32> to vector<1x160x125xf32>
    %reduce_max3A_1839 = arith.constant dense<0xFF800000> : vector<1xf32>
    %reduce_max3A_1840 = vector.multi_reduction <maximumf>, %reduce_max3A_1838, %reduce_max3A_1839 [1, 2] : vector<1x160x125xf32> to vector<1xf32>
    %reduce_max3A_1841 = vector.shape_cast %reduce_max3A_1840 : vector<1xf32> to vector<1x1x1xf32>
    %reduce_max3A_1842 = vector.extract %reduce_max3A_1841[0, 0, 0] : f32 from vector<1x1x1xf32>
    %gt3A_1843 = arith.constant 0xFF800000 : f32
    %gt3A_1844 = arith.cmpf ogt, %reduce_max3A_1842, %gt3A_1843 : f32
    %jit3A_1845 = arith.constant 1.000000e+00 : f32
    %jit3A_1846 = arith.constant 0.000000e+00 : f32
    %select_n3A_1847 = arith.select %gt3A_1844, %jit3A_1845, %jit3A_1846 : f32
    %eq3A_1848 = vector.broadcast %reduce_max3A_1842 : f32 to vector<160x125xf32>
    %eq3A_1849 = arith.cmpf oeq, %select_n3A_1837, %eq3A_1848 : vector<160x125xf32>
    %jit3A_1850 = arith.constant 1073741824 : i32
    %broadcast_in_dim3A_1851 = vector.broadcast %jit3A_1850 : i32 to vector<160x125xi32>
    %select_n3A_1852 = arith.select %eq3A_1849, %add3A_1010, %broadcast_in_dim3A_1851 : vector<160x125xi1>, vector<160x125xi32>
    %reduce_min3A_1853 = vector.shape_cast %select_n3A_1852 : vector<160x125xi32> to vector<1x160x125xi32>
    %reduce_min3A_1854 = arith.constant dense<2147483647> : vector<1xi32>
    %reduce_min3A_1855 = vector.multi_reduction <minsi>, %reduce_min3A_1853, %reduce_min3A_1854 [1, 2] : vector<1x160x125xi32> to vector<1xi32>
    %reduce_min3A_1856 = vector.shape_cast %reduce_min3A_1855 : vector<1xi32> to vector<1x1x1xi32>
    %reduce_min3A_1857 = vector.extract %reduce_min3A_1856[0, 0, 0] : i32 from vector<1x1x1xi32>
    %eq3A_1858 = vector.broadcast %reduce_min3A_1857 : i32 to vector<160x125xi32>
    %eq3A_1859 = arith.cmpi eq, %add3A_1010, %eq3A_1858 : vector<160x125xi32>
    %jit3A_1860 = arith.constant 0.000000e+00 : f32
    %broadcast_in_dim3A_1861 = vector.broadcast %jit3A_1860 : f32 to vector<160x125xf32>
    %select_n3A_1862 = arith.select %eq3A_1859, %convert_element_type3A, %broadcast_in_dim3A_1861 : vector<160x125xi1>, vector<160x125xf32>
    %reduce_sum3A_1863 = vector.shape_cast %select_n3A_1862 : vector<160x125xf32> to vector<1x160x125xf32>
    %reduce_sum3A_1864 = arith.constant dense<0.000000e+00> : vector<1xf32>
    %reduce_sum3A_1865 = vector.multi_reduction <add>, %reduce_sum3A_1863, %reduce_sum3A_1864 [1, 2] : vector<1x160x125xf32> to vector<1xf32>
    %reduce_sum3A_1866 = vector.shape_cast %reduce_sum3A_1865 : vector<1xf32> to vector<1x1x1xf32>
    %reduce_sum3A_1867 = vector.extract %reduce_sum3A_1866[0, 0, 0] : f32 from vector<1x1x1xf32>
    %jit3A_1868 = arith.constant 0.000000e+00 : f32
    %broadcast_in_dim3A_1869 = vector.broadcast %jit3A_1868 : f32 to vector<160x125xf32>
    %select_n3A_1870 = arith.select %eq3A_1859, %select_n3A_879, %broadcast_in_dim3A_1869 : vector<160x125xi1>, vector<160x125xf32>
    %reduce_sum3A_1871 = vector.shape_cast %select_n3A_1870 : vector<160x125xf32> to vector<1x160x125xf32>
    %reduce_sum3A_1872 = arith.constant dense<0.000000e+00> : vector<1xf32>
    %reduce_sum3A_1873 = vector.multi_reduction <add>, %reduce_sum3A_1871, %reduce_sum3A_1872 [1, 2] : vector<1x160x125xf32> to vector<1xf32>
    %reduce_sum3A_1874 = vector.shape_cast %reduce_sum3A_1873 : vector<1xf32> to vector<1x1x1xf32>
    %reduce_sum3A_1875 = vector.extract %reduce_sum3A_1874[0, 0, 0] : f32 from vector<1x1x1xf32>
    %jit3A_1876 = arith.constant 0.000000e+00 : f32
    %broadcast_in_dim3A_1877 = vector.broadcast %jit3A_1876 : f32 to vector<160x125xf32>
    %select_n3A_1878 = arith.select %eq3A_1859, %mul3A_969, %broadcast_in_dim3A_1877 : vector<160x125xi1>, vector<160x125xf32>
    %reduce_sum3A_1879 = vector.shape_cast %select_n3A_1878 : vector<160x125xf32> to vector<1x160x125xf32>
    %reduce_sum3A_1880 = arith.constant dense<0.000000e+00> : vector<1xf32>
    %reduce_sum3A_1881 = vector.multi_reduction <add>, %reduce_sum3A_1879, %reduce_sum3A_1880 [1, 2] : vector<1x160x125xf32> to vector<1xf32>
    %reduce_sum3A_1882 = vector.shape_cast %reduce_sum3A_1881 : vector<1xf32> to vector<1x1x1xf32>
    %reduce_sum3A_1883 = vector.extract %reduce_sum3A_1882[0, 0, 0] : f32 from vector<1x1x1xf32>
    %jit3A_1884 = arith.constant 0.000000e+00 : f32
    %broadcast_in_dim3A_1885 = vector.broadcast %jit3A_1884 : f32 to vector<160x125xf32>
    %select_n3A_1886 = arith.select %eq3A_1859, %mul3A_976, %broadcast_in_dim3A_1885 : vector<160x125xi1>, vector<160x125xf32>
    %reduce_sum3A_1887 = vector.shape_cast %select_n3A_1886 : vector<160x125xf32> to vector<1x160x125xf32>
    %reduce_sum3A_1888 = arith.constant dense<0.000000e+00> : vector<1xf32>
    %reduce_sum3A_1889 = vector.multi_reduction <add>, %reduce_sum3A_1887, %reduce_sum3A_1888 [1, 2] : vector<1x160x125xf32> to vector<1xf32>
    %reduce_sum3A_1890 = vector.shape_cast %reduce_sum3A_1889 : vector<1xf32> to vector<1x1x1xf32>
    %reduce_sum3A_1891 = vector.extract %reduce_sum3A_1890[0, 0, 0] : f32 from vector<1x1x1xf32>
    %jit3A_1892 = arith.constant 0.000000e+00 : f32
    %broadcast_in_dim3A_1893 = vector.broadcast %jit3A_1892 : f32 to vector<160x125xf32>
    %select_n3A_1894 = arith.select %eq3A_1859, %mul3A_983, %broadcast_in_dim3A_1893 : vector<160x125xi1>, vector<160x125xf32>
    %reduce_sum3A_1895 = vector.shape_cast %select_n3A_1894 : vector<160x125xf32> to vector<1x160x125xf32>
    %reduce_sum3A_1896 = arith.constant dense<0.000000e+00> : vector<1xf32>
    %reduce_sum3A_1897 = vector.multi_reduction <add>, %reduce_sum3A_1895, %reduce_sum3A_1896 [1, 2] : vector<1x160x125xf32> to vector<1xf32>
    %reduce_sum3A_1898 = vector.shape_cast %reduce_sum3A_1897 : vector<1xf32> to vector<1x1x1xf32>
    %reduce_sum3A_1899 = vector.extract %reduce_sum3A_1898[0, 0, 0] : f32 from vector<1x1x1xf32>
    %jit3A_1900 = arith.constant 0.000000e+00 : f32
    %broadcast_in_dim3A_1901 = vector.broadcast %jit3A_1900 : f32 to vector<160x125xf32>
    %select_n3A_1902 = arith.select %eq3A_1859, %mul3A_990, %broadcast_in_dim3A_1901 : vector<160x125xi1>, vector<160x125xf32>
    %reduce_sum3A_1903 = vector.shape_cast %select_n3A_1902 : vector<160x125xf32> to vector<1x160x125xf32>
    %reduce_sum3A_1904 = arith.constant dense<0.000000e+00> : vector<1xf32>
    %reduce_sum3A_1905 = vector.multi_reduction <add>, %reduce_sum3A_1903, %reduce_sum3A_1904 [1, 2] : vector<1x160x125xf32> to vector<1xf32>
    %reduce_sum3A_1906 = vector.shape_cast %reduce_sum3A_1905 : vector<1xf32> to vector<1x1x1xf32>
    %reduce_sum3A_1907 = vector.extract %reduce_sum3A_1906[0, 0, 0] : f32 from vector<1x1x1xf32>
    %eq3A_1908 = arith.constant 0 : i32
    %eq3A_1909 = vector.broadcast %eq3A_1908 : i32 to vector<16x128xi32>
    %eq3A_1910 = arith.cmpi eq, %iota3A_1012, %eq3A_1909 : vector<16x128xi32>
    %jit3A_1911 = arith.constant 0.000000e+00 : f32
    %broadcast_in_dim3A_1912 = vector.broadcast %reduce_sum3A_1867 : f32 to vector<16x128xf32>
    %broadcast_in_dim3A_1913 = vector.broadcast %jit3A_1911 : f32 to vector<16x128xf32>
    %select_n3A_1914 = arith.select %eq3A_1910, %broadcast_in_dim3A_1912, %broadcast_in_dim3A_1913 : vector<16x128xi1>, vector<16x128xf32>
    %eq3A_1915 = arith.constant 1 : i32
    %eq3A_1916 = vector.broadcast %eq3A_1915 : i32 to vector<16x128xi32>
    %eq3A_1917 = arith.cmpi eq, %iota3A_1012, %eq3A_1916 : vector<16x128xi32>
    %jit3A_1918 = arith.constant 0.000000e+00 : f32
    %broadcast_in_dim3A_1919 = vector.broadcast %reduce_sum3A_1875 : f32 to vector<16x128xf32>
    %broadcast_in_dim3A_1920 = vector.broadcast %jit3A_1918 : f32 to vector<16x128xf32>
    %select_n3A_1921 = arith.select %eq3A_1917, %broadcast_in_dim3A_1919, %broadcast_in_dim3A_1920 : vector<16x128xi1>, vector<16x128xf32>
    %add3A_1922 = arith.addf %select_n3A_1914, %select_n3A_1921 : vector<16x128xf32>
    %eq3A_1923 = arith.constant 2 : i32
    %eq3A_1924 = vector.broadcast %eq3A_1923 : i32 to vector<16x128xi32>
    %eq3A_1925 = arith.cmpi eq, %iota3A_1012, %eq3A_1924 : vector<16x128xi32>
    %jit3A_1926 = arith.constant 0.000000e+00 : f32
    %broadcast_in_dim3A_1927 = vector.broadcast %reduce_sum3A_1883 : f32 to vector<16x128xf32>
    %broadcast_in_dim3A_1928 = vector.broadcast %jit3A_1926 : f32 to vector<16x128xf32>
    %select_n3A_1929 = arith.select %eq3A_1925, %broadcast_in_dim3A_1927, %broadcast_in_dim3A_1928 : vector<16x128xi1>, vector<16x128xf32>
    %add3A_1930 = arith.addf %add3A_1922, %select_n3A_1929 : vector<16x128xf32>
    %eq3A_1931 = arith.constant 3 : i32
    %eq3A_1932 = vector.broadcast %eq3A_1931 : i32 to vector<16x128xi32>
    %eq3A_1933 = arith.cmpi eq, %iota3A_1012, %eq3A_1932 : vector<16x128xi32>
    %jit3A_1934 = arith.constant 0.000000e+00 : f32
    %broadcast_in_dim3A_1935 = vector.broadcast %reduce_sum3A_1891 : f32 to vector<16x128xf32>
    %broadcast_in_dim3A_1936 = vector.broadcast %jit3A_1934 : f32 to vector<16x128xf32>
    %select_n3A_1937 = arith.select %eq3A_1933, %broadcast_in_dim3A_1935, %broadcast_in_dim3A_1936 : vector<16x128xi1>, vector<16x128xf32>
    %add3A_1938 = arith.addf %add3A_1930, %select_n3A_1937 : vector<16x128xf32>
    %eq3A_1939 = arith.constant 4 : i32
    %eq3A_1940 = vector.broadcast %eq3A_1939 : i32 to vector<16x128xi32>
    %eq3A_1941 = arith.cmpi eq, %iota3A_1012, %eq3A_1940 : vector<16x128xi32>
    %jit3A_1942 = arith.constant 0.000000e+00 : f32
    %broadcast_in_dim3A_1943 = vector.broadcast %reduce_sum3A_1899 : f32 to vector<16x128xf32>
    %broadcast_in_dim3A_1944 = vector.broadcast %jit3A_1942 : f32 to vector<16x128xf32>
    %select_n3A_1945 = arith.select %eq3A_1941, %broadcast_in_dim3A_1943, %broadcast_in_dim3A_1944 : vector<16x128xi1>, vector<16x128xf32>
    %add3A_1946 = arith.addf %add3A_1938, %select_n3A_1945 : vector<16x128xf32>
    %eq3A_1947 = arith.constant 5 : i32
    %eq3A_1948 = vector.broadcast %eq3A_1947 : i32 to vector<16x128xi32>
    %eq3A_1949 = arith.cmpi eq, %iota3A_1012, %eq3A_1948 : vector<16x128xi32>
    %jit3A_1950 = arith.constant 0.000000e+00 : f32
    %broadcast_in_dim3A_1951 = vector.broadcast %reduce_sum3A_1907 : f32 to vector<16x128xf32>
    %broadcast_in_dim3A_1952 = vector.broadcast %jit3A_1950 : f32 to vector<16x128xf32>
    %select_n3A_1953 = arith.select %eq3A_1949, %broadcast_in_dim3A_1951, %broadcast_in_dim3A_1952 : vector<16x128xi1>, vector<16x128xf32>
    %add3A_1954 = arith.addf %add3A_1946, %select_n3A_1953 : vector<16x128xf32>
    %eq3A_1955 = arith.constant 5 : i32
    %eq3A_1956 = vector.broadcast %eq3A_1955 : i32 to vector<16x128xi32>
    %eq3A_1957 = arith.cmpi eq, %iota3A_1011, %eq3A_1956 : vector<16x128xi32>
    %jit3A_1958 = arith.constant 0.000000e+00 : f32
    %broadcast_in_dim3A_1959 = vector.broadcast %jit3A_1958 : f32 to vector<16x128xf32>
    %select_n3A_1960 = arith.select %eq3A_1957, %add3A_1954, %broadcast_in_dim3A_1959 : vector<16x128xi1>, vector<16x128xf32>
    %mul3A_1961 = vector.broadcast %select_n3A_1847 : f32 to vector<16x128xf32>
    %mul3A_1962 = arith.mulf %mul3A_1961, %select_n3A_1960 : vector<16x128xf32>
    %add3A_1963 = arith.addf %add3A_1797, %mul3A_1962 : vector<16x128xf32>
    %max3A_1964 = vector.broadcast %reduce_sum3A_1883 : f32 to vector<160x125xf32>
    %max3A_1965 = arith.maximumf %mul3A_969, %max3A_1964 : vector<160x125xf32>
    %max3A_1966 = vector.broadcast %reduce_sum3A_1891 : f32 to vector<160x125xf32>
    %max3A_1967 = arith.maximumf %mul3A_976, %max3A_1966 : vector<160x125xf32>
    %min3A_1968 = vector.broadcast %reduce_sum3A_1899 : f32 to vector<160x125xf32>
    %min3A_1969 = arith.minimumf %mul3A_983, %min3A_1968 : vector<160x125xf32>
    %min3A_1970 = vector.broadcast %reduce_sum3A_1907 : f32 to vector<160x125xf32>
    %min3A_1971 = arith.minimumf %mul3A_990, %min3A_1970 : vector<160x125xf32>
    %sub3A_1972 = arith.subf %min3A_1969, %max3A_1965 : vector<160x125xf32>
    %max3A_1973 = arith.constant 0.000000e+00 : f32
    %max3A_1974 = vector.broadcast %max3A_1973 : f32 to vector<160x125xf32>
    %max3A_1975 = arith.maximumf %sub3A_1972, %max3A_1974 : vector<160x125xf32>
    %sub3A_1976 = arith.subf %min3A_1971, %max3A_1967 : vector<160x125xf32>
    %max3A_1977 = arith.constant 0.000000e+00 : f32
    %max3A_1978 = vector.broadcast %max3A_1977 : f32 to vector<160x125xf32>
    %max3A_1979 = arith.maximumf %sub3A_1976, %max3A_1978 : vector<160x125xf32>
    %mul3A_1980 = arith.mulf %max3A_1975, %max3A_1979 : vector<160x125xf32>
    %sub3A_1981 = arith.subf %reduce_sum3A_1899, %reduce_sum3A_1883 : f32
    %max3A_1982 = arith.constant 0.000000e+00 : f32
    %max3A_1983 = arith.maximumf %sub3A_1981, %max3A_1982 : f32
    %sub3A_1984 = arith.subf %reduce_sum3A_1907, %reduce_sum3A_1891 : f32
    %max3A_1985 = arith.constant 0.000000e+00 : f32
    %max3A_1986 = arith.maximumf %sub3A_1984, %max3A_1985 : f32
    %mul3A_1987 = arith.mulf %max3A_1983, %max3A_1986 : f32
    %add3A_1988 = vector.broadcast %mul3A_1987 : f32 to vector<160x125xf32>
    %add3A_1989 = arith.addf %mul3A_998, %add3A_1988 : vector<160x125xf32>
    %sub3A_1990 = arith.subf %add3A_1989, %mul3A_1980 : vector<160x125xf32>
    %max3A_1991 = arith.constant 9.99999993E-9 : f32
    %max3A_1992 = vector.broadcast %max3A_1991 : f32 to vector<160x125xf32>
    %max3A_1993 = arith.maximumf %sub3A_1990, %max3A_1992 : vector<160x125xf32>
    %div3A_1994 = arith.divf %mul3A_1980, %max3A_1993 : vector<160x125xf32>
    %gt3A_1995 = arith.constant 3.500000e-01 : f32
    %gt3A_1996 = vector.broadcast %gt3A_1995 : f32 to vector<160x125xf32>
    %gt3A_1997 = arith.cmpf ogt, %div3A_1994, %gt3A_1996 : vector<160x125xf32>
    %or3A_1998 = arith.ori %gt3A_1997, %eq3A_1859 : vector<160x125xi1>
    %and3A_1999 = vector.broadcast %gt3A_1844 : i1 to vector<160x125xi1>
    %and3A_2000 = arith.andi %or3A_1998, %and3A_1999 : vector<160x125xi1>
    %jit3A_2001 = arith.constant 0xFF800000 : f32
    %broadcast_in_dim3A_2002 = vector.broadcast %jit3A_2001 : f32 to vector<160x125xf32>
    %select_n3A_2003 = arith.select %and3A_2000, %broadcast_in_dim3A_2002, %select_n3A_1837 : vector<160x125xi1>, vector<160x125xf32>
    %reduce_max3A_2004 = vector.shape_cast %select_n3A_2003 : vector<160x125xf32> to vector<1x160x125xf32>
    %reduce_max3A_2005 = arith.constant dense<0xFF800000> : vector<1xf32>
    %reduce_max3A_2006 = vector.multi_reduction <maximumf>, %reduce_max3A_2004, %reduce_max3A_2005 [1, 2] : vector<1x160x125xf32> to vector<1xf32>
    %reduce_max3A_2007 = vector.shape_cast %reduce_max3A_2006 : vector<1xf32> to vector<1x1x1xf32>
    %reduce_max3A_2008 = vector.extract %reduce_max3A_2007[0, 0, 0] : f32 from vector<1x1x1xf32>
    %gt3A_2009 = arith.constant 0xFF800000 : f32
    %gt3A_2010 = arith.cmpf ogt, %reduce_max3A_2008, %gt3A_2009 : f32
    %jit3A_2011 = arith.constant 1.000000e+00 : f32
    %jit3A_2012 = arith.constant 0.000000e+00 : f32
    %select_n3A_2013 = arith.select %gt3A_2010, %jit3A_2011, %jit3A_2012 : f32
    %eq3A_2014 = vector.broadcast %reduce_max3A_2008 : f32 to vector<160x125xf32>
    %eq3A_2015 = arith.cmpf oeq, %select_n3A_2003, %eq3A_2014 : vector<160x125xf32>
    %jit3A_2016 = arith.constant 1073741824 : i32
    %broadcast_in_dim3A_2017 = vector.broadcast %jit3A_2016 : i32 to vector<160x125xi32>
    %select_n3A_2018 = arith.select %eq3A_2015, %add3A_1010, %broadcast_in_dim3A_2017 : vector<160x125xi1>, vector<160x125xi32>
    %reduce_min3A_2019 = vector.shape_cast %select_n3A_2018 : vector<160x125xi32> to vector<1x160x125xi32>
    %reduce_min3A_2020 = arith.constant dense<2147483647> : vector<1xi32>
    %reduce_min3A_2021 = vector.multi_reduction <minsi>, %reduce_min3A_2019, %reduce_min3A_2020 [1, 2] : vector<1x160x125xi32> to vector<1xi32>
    %reduce_min3A_2022 = vector.shape_cast %reduce_min3A_2021 : vector<1xi32> to vector<1x1x1xi32>
    %reduce_min3A_2023 = vector.extract %reduce_min3A_2022[0, 0, 0] : i32 from vector<1x1x1xi32>
    %eq3A_2024 = vector.broadcast %reduce_min3A_2023 : i32 to vector<160x125xi32>
    %eq3A_2025 = arith.cmpi eq, %add3A_1010, %eq3A_2024 : vector<160x125xi32>
    %jit3A_2026 = arith.constant 0.000000e+00 : f32
    %broadcast_in_dim3A_2027 = vector.broadcast %jit3A_2026 : f32 to vector<160x125xf32>
    %select_n3A_2028 = arith.select %eq3A_2025, %convert_element_type3A, %broadcast_in_dim3A_2027 : vector<160x125xi1>, vector<160x125xf32>
    %reduce_sum3A_2029 = vector.shape_cast %select_n3A_2028 : vector<160x125xf32> to vector<1x160x125xf32>
    %reduce_sum3A_2030 = arith.constant dense<0.000000e+00> : vector<1xf32>
    %reduce_sum3A_2031 = vector.multi_reduction <add>, %reduce_sum3A_2029, %reduce_sum3A_2030 [1, 2] : vector<1x160x125xf32> to vector<1xf32>
    %reduce_sum3A_2032 = vector.shape_cast %reduce_sum3A_2031 : vector<1xf32> to vector<1x1x1xf32>
    %reduce_sum3A_2033 = vector.extract %reduce_sum3A_2032[0, 0, 0] : f32 from vector<1x1x1xf32>
    %jit3A_2034 = arith.constant 0.000000e+00 : f32
    %broadcast_in_dim3A_2035 = vector.broadcast %jit3A_2034 : f32 to vector<160x125xf32>
    %select_n3A_2036 = arith.select %eq3A_2025, %select_n3A_879, %broadcast_in_dim3A_2035 : vector<160x125xi1>, vector<160x125xf32>
    %reduce_sum3A_2037 = vector.shape_cast %select_n3A_2036 : vector<160x125xf32> to vector<1x160x125xf32>
    %reduce_sum3A_2038 = arith.constant dense<0.000000e+00> : vector<1xf32>
    %reduce_sum3A_2039 = vector.multi_reduction <add>, %reduce_sum3A_2037, %reduce_sum3A_2038 [1, 2] : vector<1x160x125xf32> to vector<1xf32>
    %reduce_sum3A_2040 = vector.shape_cast %reduce_sum3A_2039 : vector<1xf32> to vector<1x1x1xf32>
    %reduce_sum3A_2041 = vector.extract %reduce_sum3A_2040[0, 0, 0] : f32 from vector<1x1x1xf32>
    %jit3A_2042 = arith.constant 0.000000e+00 : f32
    %broadcast_in_dim3A_2043 = vector.broadcast %jit3A_2042 : f32 to vector<160x125xf32>
    %select_n3A_2044 = arith.select %eq3A_2025, %mul3A_969, %broadcast_in_dim3A_2043 : vector<160x125xi1>, vector<160x125xf32>
    %reduce_sum3A_2045 = vector.shape_cast %select_n3A_2044 : vector<160x125xf32> to vector<1x160x125xf32>
    %reduce_sum3A_2046 = arith.constant dense<0.000000e+00> : vector<1xf32>
    %reduce_sum3A_2047 = vector.multi_reduction <add>, %reduce_sum3A_2045, %reduce_sum3A_2046 [1, 2] : vector<1x160x125xf32> to vector<1xf32>
    %reduce_sum3A_2048 = vector.shape_cast %reduce_sum3A_2047 : vector<1xf32> to vector<1x1x1xf32>
    %reduce_sum3A_2049 = vector.extract %reduce_sum3A_2048[0, 0, 0] : f32 from vector<1x1x1xf32>
    %jit3A_2050 = arith.constant 0.000000e+00 : f32
    %broadcast_in_dim3A_2051 = vector.broadcast %jit3A_2050 : f32 to vector<160x125xf32>
    %select_n3A_2052 = arith.select %eq3A_2025, %mul3A_976, %broadcast_in_dim3A_2051 : vector<160x125xi1>, vector<160x125xf32>
    %reduce_sum3A_2053 = vector.shape_cast %select_n3A_2052 : vector<160x125xf32> to vector<1x160x125xf32>
    %reduce_sum3A_2054 = arith.constant dense<0.000000e+00> : vector<1xf32>
    %reduce_sum3A_2055 = vector.multi_reduction <add>, %reduce_sum3A_2053, %reduce_sum3A_2054 [1, 2] : vector<1x160x125xf32> to vector<1xf32>
    %reduce_sum3A_2056 = vector.shape_cast %reduce_sum3A_2055 : vector<1xf32> to vector<1x1x1xf32>
    %reduce_sum3A_2057 = vector.extract %reduce_sum3A_2056[0, 0, 0] : f32 from vector<1x1x1xf32>
    %jit3A_2058 = arith.constant 0.000000e+00 : f32
    %broadcast_in_dim3A_2059 = vector.broadcast %jit3A_2058 : f32 to vector<160x125xf32>
    %select_n3A_2060 = arith.select %eq3A_2025, %mul3A_983, %broadcast_in_dim3A_2059 : vector<160x125xi1>, vector<160x125xf32>
    %reduce_sum3A_2061 = vector.shape_cast %select_n3A_2060 : vector<160x125xf32> to vector<1x160x125xf32>
    %reduce_sum3A_2062 = arith.constant dense<0.000000e+00> : vector<1xf32>
    %reduce_sum3A_2063 = vector.multi_reduction <add>, %reduce_sum3A_2061, %reduce_sum3A_2062 [1, 2] : vector<1x160x125xf32> to vector<1xf32>
    %reduce_sum3A_2064 = vector.shape_cast %reduce_sum3A_2063 : vector<1xf32> to vector<1x1x1xf32>
    %reduce_sum3A_2065 = vector.extract %reduce_sum3A_2064[0, 0, 0] : f32 from vector<1x1x1xf32>
    %jit3A_2066 = arith.constant 0.000000e+00 : f32
    %broadcast_in_dim3A_2067 = vector.broadcast %jit3A_2066 : f32 to vector<160x125xf32>
    %select_n3A_2068 = arith.select %eq3A_2025, %mul3A_990, %broadcast_in_dim3A_2067 : vector<160x125xi1>, vector<160x125xf32>
    %reduce_sum3A_2069 = vector.shape_cast %select_n3A_2068 : vector<160x125xf32> to vector<1x160x125xf32>
    %reduce_sum3A_2070 = arith.constant dense<0.000000e+00> : vector<1xf32>
    %reduce_sum3A_2071 = vector.multi_reduction <add>, %reduce_sum3A_2069, %reduce_sum3A_2070 [1, 2] : vector<1x160x125xf32> to vector<1xf32>
    %reduce_sum3A_2072 = vector.shape_cast %reduce_sum3A_2071 : vector<1xf32> to vector<1x1x1xf32>
    %reduce_sum3A_2073 = vector.extract %reduce_sum3A_2072[0, 0, 0] : f32 from vector<1x1x1xf32>
    %eq3A_2074 = arith.constant 0 : i32
    %eq3A_2075 = vector.broadcast %eq3A_2074 : i32 to vector<16x128xi32>
    %eq3A_2076 = arith.cmpi eq, %iota3A_1012, %eq3A_2075 : vector<16x128xi32>
    %jit3A_2077 = arith.constant 0.000000e+00 : f32
    %broadcast_in_dim3A_2078 = vector.broadcast %reduce_sum3A_2033 : f32 to vector<16x128xf32>
    %broadcast_in_dim3A_2079 = vector.broadcast %jit3A_2077 : f32 to vector<16x128xf32>
    %select_n3A_2080 = arith.select %eq3A_2076, %broadcast_in_dim3A_2078, %broadcast_in_dim3A_2079 : vector<16x128xi1>, vector<16x128xf32>
    %eq3A_2081 = arith.constant 1 : i32
    %eq3A_2082 = vector.broadcast %eq3A_2081 : i32 to vector<16x128xi32>
    %eq3A_2083 = arith.cmpi eq, %iota3A_1012, %eq3A_2082 : vector<16x128xi32>
    %jit3A_2084 = arith.constant 0.000000e+00 : f32
    %broadcast_in_dim3A_2085 = vector.broadcast %reduce_sum3A_2041 : f32 to vector<16x128xf32>
    %broadcast_in_dim3A_2086 = vector.broadcast %jit3A_2084 : f32 to vector<16x128xf32>
    %select_n3A_2087 = arith.select %eq3A_2083, %broadcast_in_dim3A_2085, %broadcast_in_dim3A_2086 : vector<16x128xi1>, vector<16x128xf32>
    %add3A_2088 = arith.addf %select_n3A_2080, %select_n3A_2087 : vector<16x128xf32>
    %eq3A_2089 = arith.constant 2 : i32
    %eq3A_2090 = vector.broadcast %eq3A_2089 : i32 to vector<16x128xi32>
    %eq3A_2091 = arith.cmpi eq, %iota3A_1012, %eq3A_2090 : vector<16x128xi32>
    %jit3A_2092 = arith.constant 0.000000e+00 : f32
    %broadcast_in_dim3A_2093 = vector.broadcast %reduce_sum3A_2049 : f32 to vector<16x128xf32>
    %broadcast_in_dim3A_2094 = vector.broadcast %jit3A_2092 : f32 to vector<16x128xf32>
    %select_n3A_2095 = arith.select %eq3A_2091, %broadcast_in_dim3A_2093, %broadcast_in_dim3A_2094 : vector<16x128xi1>, vector<16x128xf32>
    %add3A_2096 = arith.addf %add3A_2088, %select_n3A_2095 : vector<16x128xf32>
    %eq3A_2097 = arith.constant 3 : i32
    %eq3A_2098 = vector.broadcast %eq3A_2097 : i32 to vector<16x128xi32>
    %eq3A_2099 = arith.cmpi eq, %iota3A_1012, %eq3A_2098 : vector<16x128xi32>
    %jit3A_2100 = arith.constant 0.000000e+00 : f32
    %broadcast_in_dim3A_2101 = vector.broadcast %reduce_sum3A_2057 : f32 to vector<16x128xf32>
    %broadcast_in_dim3A_2102 = vector.broadcast %jit3A_2100 : f32 to vector<16x128xf32>
    %select_n3A_2103 = arith.select %eq3A_2099, %broadcast_in_dim3A_2101, %broadcast_in_dim3A_2102 : vector<16x128xi1>, vector<16x128xf32>
    %add3A_2104 = arith.addf %add3A_2096, %select_n3A_2103 : vector<16x128xf32>
    %eq3A_2105 = arith.constant 4 : i32
    %eq3A_2106 = vector.broadcast %eq3A_2105 : i32 to vector<16x128xi32>
    %eq3A_2107 = arith.cmpi eq, %iota3A_1012, %eq3A_2106 : vector<16x128xi32>
    %jit3A_2108 = arith.constant 0.000000e+00 : f32
    %broadcast_in_dim3A_2109 = vector.broadcast %reduce_sum3A_2065 : f32 to vector<16x128xf32>
    %broadcast_in_dim3A_2110 = vector.broadcast %jit3A_2108 : f32 to vector<16x128xf32>
    %select_n3A_2111 = arith.select %eq3A_2107, %broadcast_in_dim3A_2109, %broadcast_in_dim3A_2110 : vector<16x128xi1>, vector<16x128xf32>
    %add3A_2112 = arith.addf %add3A_2104, %select_n3A_2111 : vector<16x128xf32>
    %eq3A_2113 = arith.constant 5 : i32
    %eq3A_2114 = vector.broadcast %eq3A_2113 : i32 to vector<16x128xi32>
    %eq3A_2115 = arith.cmpi eq, %iota3A_1012, %eq3A_2114 : vector<16x128xi32>
    %jit3A_2116 = arith.constant 0.000000e+00 : f32
    %broadcast_in_dim3A_2117 = vector.broadcast %reduce_sum3A_2073 : f32 to vector<16x128xf32>
    %broadcast_in_dim3A_2118 = vector.broadcast %jit3A_2116 : f32 to vector<16x128xf32>
    %select_n3A_2119 = arith.select %eq3A_2115, %broadcast_in_dim3A_2117, %broadcast_in_dim3A_2118 : vector<16x128xi1>, vector<16x128xf32>
    %add3A_2120 = arith.addf %add3A_2112, %select_n3A_2119 : vector<16x128xf32>
    %eq3A_2121 = arith.constant 6 : i32
    %eq3A_2122 = vector.broadcast %eq3A_2121 : i32 to vector<16x128xi32>
    %eq3A_2123 = arith.cmpi eq, %iota3A_1011, %eq3A_2122 : vector<16x128xi32>
    %jit3A_2124 = arith.constant 0.000000e+00 : f32
    %broadcast_in_dim3A_2125 = vector.broadcast %jit3A_2124 : f32 to vector<16x128xf32>
    %select_n3A_2126 = arith.select %eq3A_2123, %add3A_2120, %broadcast_in_dim3A_2125 : vector<16x128xi1>, vector<16x128xf32>
    %mul3A_2127 = vector.broadcast %select_n3A_2013 : f32 to vector<16x128xf32>
    %mul3A_2128 = arith.mulf %mul3A_2127, %select_n3A_2126 : vector<16x128xf32>
    %add3A_2129 = arith.addf %add3A_1963, %mul3A_2128 : vector<16x128xf32>
    %max3A_2130 = vector.broadcast %reduce_sum3A_2049 : f32 to vector<160x125xf32>
    %max3A_2131 = arith.maximumf %mul3A_969, %max3A_2130 : vector<160x125xf32>
    %max3A_2132 = vector.broadcast %reduce_sum3A_2057 : f32 to vector<160x125xf32>
    %max3A_2133 = arith.maximumf %mul3A_976, %max3A_2132 : vector<160x125xf32>
    %min3A_2134 = vector.broadcast %reduce_sum3A_2065 : f32 to vector<160x125xf32>
    %min3A_2135 = arith.minimumf %mul3A_983, %min3A_2134 : vector<160x125xf32>
    %min3A_2136 = vector.broadcast %reduce_sum3A_2073 : f32 to vector<160x125xf32>
    %min3A_2137 = arith.minimumf %mul3A_990, %min3A_2136 : vector<160x125xf32>
    %sub3A_2138 = arith.subf %min3A_2135, %max3A_2131 : vector<160x125xf32>
    %max3A_2139 = arith.constant 0.000000e+00 : f32
    %max3A_2140 = vector.broadcast %max3A_2139 : f32 to vector<160x125xf32>
    %max3A_2141 = arith.maximumf %sub3A_2138, %max3A_2140 : vector<160x125xf32>
    %sub3A_2142 = arith.subf %min3A_2137, %max3A_2133 : vector<160x125xf32>
    %max3A_2143 = arith.constant 0.000000e+00 : f32
    %max3A_2144 = vector.broadcast %max3A_2143 : f32 to vector<160x125xf32>
    %max3A_2145 = arith.maximumf %sub3A_2142, %max3A_2144 : vector<160x125xf32>
    %mul3A_2146 = arith.mulf %max3A_2141, %max3A_2145 : vector<160x125xf32>
    %sub3A_2147 = arith.subf %reduce_sum3A_2065, %reduce_sum3A_2049 : f32
    %max3A_2148 = arith.constant 0.000000e+00 : f32
    %max3A_2149 = arith.maximumf %sub3A_2147, %max3A_2148 : f32
    %sub3A_2150 = arith.subf %reduce_sum3A_2073, %reduce_sum3A_2057 : f32
    %max3A_2151 = arith.constant 0.000000e+00 : f32
    %max3A_2152 = arith.maximumf %sub3A_2150, %max3A_2151 : f32
    %mul3A_2153 = arith.mulf %max3A_2149, %max3A_2152 : f32
    %add3A_2154 = vector.broadcast %mul3A_2153 : f32 to vector<160x125xf32>
    %add3A_2155 = arith.addf %mul3A_998, %add3A_2154 : vector<160x125xf32>
    %sub3A_2156 = arith.subf %add3A_2155, %mul3A_2146 : vector<160x125xf32>
    %max3A_2157 = arith.constant 9.99999993E-9 : f32
    %max3A_2158 = vector.broadcast %max3A_2157 : f32 to vector<160x125xf32>
    %max3A_2159 = arith.maximumf %sub3A_2156, %max3A_2158 : vector<160x125xf32>
    %div3A_2160 = arith.divf %mul3A_2146, %max3A_2159 : vector<160x125xf32>
    %gt3A_2161 = arith.constant 3.500000e-01 : f32
    %gt3A_2162 = vector.broadcast %gt3A_2161 : f32 to vector<160x125xf32>
    %gt3A_2163 = arith.cmpf ogt, %div3A_2160, %gt3A_2162 : vector<160x125xf32>
    %or3A_2164 = arith.ori %gt3A_2163, %eq3A_2025 : vector<160x125xi1>
    %and3A_2165 = vector.broadcast %gt3A_2010 : i1 to vector<160x125xi1>
    %and3A_2166 = arith.andi %or3A_2164, %and3A_2165 : vector<160x125xi1>
    %jit3A_2167 = arith.constant 0xFF800000 : f32
    %broadcast_in_dim3A_2168 = vector.broadcast %jit3A_2167 : f32 to vector<160x125xf32>
    %select_n3A_2169 = arith.select %and3A_2166, %broadcast_in_dim3A_2168, %select_n3A_2003 : vector<160x125xi1>, vector<160x125xf32>
    %reduce_max3A_2170 = vector.shape_cast %select_n3A_2169 : vector<160x125xf32> to vector<1x160x125xf32>
    %reduce_max3A_2171 = arith.constant dense<0xFF800000> : vector<1xf32>
    %reduce_max3A_2172 = vector.multi_reduction <maximumf>, %reduce_max3A_2170, %reduce_max3A_2171 [1, 2] : vector<1x160x125xf32> to vector<1xf32>
    %reduce_max3A_2173 = vector.shape_cast %reduce_max3A_2172 : vector<1xf32> to vector<1x1x1xf32>
    %reduce_max3A_2174 = vector.extract %reduce_max3A_2173[0, 0, 0] : f32 from vector<1x1x1xf32>
    %gt3A_2175 = arith.constant 0xFF800000 : f32
    %gt3A_2176 = arith.cmpf ogt, %reduce_max3A_2174, %gt3A_2175 : f32
    %jit3A_2177 = arith.constant 1.000000e+00 : f32
    %jit3A_2178 = arith.constant 0.000000e+00 : f32
    %select_n3A_2179 = arith.select %gt3A_2176, %jit3A_2177, %jit3A_2178 : f32
    %eq3A_2180 = vector.broadcast %reduce_max3A_2174 : f32 to vector<160x125xf32>
    %eq3A_2181 = arith.cmpf oeq, %select_n3A_2169, %eq3A_2180 : vector<160x125xf32>
    %jit3A_2182 = arith.constant 1073741824 : i32
    %broadcast_in_dim3A_2183 = vector.broadcast %jit3A_2182 : i32 to vector<160x125xi32>
    %select_n3A_2184 = arith.select %eq3A_2181, %add3A_1010, %broadcast_in_dim3A_2183 : vector<160x125xi1>, vector<160x125xi32>
    %reduce_min3A_2185 = vector.shape_cast %select_n3A_2184 : vector<160x125xi32> to vector<1x160x125xi32>
    %reduce_min3A_2186 = arith.constant dense<2147483647> : vector<1xi32>
    %reduce_min3A_2187 = vector.multi_reduction <minsi>, %reduce_min3A_2185, %reduce_min3A_2186 [1, 2] : vector<1x160x125xi32> to vector<1xi32>
    %reduce_min3A_2188 = vector.shape_cast %reduce_min3A_2187 : vector<1xi32> to vector<1x1x1xi32>
    %reduce_min3A_2189 = vector.extract %reduce_min3A_2188[0, 0, 0] : i32 from vector<1x1x1xi32>
    %eq3A_2190 = vector.broadcast %reduce_min3A_2189 : i32 to vector<160x125xi32>
    %eq3A_2191 = arith.cmpi eq, %add3A_1010, %eq3A_2190 : vector<160x125xi32>
    %jit3A_2192 = arith.constant 0.000000e+00 : f32
    %broadcast_in_dim3A_2193 = vector.broadcast %jit3A_2192 : f32 to vector<160x125xf32>
    %select_n3A_2194 = arith.select %eq3A_2191, %convert_element_type3A, %broadcast_in_dim3A_2193 : vector<160x125xi1>, vector<160x125xf32>
    %reduce_sum3A_2195 = vector.shape_cast %select_n3A_2194 : vector<160x125xf32> to vector<1x160x125xf32>
    %reduce_sum3A_2196 = arith.constant dense<0.000000e+00> : vector<1xf32>
    %reduce_sum3A_2197 = vector.multi_reduction <add>, %reduce_sum3A_2195, %reduce_sum3A_2196 [1, 2] : vector<1x160x125xf32> to vector<1xf32>
    %reduce_sum3A_2198 = vector.shape_cast %reduce_sum3A_2197 : vector<1xf32> to vector<1x1x1xf32>
    %reduce_sum3A_2199 = vector.extract %reduce_sum3A_2198[0, 0, 0] : f32 from vector<1x1x1xf32>
    %jit3A_2200 = arith.constant 0.000000e+00 : f32
    %broadcast_in_dim3A_2201 = vector.broadcast %jit3A_2200 : f32 to vector<160x125xf32>
    %select_n3A_2202 = arith.select %eq3A_2191, %select_n3A_879, %broadcast_in_dim3A_2201 : vector<160x125xi1>, vector<160x125xf32>
    %reduce_sum3A_2203 = vector.shape_cast %select_n3A_2202 : vector<160x125xf32> to vector<1x160x125xf32>
    %reduce_sum3A_2204 = arith.constant dense<0.000000e+00> : vector<1xf32>
    %reduce_sum3A_2205 = vector.multi_reduction <add>, %reduce_sum3A_2203, %reduce_sum3A_2204 [1, 2] : vector<1x160x125xf32> to vector<1xf32>
    %reduce_sum3A_2206 = vector.shape_cast %reduce_sum3A_2205 : vector<1xf32> to vector<1x1x1xf32>
    %reduce_sum3A_2207 = vector.extract %reduce_sum3A_2206[0, 0, 0] : f32 from vector<1x1x1xf32>
    %jit3A_2208 = arith.constant 0.000000e+00 : f32
    %broadcast_in_dim3A_2209 = vector.broadcast %jit3A_2208 : f32 to vector<160x125xf32>
    %select_n3A_2210 = arith.select %eq3A_2191, %mul3A_969, %broadcast_in_dim3A_2209 : vector<160x125xi1>, vector<160x125xf32>
    %reduce_sum3A_2211 = vector.shape_cast %select_n3A_2210 : vector<160x125xf32> to vector<1x160x125xf32>
    %reduce_sum3A_2212 = arith.constant dense<0.000000e+00> : vector<1xf32>
    %reduce_sum3A_2213 = vector.multi_reduction <add>, %reduce_sum3A_2211, %reduce_sum3A_2212 [1, 2] : vector<1x160x125xf32> to vector<1xf32>
    %reduce_sum3A_2214 = vector.shape_cast %reduce_sum3A_2213 : vector<1xf32> to vector<1x1x1xf32>
    %reduce_sum3A_2215 = vector.extract %reduce_sum3A_2214[0, 0, 0] : f32 from vector<1x1x1xf32>
    %jit3A_2216 = arith.constant 0.000000e+00 : f32
    %broadcast_in_dim3A_2217 = vector.broadcast %jit3A_2216 : f32 to vector<160x125xf32>
    %select_n3A_2218 = arith.select %eq3A_2191, %mul3A_976, %broadcast_in_dim3A_2217 : vector<160x125xi1>, vector<160x125xf32>
    %reduce_sum3A_2219 = vector.shape_cast %select_n3A_2218 : vector<160x125xf32> to vector<1x160x125xf32>
    %reduce_sum3A_2220 = arith.constant dense<0.000000e+00> : vector<1xf32>
    %reduce_sum3A_2221 = vector.multi_reduction <add>, %reduce_sum3A_2219, %reduce_sum3A_2220 [1, 2] : vector<1x160x125xf32> to vector<1xf32>
    %reduce_sum3A_2222 = vector.shape_cast %reduce_sum3A_2221 : vector<1xf32> to vector<1x1x1xf32>
    %reduce_sum3A_2223 = vector.extract %reduce_sum3A_2222[0, 0, 0] : f32 from vector<1x1x1xf32>
    %jit3A_2224 = arith.constant 0.000000e+00 : f32
    %broadcast_in_dim3A_2225 = vector.broadcast %jit3A_2224 : f32 to vector<160x125xf32>
    %select_n3A_2226 = arith.select %eq3A_2191, %mul3A_983, %broadcast_in_dim3A_2225 : vector<160x125xi1>, vector<160x125xf32>
    %reduce_sum3A_2227 = vector.shape_cast %select_n3A_2226 : vector<160x125xf32> to vector<1x160x125xf32>
    %reduce_sum3A_2228 = arith.constant dense<0.000000e+00> : vector<1xf32>
    %reduce_sum3A_2229 = vector.multi_reduction <add>, %reduce_sum3A_2227, %reduce_sum3A_2228 [1, 2] : vector<1x160x125xf32> to vector<1xf32>
    %reduce_sum3A_2230 = vector.shape_cast %reduce_sum3A_2229 : vector<1xf32> to vector<1x1x1xf32>
    %reduce_sum3A_2231 = vector.extract %reduce_sum3A_2230[0, 0, 0] : f32 from vector<1x1x1xf32>
    %jit3A_2232 = arith.constant 0.000000e+00 : f32
    %broadcast_in_dim3A_2233 = vector.broadcast %jit3A_2232 : f32 to vector<160x125xf32>
    %select_n3A_2234 = arith.select %eq3A_2191, %mul3A_990, %broadcast_in_dim3A_2233 : vector<160x125xi1>, vector<160x125xf32>
    %reduce_sum3A_2235 = vector.shape_cast %select_n3A_2234 : vector<160x125xf32> to vector<1x160x125xf32>
    %reduce_sum3A_2236 = arith.constant dense<0.000000e+00> : vector<1xf32>
    %reduce_sum3A_2237 = vector.multi_reduction <add>, %reduce_sum3A_2235, %reduce_sum3A_2236 [1, 2] : vector<1x160x125xf32> to vector<1xf32>
    %reduce_sum3A_2238 = vector.shape_cast %reduce_sum3A_2237 : vector<1xf32> to vector<1x1x1xf32>
    %reduce_sum3A_2239 = vector.extract %reduce_sum3A_2238[0, 0, 0] : f32 from vector<1x1x1xf32>
    %eq3A_2240 = arith.constant 0 : i32
    %eq3A_2241 = vector.broadcast %eq3A_2240 : i32 to vector<16x128xi32>
    %eq3A_2242 = arith.cmpi eq, %iota3A_1012, %eq3A_2241 : vector<16x128xi32>
    %jit3A_2243 = arith.constant 0.000000e+00 : f32
    %broadcast_in_dim3A_2244 = vector.broadcast %reduce_sum3A_2199 : f32 to vector<16x128xf32>
    %broadcast_in_dim3A_2245 = vector.broadcast %jit3A_2243 : f32 to vector<16x128xf32>
    %select_n3A_2246 = arith.select %eq3A_2242, %broadcast_in_dim3A_2244, %broadcast_in_dim3A_2245 : vector<16x128xi1>, vector<16x128xf32>
    %eq3A_2247 = arith.constant 1 : i32
    %eq3A_2248 = vector.broadcast %eq3A_2247 : i32 to vector<16x128xi32>
    %eq3A_2249 = arith.cmpi eq, %iota3A_1012, %eq3A_2248 : vector<16x128xi32>
    %jit3A_2250 = arith.constant 0.000000e+00 : f32
    %broadcast_in_dim3A_2251 = vector.broadcast %reduce_sum3A_2207 : f32 to vector<16x128xf32>
    %broadcast_in_dim3A_2252 = vector.broadcast %jit3A_2250 : f32 to vector<16x128xf32>
    %select_n3A_2253 = arith.select %eq3A_2249, %broadcast_in_dim3A_2251, %broadcast_in_dim3A_2252 : vector<16x128xi1>, vector<16x128xf32>
    %add3A_2254 = arith.addf %select_n3A_2246, %select_n3A_2253 : vector<16x128xf32>
    %eq3A_2255 = arith.constant 2 : i32
    %eq3A_2256 = vector.broadcast %eq3A_2255 : i32 to vector<16x128xi32>
    %eq3A_2257 = arith.cmpi eq, %iota3A_1012, %eq3A_2256 : vector<16x128xi32>
    %jit3A_2258 = arith.constant 0.000000e+00 : f32
    %broadcast_in_dim3A_2259 = vector.broadcast %reduce_sum3A_2215 : f32 to vector<16x128xf32>
    %broadcast_in_dim3A_2260 = vector.broadcast %jit3A_2258 : f32 to vector<16x128xf32>
    %select_n3A_2261 = arith.select %eq3A_2257, %broadcast_in_dim3A_2259, %broadcast_in_dim3A_2260 : vector<16x128xi1>, vector<16x128xf32>
    %add3A_2262 = arith.addf %add3A_2254, %select_n3A_2261 : vector<16x128xf32>
    %eq3A_2263 = arith.constant 3 : i32
    %eq3A_2264 = vector.broadcast %eq3A_2263 : i32 to vector<16x128xi32>
    %eq3A_2265 = arith.cmpi eq, %iota3A_1012, %eq3A_2264 : vector<16x128xi32>
    %jit3A_2266 = arith.constant 0.000000e+00 : f32
    %broadcast_in_dim3A_2267 = vector.broadcast %reduce_sum3A_2223 : f32 to vector<16x128xf32>
    %broadcast_in_dim3A_2268 = vector.broadcast %jit3A_2266 : f32 to vector<16x128xf32>
    %select_n3A_2269 = arith.select %eq3A_2265, %broadcast_in_dim3A_2267, %broadcast_in_dim3A_2268 : vector<16x128xi1>, vector<16x128xf32>
    %add3A_2270 = arith.addf %add3A_2262, %select_n3A_2269 : vector<16x128xf32>
    %eq3A_2271 = arith.constant 4 : i32
    %eq3A_2272 = vector.broadcast %eq3A_2271 : i32 to vector<16x128xi32>
    %eq3A_2273 = arith.cmpi eq, %iota3A_1012, %eq3A_2272 : vector<16x128xi32>
    %jit3A_2274 = arith.constant 0.000000e+00 : f32
    %broadcast_in_dim3A_2275 = vector.broadcast %reduce_sum3A_2231 : f32 to vector<16x128xf32>
    %broadcast_in_dim3A_2276 = vector.broadcast %jit3A_2274 : f32 to vector<16x128xf32>
    %select_n3A_2277 = arith.select %eq3A_2273, %broadcast_in_dim3A_2275, %broadcast_in_dim3A_2276 : vector<16x128xi1>, vector<16x128xf32>
    %add3A_2278 = arith.addf %add3A_2270, %select_n3A_2277 : vector<16x128xf32>
    %eq3A_2279 = arith.constant 5 : i32
    %eq3A_2280 = vector.broadcast %eq3A_2279 : i32 to vector<16x128xi32>
    %eq3A_2281 = arith.cmpi eq, %iota3A_1012, %eq3A_2280 : vector<16x128xi32>
    %jit3A_2282 = arith.constant 0.000000e+00 : f32
    %broadcast_in_dim3A_2283 = vector.broadcast %reduce_sum3A_2239 : f32 to vector<16x128xf32>
    %broadcast_in_dim3A_2284 = vector.broadcast %jit3A_2282 : f32 to vector<16x128xf32>
    %select_n3A_2285 = arith.select %eq3A_2281, %broadcast_in_dim3A_2283, %broadcast_in_dim3A_2284 : vector<16x128xi1>, vector<16x128xf32>
    %add3A_2286 = arith.addf %add3A_2278, %select_n3A_2285 : vector<16x128xf32>
    %eq3A_2287 = arith.constant 7 : i32
    %eq3A_2288 = vector.broadcast %eq3A_2287 : i32 to vector<16x128xi32>
    %eq3A_2289 = arith.cmpi eq, %iota3A_1011, %eq3A_2288 : vector<16x128xi32>
    %jit3A_2290 = arith.constant 0.000000e+00 : f32
    %broadcast_in_dim3A_2291 = vector.broadcast %jit3A_2290 : f32 to vector<16x128xf32>
    %select_n3A_2292 = arith.select %eq3A_2289, %add3A_2286, %broadcast_in_dim3A_2291 : vector<16x128xi1>, vector<16x128xf32>
    %mul3A_2293 = vector.broadcast %select_n3A_2179 : f32 to vector<16x128xf32>
    %mul3A_2294 = arith.mulf %mul3A_2293, %select_n3A_2292 : vector<16x128xf32>
    %add3A_2295 = arith.addf %add3A_2129, %mul3A_2294 : vector<16x128xf32>
    %max3A_2296 = vector.broadcast %reduce_sum3A_2215 : f32 to vector<160x125xf32>
    %max3A_2297 = arith.maximumf %mul3A_969, %max3A_2296 : vector<160x125xf32>
    %max3A_2298 = vector.broadcast %reduce_sum3A_2223 : f32 to vector<160x125xf32>
    %max3A_2299 = arith.maximumf %mul3A_976, %max3A_2298 : vector<160x125xf32>
    %min3A_2300 = vector.broadcast %reduce_sum3A_2231 : f32 to vector<160x125xf32>
    %min3A_2301 = arith.minimumf %mul3A_983, %min3A_2300 : vector<160x125xf32>
    %min3A_2302 = vector.broadcast %reduce_sum3A_2239 : f32 to vector<160x125xf32>
    %min3A_2303 = arith.minimumf %mul3A_990, %min3A_2302 : vector<160x125xf32>
    %sub3A_2304 = arith.subf %min3A_2301, %max3A_2297 : vector<160x125xf32>
    %max3A_2305 = arith.constant 0.000000e+00 : f32
    %max3A_2306 = vector.broadcast %max3A_2305 : f32 to vector<160x125xf32>
    %max3A_2307 = arith.maximumf %sub3A_2304, %max3A_2306 : vector<160x125xf32>
    %sub3A_2308 = arith.subf %min3A_2303, %max3A_2299 : vector<160x125xf32>
    %max3A_2309 = arith.constant 0.000000e+00 : f32
    %max3A_2310 = vector.broadcast %max3A_2309 : f32 to vector<160x125xf32>
    %max3A_2311 = arith.maximumf %sub3A_2308, %max3A_2310 : vector<160x125xf32>
    %mul3A_2312 = arith.mulf %max3A_2307, %max3A_2311 : vector<160x125xf32>
    %sub3A_2313 = arith.subf %reduce_sum3A_2231, %reduce_sum3A_2215 : f32
    %max3A_2314 = arith.constant 0.000000e+00 : f32
    %max3A_2315 = arith.maximumf %sub3A_2313, %max3A_2314 : f32
    %sub3A_2316 = arith.subf %reduce_sum3A_2239, %reduce_sum3A_2223 : f32
    %max3A_2317 = arith.constant 0.000000e+00 : f32
    %max3A_2318 = arith.maximumf %sub3A_2316, %max3A_2317 : f32
    %mul3A_2319 = arith.mulf %max3A_2315, %max3A_2318 : f32
    %add3A_2320 = vector.broadcast %mul3A_2319 : f32 to vector<160x125xf32>
    %add3A_2321 = arith.addf %mul3A_998, %add3A_2320 : vector<160x125xf32>
    %sub3A_2322 = arith.subf %add3A_2321, %mul3A_2312 : vector<160x125xf32>
    %max3A_2323 = arith.constant 9.99999993E-9 : f32
    %max3A_2324 = vector.broadcast %max3A_2323 : f32 to vector<160x125xf32>
    %max3A_2325 = arith.maximumf %sub3A_2322, %max3A_2324 : vector<160x125xf32>
    %div3A_2326 = arith.divf %mul3A_2312, %max3A_2325 : vector<160x125xf32>
    %gt3A_2327 = arith.constant 3.500000e-01 : f32
    %gt3A_2328 = vector.broadcast %gt3A_2327 : f32 to vector<160x125xf32>
    %gt3A_2329 = arith.cmpf ogt, %div3A_2326, %gt3A_2328 : vector<160x125xf32>
    %or3A_2330 = arith.ori %gt3A_2329, %eq3A_2191 : vector<160x125xi1>
    %and3A_2331 = vector.broadcast %gt3A_2176 : i1 to vector<160x125xi1>
    %and3A_2332 = arith.andi %or3A_2330, %and3A_2331 : vector<160x125xi1>
    %jit3A_2333 = arith.constant 0xFF800000 : f32
    %broadcast_in_dim3A_2334 = vector.broadcast %jit3A_2333 : f32 to vector<160x125xf32>
    %select_n3A_2335 = arith.select %and3A_2332, %broadcast_in_dim3A_2334, %select_n3A_2169 : vector<160x125xi1>, vector<160x125xf32>
    %reduce_max3A_2336 = vector.shape_cast %select_n3A_2335 : vector<160x125xf32> to vector<1x160x125xf32>
    %reduce_max3A_2337 = arith.constant dense<0xFF800000> : vector<1xf32>
    %reduce_max3A_2338 = vector.multi_reduction <maximumf>, %reduce_max3A_2336, %reduce_max3A_2337 [1, 2] : vector<1x160x125xf32> to vector<1xf32>
    %reduce_max3A_2339 = vector.shape_cast %reduce_max3A_2338 : vector<1xf32> to vector<1x1x1xf32>
    %reduce_max3A_2340 = vector.extract %reduce_max3A_2339[0, 0, 0] : f32 from vector<1x1x1xf32>
    %gt3A_2341 = arith.constant 0xFF800000 : f32
    %gt3A_2342 = arith.cmpf ogt, %reduce_max3A_2340, %gt3A_2341 : f32
    %jit3A_2343 = arith.constant 1.000000e+00 : f32
    %jit3A_2344 = arith.constant 0.000000e+00 : f32
    %select_n3A_2345 = arith.select %gt3A_2342, %jit3A_2343, %jit3A_2344 : f32
    %eq3A_2346 = vector.broadcast %reduce_max3A_2340 : f32 to vector<160x125xf32>
    %eq3A_2347 = arith.cmpf oeq, %select_n3A_2335, %eq3A_2346 : vector<160x125xf32>
    %jit3A_2348 = arith.constant 1073741824 : i32
    %broadcast_in_dim3A_2349 = vector.broadcast %jit3A_2348 : i32 to vector<160x125xi32>
    %select_n3A_2350 = arith.select %eq3A_2347, %add3A_1010, %broadcast_in_dim3A_2349 : vector<160x125xi1>, vector<160x125xi32>
    %reduce_min3A_2351 = vector.shape_cast %select_n3A_2350 : vector<160x125xi32> to vector<1x160x125xi32>
    %reduce_min3A_2352 = arith.constant dense<2147483647> : vector<1xi32>
    %reduce_min3A_2353 = vector.multi_reduction <minsi>, %reduce_min3A_2351, %reduce_min3A_2352 [1, 2] : vector<1x160x125xi32> to vector<1xi32>
    %reduce_min3A_2354 = vector.shape_cast %reduce_min3A_2353 : vector<1xi32> to vector<1x1x1xi32>
    %reduce_min3A_2355 = vector.extract %reduce_min3A_2354[0, 0, 0] : i32 from vector<1x1x1xi32>
    %eq3A_2356 = vector.broadcast %reduce_min3A_2355 : i32 to vector<160x125xi32>
    %eq3A_2357 = arith.cmpi eq, %add3A_1010, %eq3A_2356 : vector<160x125xi32>
    %jit3A_2358 = arith.constant 0.000000e+00 : f32
    %broadcast_in_dim3A_2359 = vector.broadcast %jit3A_2358 : f32 to vector<160x125xf32>
    %select_n3A_2360 = arith.select %eq3A_2357, %convert_element_type3A, %broadcast_in_dim3A_2359 : vector<160x125xi1>, vector<160x125xf32>
    %reduce_sum3A_2361 = vector.shape_cast %select_n3A_2360 : vector<160x125xf32> to vector<1x160x125xf32>
    %reduce_sum3A_2362 = arith.constant dense<0.000000e+00> : vector<1xf32>
    %reduce_sum3A_2363 = vector.multi_reduction <add>, %reduce_sum3A_2361, %reduce_sum3A_2362 [1, 2] : vector<1x160x125xf32> to vector<1xf32>
    %reduce_sum3A_2364 = vector.shape_cast %reduce_sum3A_2363 : vector<1xf32> to vector<1x1x1xf32>
    %reduce_sum3A_2365 = vector.extract %reduce_sum3A_2364[0, 0, 0] : f32 from vector<1x1x1xf32>
    %jit3A_2366 = arith.constant 0.000000e+00 : f32
    %broadcast_in_dim3A_2367 = vector.broadcast %jit3A_2366 : f32 to vector<160x125xf32>
    %select_n3A_2368 = arith.select %eq3A_2357, %select_n3A_879, %broadcast_in_dim3A_2367 : vector<160x125xi1>, vector<160x125xf32>
    %reduce_sum3A_2369 = vector.shape_cast %select_n3A_2368 : vector<160x125xf32> to vector<1x160x125xf32>
    %reduce_sum3A_2370 = arith.constant dense<0.000000e+00> : vector<1xf32>
    %reduce_sum3A_2371 = vector.multi_reduction <add>, %reduce_sum3A_2369, %reduce_sum3A_2370 [1, 2] : vector<1x160x125xf32> to vector<1xf32>
    %reduce_sum3A_2372 = vector.shape_cast %reduce_sum3A_2371 : vector<1xf32> to vector<1x1x1xf32>
    %reduce_sum3A_2373 = vector.extract %reduce_sum3A_2372[0, 0, 0] : f32 from vector<1x1x1xf32>
    %jit3A_2374 = arith.constant 0.000000e+00 : f32
    %broadcast_in_dim3A_2375 = vector.broadcast %jit3A_2374 : f32 to vector<160x125xf32>
    %select_n3A_2376 = arith.select %eq3A_2357, %mul3A_969, %broadcast_in_dim3A_2375 : vector<160x125xi1>, vector<160x125xf32>
    %reduce_sum3A_2377 = vector.shape_cast %select_n3A_2376 : vector<160x125xf32> to vector<1x160x125xf32>
    %reduce_sum3A_2378 = arith.constant dense<0.000000e+00> : vector<1xf32>
    %reduce_sum3A_2379 = vector.multi_reduction <add>, %reduce_sum3A_2377, %reduce_sum3A_2378 [1, 2] : vector<1x160x125xf32> to vector<1xf32>
    %reduce_sum3A_2380 = vector.shape_cast %reduce_sum3A_2379 : vector<1xf32> to vector<1x1x1xf32>
    %reduce_sum3A_2381 = vector.extract %reduce_sum3A_2380[0, 0, 0] : f32 from vector<1x1x1xf32>
    %jit3A_2382 = arith.constant 0.000000e+00 : f32
    %broadcast_in_dim3A_2383 = vector.broadcast %jit3A_2382 : f32 to vector<160x125xf32>
    %select_n3A_2384 = arith.select %eq3A_2357, %mul3A_976, %broadcast_in_dim3A_2383 : vector<160x125xi1>, vector<160x125xf32>
    %reduce_sum3A_2385 = vector.shape_cast %select_n3A_2384 : vector<160x125xf32> to vector<1x160x125xf32>
    %reduce_sum3A_2386 = arith.constant dense<0.000000e+00> : vector<1xf32>
    %reduce_sum3A_2387 = vector.multi_reduction <add>, %reduce_sum3A_2385, %reduce_sum3A_2386 [1, 2] : vector<1x160x125xf32> to vector<1xf32>
    %reduce_sum3A_2388 = vector.shape_cast %reduce_sum3A_2387 : vector<1xf32> to vector<1x1x1xf32>
    %reduce_sum3A_2389 = vector.extract %reduce_sum3A_2388[0, 0, 0] : f32 from vector<1x1x1xf32>
    %jit3A_2390 = arith.constant 0.000000e+00 : f32
    %broadcast_in_dim3A_2391 = vector.broadcast %jit3A_2390 : f32 to vector<160x125xf32>
    %select_n3A_2392 = arith.select %eq3A_2357, %mul3A_983, %broadcast_in_dim3A_2391 : vector<160x125xi1>, vector<160x125xf32>
    %reduce_sum3A_2393 = vector.shape_cast %select_n3A_2392 : vector<160x125xf32> to vector<1x160x125xf32>
    %reduce_sum3A_2394 = arith.constant dense<0.000000e+00> : vector<1xf32>
    %reduce_sum3A_2395 = vector.multi_reduction <add>, %reduce_sum3A_2393, %reduce_sum3A_2394 [1, 2] : vector<1x160x125xf32> to vector<1xf32>
    %reduce_sum3A_2396 = vector.shape_cast %reduce_sum3A_2395 : vector<1xf32> to vector<1x1x1xf32>
    %reduce_sum3A_2397 = vector.extract %reduce_sum3A_2396[0, 0, 0] : f32 from vector<1x1x1xf32>
    %jit3A_2398 = arith.constant 0.000000e+00 : f32
    %broadcast_in_dim3A_2399 = vector.broadcast %jit3A_2398 : f32 to vector<160x125xf32>
    %select_n3A_2400 = arith.select %eq3A_2357, %mul3A_990, %broadcast_in_dim3A_2399 : vector<160x125xi1>, vector<160x125xf32>
    %reduce_sum3A_2401 = vector.shape_cast %select_n3A_2400 : vector<160x125xf32> to vector<1x160x125xf32>
    %reduce_sum3A_2402 = arith.constant dense<0.000000e+00> : vector<1xf32>
    %reduce_sum3A_2403 = vector.multi_reduction <add>, %reduce_sum3A_2401, %reduce_sum3A_2402 [1, 2] : vector<1x160x125xf32> to vector<1xf32>
    %reduce_sum3A_2404 = vector.shape_cast %reduce_sum3A_2403 : vector<1xf32> to vector<1x1x1xf32>
    %reduce_sum3A_2405 = vector.extract %reduce_sum3A_2404[0, 0, 0] : f32 from vector<1x1x1xf32>
    %eq3A_2406 = arith.constant 0 : i32
    %eq3A_2407 = vector.broadcast %eq3A_2406 : i32 to vector<16x128xi32>
    %eq3A_2408 = arith.cmpi eq, %iota3A_1012, %eq3A_2407 : vector<16x128xi32>
    %jit3A_2409 = arith.constant 0.000000e+00 : f32
    %broadcast_in_dim3A_2410 = vector.broadcast %reduce_sum3A_2365 : f32 to vector<16x128xf32>
    %broadcast_in_dim3A_2411 = vector.broadcast %jit3A_2409 : f32 to vector<16x128xf32>
    %select_n3A_2412 = arith.select %eq3A_2408, %broadcast_in_dim3A_2410, %broadcast_in_dim3A_2411 : vector<16x128xi1>, vector<16x128xf32>
    %eq3A_2413 = arith.constant 1 : i32
    %eq3A_2414 = vector.broadcast %eq3A_2413 : i32 to vector<16x128xi32>
    %eq3A_2415 = arith.cmpi eq, %iota3A_1012, %eq3A_2414 : vector<16x128xi32>
    %jit3A_2416 = arith.constant 0.000000e+00 : f32
    %broadcast_in_dim3A_2417 = vector.broadcast %reduce_sum3A_2373 : f32 to vector<16x128xf32>
    %broadcast_in_dim3A_2418 = vector.broadcast %jit3A_2416 : f32 to vector<16x128xf32>
    %select_n3A_2419 = arith.select %eq3A_2415, %broadcast_in_dim3A_2417, %broadcast_in_dim3A_2418 : vector<16x128xi1>, vector<16x128xf32>
    %add3A_2420 = arith.addf %select_n3A_2412, %select_n3A_2419 : vector<16x128xf32>
    %eq3A_2421 = arith.constant 2 : i32
    %eq3A_2422 = vector.broadcast %eq3A_2421 : i32 to vector<16x128xi32>
    %eq3A_2423 = arith.cmpi eq, %iota3A_1012, %eq3A_2422 : vector<16x128xi32>
    %jit3A_2424 = arith.constant 0.000000e+00 : f32
    %broadcast_in_dim3A_2425 = vector.broadcast %reduce_sum3A_2381 : f32 to vector<16x128xf32>
    %broadcast_in_dim3A_2426 = vector.broadcast %jit3A_2424 : f32 to vector<16x128xf32>
    %select_n3A_2427 = arith.select %eq3A_2423, %broadcast_in_dim3A_2425, %broadcast_in_dim3A_2426 : vector<16x128xi1>, vector<16x128xf32>
    %add3A_2428 = arith.addf %add3A_2420, %select_n3A_2427 : vector<16x128xf32>
    %eq3A_2429 = arith.constant 3 : i32
    %eq3A_2430 = vector.broadcast %eq3A_2429 : i32 to vector<16x128xi32>
    %eq3A_2431 = arith.cmpi eq, %iota3A_1012, %eq3A_2430 : vector<16x128xi32>
    %jit3A_2432 = arith.constant 0.000000e+00 : f32
    %broadcast_in_dim3A_2433 = vector.broadcast %reduce_sum3A_2389 : f32 to vector<16x128xf32>
    %broadcast_in_dim3A_2434 = vector.broadcast %jit3A_2432 : f32 to vector<16x128xf32>
    %select_n3A_2435 = arith.select %eq3A_2431, %broadcast_in_dim3A_2433, %broadcast_in_dim3A_2434 : vector<16x128xi1>, vector<16x128xf32>
    %add3A_2436 = arith.addf %add3A_2428, %select_n3A_2435 : vector<16x128xf32>
    %eq3A_2437 = arith.constant 4 : i32
    %eq3A_2438 = vector.broadcast %eq3A_2437 : i32 to vector<16x128xi32>
    %eq3A_2439 = arith.cmpi eq, %iota3A_1012, %eq3A_2438 : vector<16x128xi32>
    %jit3A_2440 = arith.constant 0.000000e+00 : f32
    %broadcast_in_dim3A_2441 = vector.broadcast %reduce_sum3A_2397 : f32 to vector<16x128xf32>
    %broadcast_in_dim3A_2442 = vector.broadcast %jit3A_2440 : f32 to vector<16x128xf32>
    %select_n3A_2443 = arith.select %eq3A_2439, %broadcast_in_dim3A_2441, %broadcast_in_dim3A_2442 : vector<16x128xi1>, vector<16x128xf32>
    %add3A_2444 = arith.addf %add3A_2436, %select_n3A_2443 : vector<16x128xf32>
    %eq3A_2445 = arith.constant 5 : i32
    %eq3A_2446 = vector.broadcast %eq3A_2445 : i32 to vector<16x128xi32>
    %eq3A_2447 = arith.cmpi eq, %iota3A_1012, %eq3A_2446 : vector<16x128xi32>
    %jit3A_2448 = arith.constant 0.000000e+00 : f32
    %broadcast_in_dim3A_2449 = vector.broadcast %reduce_sum3A_2405 : f32 to vector<16x128xf32>
    %broadcast_in_dim3A_2450 = vector.broadcast %jit3A_2448 : f32 to vector<16x128xf32>
    %select_n3A_2451 = arith.select %eq3A_2447, %broadcast_in_dim3A_2449, %broadcast_in_dim3A_2450 : vector<16x128xi1>, vector<16x128xf32>
    %add3A_2452 = arith.addf %add3A_2444, %select_n3A_2451 : vector<16x128xf32>
    %eq3A_2453 = arith.constant 8 : i32
    %eq3A_2454 = vector.broadcast %eq3A_2453 : i32 to vector<16x128xi32>
    %eq3A_2455 = arith.cmpi eq, %iota3A_1011, %eq3A_2454 : vector<16x128xi32>
    %jit3A_2456 = arith.constant 0.000000e+00 : f32
    %broadcast_in_dim3A_2457 = vector.broadcast %jit3A_2456 : f32 to vector<16x128xf32>
    %select_n3A_2458 = arith.select %eq3A_2455, %add3A_2452, %broadcast_in_dim3A_2457 : vector<16x128xi1>, vector<16x128xf32>
    %mul3A_2459 = vector.broadcast %select_n3A_2345 : f32 to vector<16x128xf32>
    %mul3A_2460 = arith.mulf %mul3A_2459, %select_n3A_2458 : vector<16x128xf32>
    %add3A_2461 = arith.addf %add3A_2295, %mul3A_2460 : vector<16x128xf32>
    %max3A_2462 = vector.broadcast %reduce_sum3A_2381 : f32 to vector<160x125xf32>
    %max3A_2463 = arith.maximumf %mul3A_969, %max3A_2462 : vector<160x125xf32>
    %max3A_2464 = vector.broadcast %reduce_sum3A_2389 : f32 to vector<160x125xf32>
    %max3A_2465 = arith.maximumf %mul3A_976, %max3A_2464 : vector<160x125xf32>
    %min3A_2466 = vector.broadcast %reduce_sum3A_2397 : f32 to vector<160x125xf32>
    %min3A_2467 = arith.minimumf %mul3A_983, %min3A_2466 : vector<160x125xf32>
    %min3A_2468 = vector.broadcast %reduce_sum3A_2405 : f32 to vector<160x125xf32>
    %min3A_2469 = arith.minimumf %mul3A_990, %min3A_2468 : vector<160x125xf32>
    %sub3A_2470 = arith.subf %min3A_2467, %max3A_2463 : vector<160x125xf32>
    %max3A_2471 = arith.constant 0.000000e+00 : f32
    %max3A_2472 = vector.broadcast %max3A_2471 : f32 to vector<160x125xf32>
    %max3A_2473 = arith.maximumf %sub3A_2470, %max3A_2472 : vector<160x125xf32>
    %sub3A_2474 = arith.subf %min3A_2469, %max3A_2465 : vector<160x125xf32>
    %max3A_2475 = arith.constant 0.000000e+00 : f32
    %max3A_2476 = vector.broadcast %max3A_2475 : f32 to vector<160x125xf32>
    %max3A_2477 = arith.maximumf %sub3A_2474, %max3A_2476 : vector<160x125xf32>
    %mul3A_2478 = arith.mulf %max3A_2473, %max3A_2477 : vector<160x125xf32>
    %sub3A_2479 = arith.subf %reduce_sum3A_2397, %reduce_sum3A_2381 : f32
    %max3A_2480 = arith.constant 0.000000e+00 : f32
    %max3A_2481 = arith.maximumf %sub3A_2479, %max3A_2480 : f32
    %sub3A_2482 = arith.subf %reduce_sum3A_2405, %reduce_sum3A_2389 : f32
    %max3A_2483 = arith.constant 0.000000e+00 : f32
    %max3A_2484 = arith.maximumf %sub3A_2482, %max3A_2483 : f32
    %mul3A_2485 = arith.mulf %max3A_2481, %max3A_2484 : f32
    %add3A_2486 = vector.broadcast %mul3A_2485 : f32 to vector<160x125xf32>
    %add3A_2487 = arith.addf %mul3A_998, %add3A_2486 : vector<160x125xf32>
    %sub3A_2488 = arith.subf %add3A_2487, %mul3A_2478 : vector<160x125xf32>
    %max3A_2489 = arith.constant 9.99999993E-9 : f32
    %max3A_2490 = vector.broadcast %max3A_2489 : f32 to vector<160x125xf32>
    %max3A_2491 = arith.maximumf %sub3A_2488, %max3A_2490 : vector<160x125xf32>
    %div3A_2492 = arith.divf %mul3A_2478, %max3A_2491 : vector<160x125xf32>
    %gt3A_2493 = arith.constant 3.500000e-01 : f32
    %gt3A_2494 = vector.broadcast %gt3A_2493 : f32 to vector<160x125xf32>
    %gt3A_2495 = arith.cmpf ogt, %div3A_2492, %gt3A_2494 : vector<160x125xf32>
    %or3A_2496 = arith.ori %gt3A_2495, %eq3A_2357 : vector<160x125xi1>
    %and3A_2497 = vector.broadcast %gt3A_2342 : i1 to vector<160x125xi1>
    %and3A_2498 = arith.andi %or3A_2496, %and3A_2497 : vector<160x125xi1>
    %jit3A_2499 = arith.constant 0xFF800000 : f32
    %broadcast_in_dim3A_2500 = vector.broadcast %jit3A_2499 : f32 to vector<160x125xf32>
    %select_n3A_2501 = arith.select %and3A_2498, %broadcast_in_dim3A_2500, %select_n3A_2335 : vector<160x125xi1>, vector<160x125xf32>
    %reduce_max3A_2502 = vector.shape_cast %select_n3A_2501 : vector<160x125xf32> to vector<1x160x125xf32>
    %reduce_max3A_2503 = arith.constant dense<0xFF800000> : vector<1xf32>
    %reduce_max3A_2504 = vector.multi_reduction <maximumf>, %reduce_max3A_2502, %reduce_max3A_2503 [1, 2] : vector<1x160x125xf32> to vector<1xf32>
    %reduce_max3A_2505 = vector.shape_cast %reduce_max3A_2504 : vector<1xf32> to vector<1x1x1xf32>
    %reduce_max3A_2506 = vector.extract %reduce_max3A_2505[0, 0, 0] : f32 from vector<1x1x1xf32>
    %gt3A_2507 = arith.constant 0xFF800000 : f32
    %gt3A_2508 = arith.cmpf ogt, %reduce_max3A_2506, %gt3A_2507 : f32
    %jit3A_2509 = arith.constant 1.000000e+00 : f32
    %jit3A_2510 = arith.constant 0.000000e+00 : f32
    %select_n3A_2511 = arith.select %gt3A_2508, %jit3A_2509, %jit3A_2510 : f32
    %eq3A_2512 = vector.broadcast %reduce_max3A_2506 : f32 to vector<160x125xf32>
    %eq3A_2513 = arith.cmpf oeq, %select_n3A_2501, %eq3A_2512 : vector<160x125xf32>
    %jit3A_2514 = arith.constant 1073741824 : i32
    %broadcast_in_dim3A_2515 = vector.broadcast %jit3A_2514 : i32 to vector<160x125xi32>
    %select_n3A_2516 = arith.select %eq3A_2513, %add3A_1010, %broadcast_in_dim3A_2515 : vector<160x125xi1>, vector<160x125xi32>
    %reduce_min3A_2517 = vector.shape_cast %select_n3A_2516 : vector<160x125xi32> to vector<1x160x125xi32>
    %reduce_min3A_2518 = arith.constant dense<2147483647> : vector<1xi32>
    %reduce_min3A_2519 = vector.multi_reduction <minsi>, %reduce_min3A_2517, %reduce_min3A_2518 [1, 2] : vector<1x160x125xi32> to vector<1xi32>
    %reduce_min3A_2520 = vector.shape_cast %reduce_min3A_2519 : vector<1xi32> to vector<1x1x1xi32>
    %reduce_min3A_2521 = vector.extract %reduce_min3A_2520[0, 0, 0] : i32 from vector<1x1x1xi32>
    %eq3A_2522 = vector.broadcast %reduce_min3A_2521 : i32 to vector<160x125xi32>
    %eq3A_2523 = arith.cmpi eq, %add3A_1010, %eq3A_2522 : vector<160x125xi32>
    %jit3A_2524 = arith.constant 0.000000e+00 : f32
    %broadcast_in_dim3A_2525 = vector.broadcast %jit3A_2524 : f32 to vector<160x125xf32>
    %select_n3A_2526 = arith.select %eq3A_2523, %convert_element_type3A, %broadcast_in_dim3A_2525 : vector<160x125xi1>, vector<160x125xf32>
    %reduce_sum3A_2527 = vector.shape_cast %select_n3A_2526 : vector<160x125xf32> to vector<1x160x125xf32>
    %reduce_sum3A_2528 = arith.constant dense<0.000000e+00> : vector<1xf32>
    %reduce_sum3A_2529 = vector.multi_reduction <add>, %reduce_sum3A_2527, %reduce_sum3A_2528 [1, 2] : vector<1x160x125xf32> to vector<1xf32>
    %reduce_sum3A_2530 = vector.shape_cast %reduce_sum3A_2529 : vector<1xf32> to vector<1x1x1xf32>
    %reduce_sum3A_2531 = vector.extract %reduce_sum3A_2530[0, 0, 0] : f32 from vector<1x1x1xf32>
    %jit3A_2532 = arith.constant 0.000000e+00 : f32
    %broadcast_in_dim3A_2533 = vector.broadcast %jit3A_2532 : f32 to vector<160x125xf32>
    %select_n3A_2534 = arith.select %eq3A_2523, %select_n3A_879, %broadcast_in_dim3A_2533 : vector<160x125xi1>, vector<160x125xf32>
    %reduce_sum3A_2535 = vector.shape_cast %select_n3A_2534 : vector<160x125xf32> to vector<1x160x125xf32>
    %reduce_sum3A_2536 = arith.constant dense<0.000000e+00> : vector<1xf32>
    %reduce_sum3A_2537 = vector.multi_reduction <add>, %reduce_sum3A_2535, %reduce_sum3A_2536 [1, 2] : vector<1x160x125xf32> to vector<1xf32>
    %reduce_sum3A_2538 = vector.shape_cast %reduce_sum3A_2537 : vector<1xf32> to vector<1x1x1xf32>
    %reduce_sum3A_2539 = vector.extract %reduce_sum3A_2538[0, 0, 0] : f32 from vector<1x1x1xf32>
    %jit3A_2540 = arith.constant 0.000000e+00 : f32
    %broadcast_in_dim3A_2541 = vector.broadcast %jit3A_2540 : f32 to vector<160x125xf32>
    %select_n3A_2542 = arith.select %eq3A_2523, %mul3A_969, %broadcast_in_dim3A_2541 : vector<160x125xi1>, vector<160x125xf32>
    %reduce_sum3A_2543 = vector.shape_cast %select_n3A_2542 : vector<160x125xf32> to vector<1x160x125xf32>
    %reduce_sum3A_2544 = arith.constant dense<0.000000e+00> : vector<1xf32>
    %reduce_sum3A_2545 = vector.multi_reduction <add>, %reduce_sum3A_2543, %reduce_sum3A_2544 [1, 2] : vector<1x160x125xf32> to vector<1xf32>
    %reduce_sum3A_2546 = vector.shape_cast %reduce_sum3A_2545 : vector<1xf32> to vector<1x1x1xf32>
    %reduce_sum3A_2547 = vector.extract %reduce_sum3A_2546[0, 0, 0] : f32 from vector<1x1x1xf32>
    %jit3A_2548 = arith.constant 0.000000e+00 : f32
    %broadcast_in_dim3A_2549 = vector.broadcast %jit3A_2548 : f32 to vector<160x125xf32>
    %select_n3A_2550 = arith.select %eq3A_2523, %mul3A_976, %broadcast_in_dim3A_2549 : vector<160x125xi1>, vector<160x125xf32>
    %reduce_sum3A_2551 = vector.shape_cast %select_n3A_2550 : vector<160x125xf32> to vector<1x160x125xf32>
    %reduce_sum3A_2552 = arith.constant dense<0.000000e+00> : vector<1xf32>
    %reduce_sum3A_2553 = vector.multi_reduction <add>, %reduce_sum3A_2551, %reduce_sum3A_2552 [1, 2] : vector<1x160x125xf32> to vector<1xf32>
    %reduce_sum3A_2554 = vector.shape_cast %reduce_sum3A_2553 : vector<1xf32> to vector<1x1x1xf32>
    %reduce_sum3A_2555 = vector.extract %reduce_sum3A_2554[0, 0, 0] : f32 from vector<1x1x1xf32>
    %jit3A_2556 = arith.constant 0.000000e+00 : f32
    %broadcast_in_dim3A_2557 = vector.broadcast %jit3A_2556 : f32 to vector<160x125xf32>
    %select_n3A_2558 = arith.select %eq3A_2523, %mul3A_983, %broadcast_in_dim3A_2557 : vector<160x125xi1>, vector<160x125xf32>
    %reduce_sum3A_2559 = vector.shape_cast %select_n3A_2558 : vector<160x125xf32> to vector<1x160x125xf32>
    %reduce_sum3A_2560 = arith.constant dense<0.000000e+00> : vector<1xf32>
    %reduce_sum3A_2561 = vector.multi_reduction <add>, %reduce_sum3A_2559, %reduce_sum3A_2560 [1, 2] : vector<1x160x125xf32> to vector<1xf32>
    %reduce_sum3A_2562 = vector.shape_cast %reduce_sum3A_2561 : vector<1xf32> to vector<1x1x1xf32>
    %reduce_sum3A_2563 = vector.extract %reduce_sum3A_2562[0, 0, 0] : f32 from vector<1x1x1xf32>
    %jit3A_2564 = arith.constant 0.000000e+00 : f32
    %broadcast_in_dim3A_2565 = vector.broadcast %jit3A_2564 : f32 to vector<160x125xf32>
    %select_n3A_2566 = arith.select %eq3A_2523, %mul3A_990, %broadcast_in_dim3A_2565 : vector<160x125xi1>, vector<160x125xf32>
    %reduce_sum3A_2567 = vector.shape_cast %select_n3A_2566 : vector<160x125xf32> to vector<1x160x125xf32>
    %reduce_sum3A_2568 = arith.constant dense<0.000000e+00> : vector<1xf32>
    %reduce_sum3A_2569 = vector.multi_reduction <add>, %reduce_sum3A_2567, %reduce_sum3A_2568 [1, 2] : vector<1x160x125xf32> to vector<1xf32>
    %reduce_sum3A_2570 = vector.shape_cast %reduce_sum3A_2569 : vector<1xf32> to vector<1x1x1xf32>
    %reduce_sum3A_2571 = vector.extract %reduce_sum3A_2570[0, 0, 0] : f32 from vector<1x1x1xf32>
    %eq3A_2572 = arith.constant 0 : i32
    %eq3A_2573 = vector.broadcast %eq3A_2572 : i32 to vector<16x128xi32>
    %eq3A_2574 = arith.cmpi eq, %iota3A_1012, %eq3A_2573 : vector<16x128xi32>
    %jit3A_2575 = arith.constant 0.000000e+00 : f32
    %broadcast_in_dim3A_2576 = vector.broadcast %reduce_sum3A_2531 : f32 to vector<16x128xf32>
    %broadcast_in_dim3A_2577 = vector.broadcast %jit3A_2575 : f32 to vector<16x128xf32>
    %select_n3A_2578 = arith.select %eq3A_2574, %broadcast_in_dim3A_2576, %broadcast_in_dim3A_2577 : vector<16x128xi1>, vector<16x128xf32>
    %eq3A_2579 = arith.constant 1 : i32
    %eq3A_2580 = vector.broadcast %eq3A_2579 : i32 to vector<16x128xi32>
    %eq3A_2581 = arith.cmpi eq, %iota3A_1012, %eq3A_2580 : vector<16x128xi32>
    %jit3A_2582 = arith.constant 0.000000e+00 : f32
    %broadcast_in_dim3A_2583 = vector.broadcast %reduce_sum3A_2539 : f32 to vector<16x128xf32>
    %broadcast_in_dim3A_2584 = vector.broadcast %jit3A_2582 : f32 to vector<16x128xf32>
    %select_n3A_2585 = arith.select %eq3A_2581, %broadcast_in_dim3A_2583, %broadcast_in_dim3A_2584 : vector<16x128xi1>, vector<16x128xf32>
    %add3A_2586 = arith.addf %select_n3A_2578, %select_n3A_2585 : vector<16x128xf32>
    %eq3A_2587 = arith.constant 2 : i32
    %eq3A_2588 = vector.broadcast %eq3A_2587 : i32 to vector<16x128xi32>
    %eq3A_2589 = arith.cmpi eq, %iota3A_1012, %eq3A_2588 : vector<16x128xi32>
    %jit3A_2590 = arith.constant 0.000000e+00 : f32
    %broadcast_in_dim3A_2591 = vector.broadcast %reduce_sum3A_2547 : f32 to vector<16x128xf32>
    %broadcast_in_dim3A_2592 = vector.broadcast %jit3A_2590 : f32 to vector<16x128xf32>
    %select_n3A_2593 = arith.select %eq3A_2589, %broadcast_in_dim3A_2591, %broadcast_in_dim3A_2592 : vector<16x128xi1>, vector<16x128xf32>
    %add3A_2594 = arith.addf %add3A_2586, %select_n3A_2593 : vector<16x128xf32>
    %eq3A_2595 = arith.constant 3 : i32
    %eq3A_2596 = vector.broadcast %eq3A_2595 : i32 to vector<16x128xi32>
    %eq3A_2597 = arith.cmpi eq, %iota3A_1012, %eq3A_2596 : vector<16x128xi32>
    %jit3A_2598 = arith.constant 0.000000e+00 : f32
    %broadcast_in_dim3A_2599 = vector.broadcast %reduce_sum3A_2555 : f32 to vector<16x128xf32>
    %broadcast_in_dim3A_2600 = vector.broadcast %jit3A_2598 : f32 to vector<16x128xf32>
    %select_n3A_2601 = arith.select %eq3A_2597, %broadcast_in_dim3A_2599, %broadcast_in_dim3A_2600 : vector<16x128xi1>, vector<16x128xf32>
    %add3A_2602 = arith.addf %add3A_2594, %select_n3A_2601 : vector<16x128xf32>
    %eq3A_2603 = arith.constant 4 : i32
    %eq3A_2604 = vector.broadcast %eq3A_2603 : i32 to vector<16x128xi32>
    %eq3A_2605 = arith.cmpi eq, %iota3A_1012, %eq3A_2604 : vector<16x128xi32>
    %jit3A_2606 = arith.constant 0.000000e+00 : f32
    %broadcast_in_dim3A_2607 = vector.broadcast %reduce_sum3A_2563 : f32 to vector<16x128xf32>
    %broadcast_in_dim3A_2608 = vector.broadcast %jit3A_2606 : f32 to vector<16x128xf32>
    %select_n3A_2609 = arith.select %eq3A_2605, %broadcast_in_dim3A_2607, %broadcast_in_dim3A_2608 : vector<16x128xi1>, vector<16x128xf32>
    %add3A_2610 = arith.addf %add3A_2602, %select_n3A_2609 : vector<16x128xf32>
    %eq3A_2611 = arith.constant 5 : i32
    %eq3A_2612 = vector.broadcast %eq3A_2611 : i32 to vector<16x128xi32>
    %eq3A_2613 = arith.cmpi eq, %iota3A_1012, %eq3A_2612 : vector<16x128xi32>
    %jit3A_2614 = arith.constant 0.000000e+00 : f32
    %broadcast_in_dim3A_2615 = vector.broadcast %reduce_sum3A_2571 : f32 to vector<16x128xf32>
    %broadcast_in_dim3A_2616 = vector.broadcast %jit3A_2614 : f32 to vector<16x128xf32>
    %select_n3A_2617 = arith.select %eq3A_2613, %broadcast_in_dim3A_2615, %broadcast_in_dim3A_2616 : vector<16x128xi1>, vector<16x128xf32>
    %add3A_2618 = arith.addf %add3A_2610, %select_n3A_2617 : vector<16x128xf32>
    %eq3A_2619 = arith.constant 9 : i32
    %eq3A_2620 = vector.broadcast %eq3A_2619 : i32 to vector<16x128xi32>
    %eq3A_2621 = arith.cmpi eq, %iota3A_1011, %eq3A_2620 : vector<16x128xi32>
    %jit3A_2622 = arith.constant 0.000000e+00 : f32
    %broadcast_in_dim3A_2623 = vector.broadcast %jit3A_2622 : f32 to vector<16x128xf32>
    %select_n3A_2624 = arith.select %eq3A_2621, %add3A_2618, %broadcast_in_dim3A_2623 : vector<16x128xi1>, vector<16x128xf32>
    %mul3A_2625 = vector.broadcast %select_n3A_2511 : f32 to vector<16x128xf32>
    %mul3A_2626 = arith.mulf %mul3A_2625, %select_n3A_2624 : vector<16x128xf32>
    %add3A_2627 = arith.addf %add3A_2461, %mul3A_2626 : vector<16x128xf32>
    %swap3A = arith.constant 0 : index
    %swap3A_2628 = arith.constant 0 : index
    %swap3A_2629 = arith.constant 0 : index
    %swap3A_2630 = vector.load %arg2[%swap3A, %swap3A_2628, %swap3A_2629] : memref<1x16x128xf32, #tpu.memory_space<vmem>>, vector<1x16x128xf32>
    %swap3A_2631 = vector.shape_cast %swap3A_2630 : vector<1x16x128xf32> to vector<16x128xf32>
    %swap3A_2632 = vector.shape_cast %add3A_2627 : vector<16x128xf32> to vector<1x16x128xf32>
    tpu.vector_store %arg2[%swap3A, %swap3A_2628, %swap3A_2629], %swap3A_2632 {strides = array<i32>} : memref<1x16x128xf32, #tpu.memory_space<vmem>>, vector<1x16x128xf32>,
    return
  }
  func.func @transform_0(%arg0: i32) -> (i32, i32, i32, i32) {
    %c0_i32 = arith.constant 0 : i32
    %c0_i32_0 = arith.constant 0 : i32
    %c0_i32_1 = arith.constant 0 : i32
    %c0_i32_2 = arith.constant 0 : i32
    return %arg0, %c0_i32, %c0_i32_0, %c0_i32_1 : i32, i32, i32, i32
  }
  func.func @transform_1(%arg0: i32) -> (i32, i32, i32) {
    %c0_i32 = arith.constant 0 : i32
    %c0_i32_0 = arith.constant 0 : i32
    %c0_i32_1 = arith.constant 0 : i32
    return %arg0, %c0_i32, %c0_i32_0 : i32, i32, i32
  }
}

</mosaic_0001>

<sc_bundles>
// kernel: sparse-core-data-format-call.cloned.1.call-start
scs
called_computation_lowered:
.L_overlay_start_0:
0x0: {  	s1 =	sld [smem:$0x3FD9]  }
0x1: {  	s2 =	sld [smem:$0x3FFE];
	_ =	sdelay $0x1  }
0x2: {  	s3 =	srdreg.scid  }
0x3: {  	s0 =	sand.u32 $0x1, s3  }
0x4: {  	s17 =	sshll.u32 s0, $0xA;
	s1 =	sadd.s32 s2, s1  }
0x5: {  	s1 =	sadd.s32 s1, s17  }
0x6: {  	[smem:$0x3FC7] =	sst s1  }
0x7: {  	_ = 	snop  }
0x8: {  	(tm) =	ssettm $0x1  }
0x9: {  	s18 =	sld [smem:$0x3FFB];
	_ =	sdelay $0x3  }
0xa: {  	_ =	strace s18  }
0xb: {  	s1 =	sld [smem:$0x3FFC];
	_ =	sdelay $0x3  }
0xc: {  	_ =	strace s1  }
0xd: {  	s1 =	sld [smem:$0x3FFD];
	_ =	sdelay $0x3  }
0xe: {  	_ =	strace s1  }
0xf: {  	_ =	strace $0x8FFFFFFF  }
0x10: {  	s19 =	sld [smem:$0x3FDB];
	_ =	sdelay $0x1  }
0x11: {  	s20 =	simm.s32 $_scs_section_size  }
0x12: {  	s4 =	simm.s32 $_size__tile_overlayer_lowered;
	s5 =	simm.s32 $_tile_overlayer_lowered  }
0x13: {  	s23 =	simm.s32 $0x1BFF;
	s22 =	sshll.u32 s5, $0x1;
	s1 =	sadd.s32 s20, s19  }
0x14: {  	s6 =	simm.s32 $0x0;
	s21 =	sshll.u32 s4, $0x1;
	s4 =	sadd.s32 s22, s1  }
0x15: {  	[timem:s6], [sflag:s23] =	dma.local [hbm:s4], s21  }
0x16: {  	_ =	swait.ge [sflag:s23], s21  }
0x17: {  	s2 =	ssub.s32 $0x0, s21;
	[sflag:s23] =	ssyncset.done $0x0  }
0x18: {  	[sflag:s23] =	ssyncadd.s32 s2;
	_ =	sdelay $0x1  }
0x19: {  	s24 =	simm.s32 $0x1B8B  }
0x1a: {  	_ =	swait.ge [sflag:s24], $0x1  }
0x1b: {  	[sflag:s24] =	ssyncset.done $0x0  }
0x1c: {  	s26 =	simm.s32 $0x1B8E;
	s25 =	sld [smem:$0x3FFE];
	[sflag:s24] =	ssyncadd.s32 $0xFFFFFFFF  }
0x1d: {  	s27 =	simm.s32 $execute0_lowered;
	[smem:$0x3FD2] =	sst s26  }
0x1e: {  	s4 =	sshll.u32 s27, $0x1;
	_ =	strace $0x80000046;
	[dreg:$0x1] =	wrdreg $0xFFFFFFFF  }
0x1f: {  	s28 =	simm.s32 $_size_execute0_lowered;
	s1 =	sadd.s32 s1, s4;
	[dreg:$0x0] =	wrdreg $0x0  }
0x20: {  	s4 =	sshll.u32 s28, $0x1;
	[dreg:$0x2] =	wrdreg s1  }
0x21: {  	[dreg:$0x3] =	wrdreg s4  }
0x22: {  	[dreg:$0x4] =	wrdreg $0xC0  }
0x23: {  	_ =	task [dreg:s6], $0x5FFFF  }
0x24: {  	[dreg:$0x1] =	wrdreg $0xFFFFFFFF  }
0x25: {  	[dreg:$0x0] =	wrdreg $0x60  }
0x26: {  	[dreg:$0x2] =	wrdreg s25  }
0x27: {  	[dreg:$0x3] =	wrdreg $0x9  }
0x28: {  	_ =	task.clear_ibuf [dreg:s6], $0x4FFFF;
	_ =	strace $0x90000046  }
0x29: {  	s29 =	simm.s32 $0x9;
	_ =	strace $0x80000048  }
0x2a: {  	_ =	swait.ge [sflag:s29], $0x1  }
0x2b: {  	[sflag:s29] =	ssyncadd.s32 $0xFFFFFFFF  }
0x2c: {  	_ =	strace $0x90000048  }
0x2d: {  	_ =	sfence  }
0x2e: {  	s30 =	sld [smem:$0x0];
	_ =	sdelay $0x2  }
0x2f: {  	s31 =	sshll.u32 s3, $0xD;
	s3 =	sshrl.u32 s3, $0x2  }
0x30: {  	s2 =	sand.u32 $0x4000, s31;
	s1 =	sadd.s32 s3, s30  }
0x31: {  	s0 =	sor.u32 s2, s0;
	s1 =	sshll.u32 s1, $0x11  }
0x32: {  	s0 =	sor.u32 s1, s0  }
0x33: {  	s0 =	sadd.s32 $0x8F2B, s0  }
0x34: {  	[sflag:s0] =	ssyncadd.remote.s32 $0x1  }
0x35: {  	_ =	sfence.sel $0xFFFF  }
0x36: {  	[dreg:$0x0] =	wrdreg $0xFFFFFFFF;
	(pc) =	sbr.abs _section_cstart, $3  }
0x37: {  	[dreg:$0x1] =	wrdreg $0xFFFFFFFF  }
0x38: {  	_ =	task.clear_ibuf [dreg:s6], $0x2FFFF;
	_ =	strace $0x9FFFFFFF  }
0x39: {  	(tm) =	ssettm $0x7FFFFFFF  }
tec
execute0_lowered:
.L_overlay_start_1:
0x0: {  	(tag) =	ssettag $0x1  }
0x1: {  	s3 =	rddreg [dreg:$0x0]  }
0x2: {  	s1 =	srdreg.scid;
	s0 =	rddreg [dreg:$0x1];
	_ =	strace $0x80000047  }
0x3: {  	s5 =	simm.s32 $0x1;
	s7 =	simm.s32 $0x2;
	s13 =	simm.s32 $0x0  }
0x4: {  	p0 =	por $0x0, $0x0;
	s8 =	simm.s32 $0x3000;
	s14 =	simm.s32 $0x0  }
0x5: {  	s15 =	simm.s32 $0x0;
	s10 =	simm.s32 $0x0;
	s9 =	simm.s32 $0x0  }
.Ltmp0:
0x6: {  	s2 =	sshll.u32 s1, $0x4;
	s1 =	stileid.u32;
	(pc) =	sbr.rel .LBB1_1-.Ltmp0, $4  }
0x7: {  	[sflag:s5] =	ssyncpa.u1 $0x0;
	s4 =	sand.u32 $0x10, s2;
	s2 =	sadd.s32 $0x400, s3  }
0x8: {  	s3 =	sadd.s32 $0x1D1400, s3;
	s6 =	sshll.u32 s1, $0x2;
	s4 =	sor.u32 s1, s4  }
0x9: {  	[sflag:s7] =	ssyncpa.u1 $0x0;
	s6 =	sand.u32 $0xC, s6;
	s4 =	sshrl.u32 s4, $0x2  }
0xa: {  	s7 =	simm.s32 $0x200;
	s12 =	smov.u32 s6;
	s11 =	smov.u32 s4  }
.LBB1_7:
0xb: {  	s16 =	sadd.s32 $0x20, s10  }
0xc: {  	s13 =	sadd.s32 $0x8, s11;
	s17 =	smov.u32 s11;
	p2 =	sgt.s32 s16, $0x9F  }
0xd: {  	s17 =	smov.u32 @p2 s13  }
0xe: {  	s19 =	smov.u32 s12;
	s13 =	sadd.s32 $0x10, s12;
	p3 =	sgt.s32 s17, $0x7  }
0xf: {  	p1 =	slt.u32 s9, $0x2;
	s19 =	smov.u32 @p3 s13  }
0x10: {  	s9 =	sadd.s32 $0x1, s9;
	s16 =	simm.s32 @p2 $0x0;
	p2 =	sgt.s32 s19, $0x5C  }
0x11: {  	s19 =	smov.u32 @p2 s6;
	p2 =	sne.s32 s9, $0x20  }
.Ltmp1:
0x12: {  	s18 =	simm.s32 @!p1 $0x2;
	(pc) =	sbr.rel @!p2 .LBB1_8-.Ltmp1, $4  }
0x13: {  	s14 =	smov.u32 s11;
	_ =	swait.ge @!p1 [sflag:s18], $0x4000  }
0x14: {  	s15 =	smov.u32 s12;
	p0 =	por !p0, !p0;
	[sflag:s18] =	ssyncset.done @!p1 $0x0  }
0x15: {  	s17 =	smov.u32 @p3 s4;
	s13 =	smov.u32 s10;
	[sflag:s18] =	ssyncadd.s32 @!p1 $0xFFFFC000  }
0x16: {  	s10 =	smov.u32 s16;
	s11 =	smov.u32 s17;
	s12 =	smov.u32 s19  }
.LBB1_1:
0x17: {  	p1 =	sgt.u32 s9, $0x1D  }
0x18: {  	s17 =	smov.u32 s12;
	s20 =	smov.u32 s11;
	p2 =	sgt.s32 @!p1 s12, $0x59  }
0x19: {  	s16 =	sand.u32 @!p1 $0x1FFFFFF, s10;
	s19 =	sshra.s32 @!p1 s12, $0x1F;
	p2 =	por !p2, p1  }
0x1a: {  	s21 =	sshra.s32 @!p1 s11, $0x1F;
	s17 =	simm.s32 @p2 $0x59;
	p2 =	sgt.s32 @!p1 s11, $0x7  }
0x1b: {  	s18 =	smulhi.u32 @!p1 $0x199999A, s16;
	s19 =	sand.u32 @!p1 s19, s12;
	p2 =	por !p2, p1  }
0x1c: {  	s21 =	sand.u32 @!p1 s21, s11;
	s17 =	ssub.s32 @!p1 s17, s19;
	s20 =	simm.s32 @p2 $0x7  }
0x1d: {  	p2 =	sgt.s32 @!p1 s10, $0x80;
	s17 =	sadd.s32 @!p1 $0xFFFFFFA7, s17;
	s19 =	ssub.s32 @!p1 s20, s21  }
0x1e: {  	p2 =	por !p2, p1;
	s21 =	smov.u32 s10;
	s20 =	sadd.s32 @!p1 $0xFFFFFFF9, s19  }
0x1f: {  	s21 =	simm.s32 @p2 $0x80;
	p3 =	sgt.s32 @!p1 s20, $0x0;
	s20 =	sshra.s32 @!p1 s10, $0x1F  }
0x20: {  	p2 =	sgt.s32 @!p1 s17, $0x3;
	s17 =	sshll.u32 @!p1 s17, $0x7;
	s20 =	sand.u32 @!p1 s20, s10  }
0x21: {  	s19 =	ssub.s32 @!p1 $0x8, s19;
	s17 =	ssub.s32 @!p1 $0x200, s17;
	s20 =	ssub.s32 @!p1 s21, s20  }
0x22: {  	p2 =	por !p2, p1;
	p3 =	por !p3, p1;
	s21 =	sadd.s32 @!p1 $0xFFFFFF80, s20  }
0x23: {  	s17 =	simm.s32 @!p2 $0x0;
	s19 =	simm.s32 @!p3 $0x0;
	p3 =	sgt.s32 @!p1 s21, $0x1F  }
0x24: {  	s20 =	ssub.s32 @!p1 $0xA0, s20;
	s17 =	smul.u32 @!p1 s19, s17;
	p2 =	por !p3, p1  }
0x25: {  	s18 =	smul.u32 @!p1 $0xA0, s18;
	s20 =	simm.s32 @!p2 $0x0  }
0x26: {  	s17 =	smul.u32 @!p1 s20, s17  }
0x27: {  	s20 =	smul.u32 @!p1 $0x5000, s12  }
0x28: {  	s16 =	ssub.s32 @!p1 s16, s18;
	s19 =	sxor.u32 @!p1 $0xFFFFFFFF, s9;
	s21 =	smul.u32 @!p1 $0xA00, s11  }
0x29: {  	s16 =	sshll.u32 @!p1 s16, $0x4;
	s19 =	sshll.u32 @!p1 s19, $0xE;
	s18 =	sadd.s32 @!p1 s2, s20  }
0x2a: {  	s19 =	sand.u32 @!p1 $0x4000, s19;
	s17 =	sand.u32 @!p1 $0x3FFFFF80, s17;
	s18 =	sadd.s32 @!p1 s21, s18  }
0x2b: {  	s20 =	simm.s32 @!p1 $0x28000;
	s16 =	sadd.s32 @!p1 s16, s18;
	s18 =	simm.s32 @!p1 $0x1000  }
0x2c: {  	[tilespmem:s19], [sflag:$0x1] =	stream.strided.gather @!p1 [hbm4b:s16+s18], s17, s20, s18, $0x38;
	[tilespmem:$0x10000] =	vst v63  }
0x2d: {  	p1 =	seq.s32 s9, $0x0  }
0x2e: {  	p2 =	seq.s32 @!p1 s9, $0x1F  }
0x2f: {  	p1 =	por p1, p2  }
.Ltmp2:
0x30: {  	_ = 	snop;
	(pc) =	sbr.rel @p1 .LBB1_7-.Ltmp2, $1  }
0x31: {  	_ =	sdelay $0x3  }
0x32: {  	p1 =	sgt.s32 s15, $0x59  }
0x33: {  	s16 =	smov.u32 s15;
	s17 =	sshra.s32 s15, $0x1F;
	s18 =	sshra.s32 s14, $0x1F  }
0x34: {  	p2 =	sgt.s32 s13, $0x80;
	s16 =	simm.s32 @!p1 $0x59;
	s17 =	sand.u32 s17, s15  }
0x35: {  	s20 =	sshra.s32 s13, $0x1F;
	p1 =	sgt.s32 s14, $0x7;
	s16 =	ssub.s32 s16, s17  }
0x36: {  	s18 =	sand.u32 s18, s14;
	s17 =	smov.u32 s14;
	s16 =	sadd.s32 $0xFFFFFFA7, s16  }
0x37: {  	s29 =	sand.u32 s20, s13;
	s17 =	simm.s32 @!p1 $0x7;
	p1 =	sgt.s32 s16, $0x3  }
0x38: {  	s17 =	ssub.s32 s17, s18;
	s18 =	smov.u32 s13;
	s16 =	sshll.u32 s16, $0x7  }
0x39: {  	s19 =	sadd.s32 $0xFFFFFFF9, s17;
	s18 =	simm.s32 @!p2 $0x80;
	s17 =	ssub.s32 $0x8, s17  }
0x3a: {  	s16 =	ssub.s32 $0x200, s16;
	p2 =	sgt.s32 s19, $0x0;
	s18 =	ssub.s32 s18, s29  }
0x3b: {  	s16 =	simm.s32 @p1 $0x0;
	s17 =	simm.s32 @p2 $0x0;
	s19 =	sadd.s32 $0xFFFFFF80, s18  }
0x3c: {  	s18 =	ssub.s32 $0xA0, s18;
	p1 =	sgt.s32 s19, $0x1F;
	s16 =	smul.u32 s17, s16  }
0x3d: {  	s18 =	simm.s32 @p1 $0x0  }
0x3e: {  	s17 =	simm.s32 $0x1;
	s16 =	smul.u32 s18, s16  }
0x3f: {  	s17 =	simm.s32 @!p0 $0x0  }
0x40: {  	s31 =	sshll.u32 s9, $0xE;
	s30 =	sshll.u32 s17, $0xE;
	s16 =	sand.u32 $0x3FFFFF80, s16  }
0x41: {  	s19 =	sand.u32 $0x4000, s31;
	s17 =	sor.u32 $0x8040, s30;
	_ =	swait.ge [sflag:s5], s16  }
0x42: {  	s18 =	sor.u32 $0x40, s30;
	s16 =	ssub.s32 $0x0, s16;
	[sflag:s5] =	ssyncset.done $0x0  }
0x43: {  	[sflag:s5] =	ssyncadd.s32 s16;
	s16 =	sor.u32 $0x8000, s19;
	s19 =	simm.s32 $0x0  }
.LBB1_3:
0x44: {  	v0 =	vmov s18;
	_ =	sdelay $0x3  }
0x45: {  	s21 =	simm.s32 $0x0  }
0x46: {  	v6 =	vld.idx.msk [tilespmem:v0+s21+$0x30 ss:$0x1], $0xffff  }
0x47: {  	v7 =	vld.idx.msk [tilespmem:v0+s21+$0xFFFFFFC0 ss:$0x1], $0xffff  }
0x48: {  	v5 =	vld.idx.msk [tilespmem:v0+s21+$0xFFFFFFD0 ss:$0x1], $0xffff  }
0x49: {  	v4 =	vld.idx.msk [tilespmem:v0+s21+$0xFFFFFFE0 ss:$0x1], $0xffff  }
0x4a: {  	v3 =	vld.idx.msk [tilespmem:v0+s21+$0xFFFFFFF0 ss:$0x1], $0xffff  }
0x4b: {  	v1 =	vld.idx.msk [tilespmem:v0+s21+$0x0 ss:$0x1], $0xffff  }
0x4c: {  	v2 =	vld.idx.msk [tilespmem:v0+s21+$0x10 ss:$0x1], $0xffff;
	[tilespmem:s17+$0x30] =	vst v6  }
0x4d: {  	s20 =	simm.s32 $0x80;
	s22 =	simm.s32 $0x400;
	[tilespmem:s17+$0xFFFFFFC0] =	vst v7;
	v6 =	vld.idx.msk [tilespmem:v0+s21+$0x20 ss:$0x1], $0xffff;
	s21 =	smov.u32 s17  }
.LBB1_4:
0x4e: {  	p1 =	sne.s32 s22, $0x3E00;
	v7 =	vld.idx.msk [tilespmem:v0+s20+$0x30 ss:$0x1], $0xffff;
	[tilespmem:s21+$0xFFFFFFD0] =	vst v5  }
0x4f: {  	v8 =	vld.idx.msk [tilespmem:v0+s20+$0xFFFFFFC0 ss:$0x1], $0xffff;
	[tilespmem:s21+$0xFFFFFFE0] =	vst v4  }
0x50: {  	v5 =	vld.idx.msk [tilespmem:v0+s20+$0xFFFFFFD0 ss:$0x1], $0xffff;
	[tilespmem:s21+$0xFFFFFFF0] =	vst v3  }
.Ltmp3:
0x51: {  	v4 =	vld.idx.msk [tilespmem:v0+s20+$0xFFFFFFE0 ss:$0x1], $0xffff;
	[tilespmem:s21+$0x0] =	vst v1;
	(pc) =	sbr.rel @p1 .LBB1_4-.Ltmp3, $4  }
0x52: {  	v3 =	vld.idx.msk [tilespmem:v0+s20+$0xFFFFFFF0 ss:$0x1], $0xffff;
	[tilespmem:s21+$0x10] =	vst v2  }
0x53: {  	v1 =	vld.idx.msk [tilespmem:v0+s20+$0x0 ss:$0x1], $0xffff;
	[tilespmem:s21+$0x20] =	vst v6;
	s21 =	sadd.s32 $0x200, s21  }
0x54: {  	v2 =	vld.idx.msk [tilespmem:v0+s20+$0x10 ss:$0x1], $0xffff;
	[tilespmem:s21+$0x30] =	vst v7  }
0x55: {  	[tilespmem:s21+$0xFFFFFFC0] =	vst v8;
	v6 =	vld.idx.msk [tilespmem:v0+s20+$0x20 ss:$0x1], $0xffff;
	s20 =	sshra.s32 s22, $0x2;
	s22 =	sadd.s32 $0x200, s22  }
0x56: {  	_ =	sdelay $0x2  }
0x57: {  	[tilespmem:s21+$0xFFFFFFD0] =	vst v5  }
0x58: {  	v56 =	vld.idx.msk [tilespmem:v0+s20+$0x30 ss:$0x1], $0xffff;
	[tilespmem:s21+$0xFFFFFFE0] =	vst v4  }
0x59: {  	v57 =	vld.idx.msk [tilespmem:v0+s20+$0xFFFFFFC0 ss:$0x1], $0xffff;
	[tilespmem:s21+$0xFFFFFFF0] =	vst v3  }
0x5a: {  	v58 =	vld.idx.msk [tilespmem:v0+s20+$0xFFFFFFD0 ss:$0x1], $0xffff;
	[tilespmem:s21+$0x0] =	vst v1  }
0x5b: {  	v59 =	vld.idx.msk [tilespmem:v0+s20+$0xFFFFFFE0 ss:$0x1], $0xffff;
	[tilespmem:s21+$0x10] =	vst v2  }
0x5c: {  	v60 =	vld.idx.msk [tilespmem:v0+s20+$0xFFFFFFF0 ss:$0x1], $0xffff;
	s31 =	sadd.s32 $0x200, s21;
	[tilespmem:s21+$0x20] =	vst v6  }
0x5d: {  	v61 =	vld.idx.msk [tilespmem:v0+s20+$0x0 ss:$0x1], $0xffff;
	[tilespmem:s31+$0x30] =	vst v56  }
0x5e: {  	v62 =	vld.idx.msk [tilespmem:v0+s20+$0x10 ss:$0x1], $0xffff;
	s19 =	sadd.s32 $0x1, s19;
	[tilespmem:s31+$0xFFFFFFC0] =	vst v57  }
0x5f: {  	v63 =	vld.idx.msk [tilespmem:v0+s20+$0x20 ss:$0x1], $0xffff;
	p1 =	sne.s32 s19, $0x4;
	[tilespmem:s31+$0xFFFFFFD0] =	vst v58  }
.Ltmp4:
0x60: {  	[tilespmem:s31+$0xFFFFFFE0] =	vst v59;
	(pc) =	sbr.rel @p1 .LBB1_3-.Ltmp4, $4  }
0x61: {  	[tilespmem:s31+$0xFFFFFFF0] =	vst v60  }
0x62: {  	[tilespmem:s31+$0x0] =	vst v61  }
0x63: {  	[tilespmem:s31+$0x10] =	vst v62  }
0x64: {  	s17 =	sadd.s32 $0x80, s17;
	s18 =	sadd.s32 $0x1000, s18;
	[tilespmem:s31+$0x20] =	vst v63  }
0x65: {  	s15 =	sand.u32 $0x1FFFFFF, s15;
	s14 =	smul.u32 $0x3C000, s14  }
0x66: {  	s17 =	smulhi.u32 $0x2AAAAAB, s15  }
0x67: {  	s13 =	smul.u32 $0x600, s13  }
0x68: {  	s17 =	smul.u32 $0x60, s17  }
.Ltmp5:
0x69: {  	_ = 	snop;
	(pc) =	sbr.rel .LBB1_7-.Ltmp5, $4  }
0x6a: {  	s14 =	sadd.s32 s3, s14;
	s15 =	ssub.s32 s15, s17  }
0x6b: {  	s13 =	sadd.s32 s13, s14;
	s15 =	sshll.u32 s15, $0x4  }
0x6c: {  	s13 =	sadd.s32 s15, s13  }
0x6d: {  	[hbm4b:s13+s7] =	stream.strided.scatter [tilespmem:s16], [sflag:$0x2], $0x4000, s8, s7, $0x38;
	[tilespmem:$0x10000] =	vst v63  }
.LBB1_8:
0x6e: {  	_ =	sfence.sel $0x180000  }
0x6f: {  	s2 =	simm.s32 $0x1;
	[bflag:$0x0] =	sbarrier.arrive $0xFFFF  }
0x70: {  	s31 =	simm.s32 $0x2;
	[sflag:s2] =	ssyncpa.u1 $0x1  }
0x71: {  	[sflag:s31] =	ssyncpa.u1 $0x1  }
0x72: {  	p0 =	sne.s32 s1, $0x0;
	_ =	strace $0x90000047  }
0x73: {  	s0 =	sadd.s32 @!p0 $0x100000, s0;
	[bflag:$0x2] =	sbarrier.arrive $0xFFFF  }
0x74: {  	[sflag:s0] =	ssyncadd.tile.s32 @!p0 $0x1;
	_ =	shalt  }
.Lfunc_end1:
_tile_overlayer_lowered:
.L_overlay_start_2:
0x75: {  	(tag) =	ssettag $0x2  }
0x76: {  	s0 =	rddreg [dreg:$0x0];
	s2 =	stileid.u32  }
0x77: {  	s1 =	rddreg [dreg:$0x1];
	p0 =	sne.s32 s2, $0x0  }
0x78: {  	s3 =	rddreg [dreg:$0x2];
	[bflag:$0x3] =	sbarrier.arrive $0xFFFF;
	s2 =	simm.s32 @!p0 $0x1C01  }
0x79: {  	[timem:s3], [sflag:s2] =	dma.local @!p0 [hbm:s0], s1  }
0x7a: {  	s0 =	simm.s32 @!p0 $0x1  }
0x7b: {  	_ =	swait.ge @!p0 [sflag:s0], s1  }
0x7c: {  	s1 =	ssub.s32 @!p0 $0x0, s1;
	[sflag:s0] =	ssyncset.done @!p0 $0x0  }
0x7d: {  	[sflag:s0] =	ssyncadd.s32 @!p0 s1  }
0x7e: {  	[bflag:$0x3] =	sbarrier.arrive $0xFFFF  }
0x7f: {  	_ =	shalt  }

</sc_bundles>
